<compile_context>
chip_gen: v7x
topology: tpu7x:2x2x1
jax: 0.10.2.dev20260603
libtpu: 0.0.44.dev20260713+nightly
codegen_flags: <defaults>
</compile_context>

<pallas_src>
import functools

import jax
import jax.numpy as jnp
from jax import lax
from jax.experimental import pallas as pl
from jax.experimental.pallas import tpu as pltpu
from jax.experimental.pallas import tpu_sc as plsc

BAR_VOC = 512
POS_VOC = 128

_VEL_OFF = 0
_DUR_OFF = 32
_BAR_OFF = 96
_POS_OFF = 608
_SMALL_ROWS = 736


def _word_proj_body(w_ref, wp_ref, o_ref):
    w1 = wp_ref[...][0:64, :]
    o_ref[...] = jnp.dot(w_ref[...], w1, preferred_element_type=jnp.float32)


def _word_proj(word_emb, W_proj):
    n_token, d = word_emb.shape
    blk = 10000
    grid = (n_token // blk,)
    return pl.pallas_call(
        _word_proj_body,
        grid=grid,
        in_specs=[
            pl.BlockSpec((blk, d), lambda i: (i, 0)),
            pl.BlockSpec(W_proj.shape, lambda i: (0, 0)),
        ],
        out_specs=pl.BlockSpec((blk, d), lambda i: (i, 0)),
        out_shape=jax.ShapeDtypeStruct((n_token, d), jnp.float32),
    )(word_emb, W_proj)


def _small_proj_body(vel_ref, dur_ref, bar_ref, pos_ref, wp_ref, b_ref, o_ref):
    W = wp_ref[...]
    dot = functools.partial(jnp.dot, preferred_element_type=jnp.float32)
    o_ref[_VEL_OFF:_DUR_OFF, :] = dot(vel_ref[...], W[64:128, :]) + b_ref[...]
    o_ref[_DUR_OFF:_BAR_OFF, :] = dot(dur_ref[...], W[128:192, :])
    o_ref[_BAR_OFF:_POS_OFF, :] = dot(bar_ref[...], W[192:256, :])
    o_ref[_POS_OFF:_SMALL_ROWS, :] = dot(pos_ref[...], W[256:320, :])


def _small_proj(vel_emb, dur_emb, bar_embed, pos_embed, W_proj, b_proj):
    d = vel_emb.shape[1]
    return pl.pallas_call(
        _small_proj_body,
        out_shape=jax.ShapeDtypeStruct((_SMALL_ROWS, d), jnp.float32),
    )(vel_emb, dur_emb, bar_embed, pos_embed, W_proj, b_proj.reshape(1, d))


def _sc_gather_sum(word_proj, small_proj, tok, sml):
    n_token, d = word_proj.shape
    BL = tok.shape[0]
    info = plsc.get_sparse_core_info()
    nw = info.num_cores * info.num_subcores
    per_w = BL // nw
    C = 256
    nk = C // 128
    n_chunks = per_w // C
    assert per_w % C == 0 and BL % (128 * nw) == 0

    mesh = plsc.VectorSubcoreMesh(core_axis_name="c", subcore_axis_name="s")

    @functools.partial(
        pl.kernel,
        out_type=jax.ShapeDtypeStruct((BL, d), jnp.float32),
        mesh=mesh,
        compiler_params=pltpu.CompilerParams(needs_layout_passes=False,
                                             use_tc_tiling_on_sc=False),
        scratch_types=[
            pltpu.VMEM((_SMALL_ROWS, d), jnp.float32),
            pltpu.VMEM((2, nk, 128), jnp.int32),
            pltpu.VMEM((2, C + 16), jnp.int32),
            pltpu.VMEM((2, C, d), jnp.float32),
            pltpu.SemaphoreType.DMA,
            pltpu.SemaphoreType.DMA,
            pltpu.SemaphoreType.DMA,
        ],
    )
    def body(wordp_hbm, smallp_hbm, tok_hbm, sml_hbm,
             out_hbm, small_v, tok_v, sidx_v, rows_v,
             sem_i, sem_g, sem_o):
        wid = lax.axis_index("s") * info.num_cores + lax.axis_index("c")
        base = wid * per_w
        pltpu.sync_copy(smallp_hbm, small_v)

        def issue_idx(g):
            buf = g & 1
            cbase = base + g * C
            for j in range(nk):
                pltpu.async_copy(tok_hbm.at[pl.ds(cbase + j * 128, 128)],
                                 tok_v.at[buf, j], sem_i)
            pltpu.async_copy(sml_hbm.at[pl.ds(cbase, C)],
                             sidx_v.at[buf, pl.ds(0, C)], sem_i)

        def wait_idx(g):
            buf = g & 1
            for j in range(nk):
                pltpu.make_async_copy(tok_hbm.at[pl.ds(0, 128)],
                                      tok_v.at[buf, j], sem_i).wait()
            pltpu.make_async_copy(sml_hbm.at[pl.ds(0, C)],
                                  sidx_v.at[buf, pl.ds(0, C)],
                                  sem_i).wait()

        def issue_gather(g):
            buf = g & 1
            for j in range(nk):
                pltpu.async_copy(wordp_hbm.at[tok_v.at[buf, j]],
                                 rows_v.at[buf, pl.ds(j * 128, 128)], sem_g)

        def wait_gather(g):
            buf = g & 1
            for j in range(nk):
                pltpu.make_async_copy(wordp_hbm.at[pl.ds(0, 128)],
                                      rows_v.at[buf, pl.ds(j * 128, 128)],
                                      sem_g).wait()

        def issue_out(g):
            buf = g & 1
            pltpu.async_copy(rows_v.at[buf],
                             out_hbm.at[pl.ds(base + g * C, C)], sem_o)

        def wait_out(g):
            buf = g & 1
            pltpu.make_async_copy(rows_v.at[buf],
                                  out_hbm.at[pl.ds(0, C)], sem_o).wait()

        issue_idx(0)
        wait_idx(0)
        issue_gather(0)
        issue_idx(1)

        def chunk_body(g, carry):
            buf = g & 1

            @pl.when(g + 1 < n_chunks)
            def _():
                wait_idx(g + 1)

                @pl.when(g >= 1)
                def _():
                    wait_out(g - 1)

                issue_gather(g + 1)

            wait_gather(g)
            bufs = jnp.full((16,), buf, jnp.int32)
            cols = [lax.iota(jnp.int32, 16) + 16 * k for k in range(d // 16)]

            def pos_body(p, c2):
                splat = jnp.full((16,), p, jnp.int32)
                accs = [rows_v[buf, p, pl.ds(16 * k, 16)]
                        for k in range(d // 16)]
                pk = plsc.load_gather(sidx_v, [bufs, splat])
                rows = [
                    (pk & 31) + _VEL_OFF,
                    ((pk >> 5) & 63) + _DUR_OFF,
                    ((pk >> 11) & 511) + _BAR_OFF,
                    (pk >> 20) + _POS_OFF,
                ]
                for r in rows:
                    for k in range(d // 16):
                        accs[k] = accs[k] + plsc.load_gather(small_v,
                                                             [r, cols[k]])
                for k in range(d // 16):
                    rows_v[buf, p, pl.ds(16 * k, 16)] = accs[k]
                return c2

            lax.fori_loop(0, C, pos_body, 0, unroll=16)

            @pl.when(g + 2 < n_chunks)
            def _():
                issue_idx(g + 2)

            issue_out(g)
            return carry

        lax.fori_loop(0, n_chunks, chunk_body, 0)
        wait_out(n_chunks - 2)
        wait_out(n_chunks - 1)

    return body(word_proj, small_proj, tok, sml)


def kernel(token, vel, dur, bar, pos, word_emb, vel_emb, dur_emb, bar_embed,
           pos_embed, W_proj, b_proj):
    B, L = token.shape
    d = word_emb.shape[1]
    BL = B * L

    word_proj = _word_proj(word_emb, W_proj)
    small_proj = _small_proj(vel_emb, dur_emb, bar_embed, pos_embed,
                             W_proj, b_proj)

    tok = token.reshape(BL).astype(jnp.int32)
    sml = (vel.reshape(BL).astype(jnp.int32)
           | (dur.reshape(BL).astype(jnp.int32) << 5)
           | (bar.reshape(BL).astype(jnp.int32) << 11)
           | (pos.reshape(BL).astype(jnp.int32) << 20))

    out = _sc_gather_sum(word_proj, small_proj, tok, sml)
    return out.reshape(B, L, d)

# --- scband reference (transcript-rebuilt; emitter-appended) ---
"""Pipeline reference for scband-mu-midiembedding-85177791414745 (READ-ONLY COPY).

The authoritative reference and input builder live on the scoring server;
editing this copy changes nothing except your own understanding.
"""

import jax, jax.numpy as jnp
import numpy as np

BAR_VOC = 512
POS_VOC = 128

def setup_inputs(seed: int = 0) -> dict:
    key = jax.random.key(seed)
    ks = jax.random.split(key, 12)
    B, L = 1024, 200
    n_token, d = 100000, 64
    token = jax.random.randint(ks[0], (B, L), 0, n_token)
    vel = jax.random.randint(ks[1], (B, L), 0, 32)
    dur = jax.random.randint(ks[2], (B, L), 0, 64)
    bar = jax.random.randint(ks[3], (B, L), 0, BAR_VOC)
    pos = jax.random.randint(ks[4], (B, L), 0, POS_VOC)
    # learned parameters; padding_idx=0 rows zeroed for word/vel/dur tables
    word_emb = (jax.random.normal(ks[5], (n_token, d), dtype=jnp.float32) * 0.02).at[0].set(0.0)
    vel_emb = (jax.random.normal(ks[6], (32, d), dtype=jnp.float32) * 0.02).at[0].set(0.0)
    dur_emb = (jax.random.normal(ks[7], (64, d), dtype=jnp.float32) * 0.02).at[0].set(0.0)
    bar_embed = jax.random.normal(ks[8], (BAR_VOC, d), dtype=jnp.float32) * 0.02
    pos_embed = jax.random.normal(ks[9], (POS_VOC, d), dtype=jnp.float32) * 0.02
    W_proj = jax.random.normal(ks[10], (5 * d, d), dtype=jnp.float32) * 0.02
    b_proj = jnp.zeros((d,), dtype=jnp.float32)
    return {"token": token, "vel": vel, "dur": dur, "bar": bar, "pos": pos,
            "word_emb": word_emb, "vel_emb": vel_emb, "dur_emb": dur_emb,
            "bar_embed": bar_embed, "pos_embed": pos_embed,
            "W_proj": W_proj, "b_proj": b_proj}

def reference(token, vel, dur, bar, pos, word_emb, vel_emb, dur_emb, bar_embed, pos_embed, W_proj, b_proj):
    # cond=False path of MuMIDIEmbedding.forward
    bar_mod = bar - (bar // BAR_VOC) * BAR_VOC
    embeds = jnp.concatenate([
        jnp.take(word_emb, token, axis=0),
        jnp.take(vel_emb, vel, axis=0),
        jnp.take(dur_emb, dur, axis=0),
        jnp.take(bar_embed, bar_mod, axis=0),
        jnp.take(pos_embed, pos, axis=0),
    ], axis=-1)
    return embeds @ W_proj + b_proj

if __name__ == "__main__":
    import jax
    _d = setup_inputs()
    print(jax.jit(kernel)(*tuple(_d.values())))

</pallas_src>

<mosaic_0001>
#map = affine_map<(d0, d1) -> (0, 0)>
#map1 = affine_map<(d0, d1) -> (0)>
module attributes {stable_mosaic.version = 14 : i64} {
  func.func @body(%arg0: i32, %arg1: i32, %arg2: memref<100000x64xf32, #tpu.memory_space<hbm>>, %arg3: memref<736x64xf32, #tpu.memory_space<hbm>>, %arg4: memref<204800xi32, #tpu.memory_space<hbm>>, %arg5: memref<204800xi32, #tpu.memory_space<hbm>>, %arg6: memref<204800x64xf32, #tpu.memory_space<hbm>>, %arg7: memref<736x64xf32, #tpu.memory_space<vmem>>, %arg8: memref<2x2x128xi32, #tpu.memory_space<vmem>>, %arg9: memref<2x272xi32, #tpu.memory_space<vmem>>, %arg10: memref<2x256x64xf32, #tpu.memory_space<vmem>>, %arg11: memref<!tpu.dma_semaphore, #tpu.memory_space<semaphore_mem>>, %arg12: memref<!tpu.dma_semaphore, #tpu.memory_space<semaphore_mem>>, %arg13: memref<!tpu.dma_semaphore, #tpu.memory_space<semaphore_mem>>) attributes {dimension_semantics = [#tpu.dimension_semantics<core_parallel>, #tpu.dimension_semantics<subcore_parallel>], iteration_bounds = array<i64: 2, 16>, scalar_prefetch = 0 : i64, scratch_operands = 7 : i64, tpu.core_type = #tpu.core_type<sc_vector_subcore>, window_params = [{transform_indices = #map}, {transform_indices = #map}, {transform_indices = #map1}, {transform_indices = #map1}, {transform_indices = #map}]} {
    %mul3A = arith.constant 2 : i32
    %mul3A_0 = arith.muli %arg1, %mul3A : i32
    %add3A = arith.addi %mul3A_0, %arg0 : i32
    %mul3A_1 = arith.constant 6400 : i32
    %mul3A_2 = arith.muli %add3A, %mul3A_1 : i32
    "tpu.region"() ({
      %run_scoped3A = tpu.sem_alloc : memref<!tpu.dma_semaphore, #tpu.memory_space<semaphore_mem>>
      tpu.enqueue_dma source(%arg3 : memref<736x64xf32, #tpu.memory_space<hbm>>) target(%arg7 : memref<736x64xf32, #tpu.memory_space<vmem>>) target_semaphore(%run_scoped3A : memref<!tpu.dma_semaphore, #tpu.memory_space<semaphore_mem>>)
      tpu.wait_dma2 semaphore(%run_scoped3A : memref<!tpu.dma_semaphore, #tpu.memory_space<semaphore_mem>>) src(%arg3 : memref<736x64xf32, #tpu.memory_space<hbm>>) dst(%arg7 : memref<736x64xf32, #tpu.memory_space<vmem>>)
      tpu.yield
    }) : () -> ()
    %add3A_3 = arith.constant 0 : i32
    %add3A_4 = arith.addi %mul3A_2, %add3A_3 : i32
    %add3A_5 = arith.constant 0 : i32
    %add3A_6 = arith.addi %add3A_4, %add3A_5 : i32
    %dma_start3A = arith.constant 0 : i32
    %dma_start3A_7 = arith.constant 0 : i32
    %dma_start3A_8 = arith.constant 0 : i32
    %dma_start3A_9 = tpu.memref_slice %arg8[%dma_start3A, %dma_start3A_7, %dma_start3A_8] : memref<2x2x128xi32, #tpu.memory_space<vmem>> -> memref<1x1x128xi32, #tpu.memory_space<vmem>>
    %dma_start3A_10 = tpu.memref_squeeze %dma_start3A_9 : memref<1x1x128xi32, #tpu.memory_space<vmem>> -> memref<128xi32, #tpu.memory_space<vmem>>
    %dma_start3A_11 = tpu.memref_slice %arg4[%add3A_6] : memref<204800xi32, #tpu.memory_space<hbm>> -> memref<128xi32, #tpu.memory_space<hbm>>
    %dma_start3A_12 = arith.constant 0 : i32
    %dma_start3A_13 = tpu.memref_slice %arg8[%dma_start3A, %dma_start3A_7, %dma_start3A_12] : memref<2x2x128xi32, #tpu.memory_space<vmem>> -> memref<1x1x128xi32, #tpu.memory_space<vmem>>
    %dma_start3A_14 = tpu.memref_squeeze %dma_start3A_13 : memref<1x1x128xi32, #tpu.memory_space<vmem>> -> memref<128xi32, #tpu.memory_space<vmem>>
    %dma_start3A_15 = tpu.memref_slice %arg4[%add3A_6] : memref<204800xi32, #tpu.memory_space<hbm>> -> memref<128xi32, #tpu.memory_space<hbm>>
    tpu.enqueue_dma source(%dma_start3A_15 : memref<128xi32, #tpu.memory_space<hbm>>) target(%dma_start3A_14 : memref<128xi32, #tpu.memory_space<vmem>>) target_semaphore(%arg11 : memref<!tpu.dma_semaphore, #tpu.memory_space<semaphore_mem>>)
    %add3A_16 = arith.constant 128 : i32
    %add3A_17 = arith.addi %add3A_4, %add3A_16 : i32
    %dma_start3A_18 = arith.constant 0 : i32
    %dma_start3A_19 = arith.constant 1 : i32
    %dma_start3A_20 = arith.constant 0 : i32
    %dma_start3A_21 = tpu.memref_slice %arg8[%dma_start3A_18, %dma_start3A_19, %dma_start3A_20] : memref<2x2x128xi32, #tpu.memory_space<vmem>> -> memref<1x1x128xi32, #tpu.memory_space<vmem>>
    %dma_start3A_22 = tpu.memref_squeeze %dma_start3A_21 : memref<1x1x128xi32, #tpu.memory_space<vmem>> -> memref<128xi32, #tpu.memory_space<vmem>>
    %dma_start3A_23 = tpu.memref_slice %arg4[%add3A_17] : memref<204800xi32, #tpu.memory_space<hbm>> -> memref<128xi32, #tpu.memory_space<hbm>>
    %dma_start3A_24 = arith.constant 0 : i32
    %dma_start3A_25 = tpu.memref_slice %arg8[%dma_start3A_18, %dma_start3A_19, %dma_start3A_24] : memref<2x2x128xi32, #tpu.memory_space<vmem>> -> memref<1x1x128xi32, #tpu.memory_space<vmem>>
    %dma_start3A_26 = tpu.memref_squeeze %dma_start3A_25 : memref<1x1x128xi32, #tpu.memory_space<vmem>> -> memref<128xi32, #tpu.memory_space<vmem>>
    %dma_start3A_27 = tpu.memref_slice %arg4[%add3A_17] : memref<204800xi32, #tpu.memory_space<hbm>> -> memref<128xi32, #tpu.memory_space<hbm>>
    tpu.enqueue_dma source(%dma_start3A_27 : memref<128xi32, #tpu.memory_space<hbm>>) target(%dma_start3A_26 : memref<128xi32, #tpu.memory_space<vmem>>) target_semaphore(%arg11 : memref<!tpu.dma_semaphore, #tpu.memory_space<semaphore_mem>>)
    %dma_start3A_28 = arith.constant 0 : i32
    %dma_start3A_29 = arith.constant 0 : i32
    %dma_start3A_30 = tpu.memref_slice %arg9[%dma_start3A_28, %dma_start3A_29] : memref<2x272xi32, #tpu.memory_space<vmem>> -> memref<1x256xi32, #tpu.memory_space<vmem>>
    %dma_start3A_31 = tpu.memref_squeeze %dma_start3A_30 : memref<1x256xi32, #tpu.memory_space<vmem>> -> memref<256xi32, #tpu.memory_space<vmem>>
    %dma_start3A_32 = tpu.memref_slice %arg5[%add3A_4] : memref<204800xi32, #tpu.memory_space<hbm>> -> memref<256xi32, #tpu.memory_space<hbm>>
    %dma_start3A_33 = arith.constant 0 : i32
    %dma_start3A_34 = tpu.memref_slice %arg9[%dma_start3A_28, %dma_start3A_33] : memref<2x272xi32, #tpu.memory_space<vmem>> -> memref<1x256xi32, #tpu.memory_space<vmem>>
    %dma_start3A_35 = tpu.memref_squeeze %dma_start3A_34 : memref<1x256xi32, #tpu.memory_space<vmem>> -> memref<256xi32, #tpu.memory_space<vmem>>
    %dma_start3A_36 = tpu.memref_slice %arg5[%add3A_4] : memref<204800xi32, #tpu.memory_space<hbm>> -> memref<256xi32, #tpu.memory_space<hbm>>
    tpu.enqueue_dma source(%dma_start3A_36 : memref<256xi32, #tpu.memory_space<hbm>>) target(%dma_start3A_35 : memref<256xi32, #tpu.memory_space<vmem>>) target_semaphore(%arg11 : memref<!tpu.dma_semaphore, #tpu.memory_space<semaphore_mem>>)
    %dma_wait3A = arith.constant 0 : i32
    %dma_wait3A_37 = arith.constant 0 : i32
    %dma_wait3A_38 = arith.constant 0 : i32
    %dma_wait3A_39 = tpu.memref_slice %arg8[%dma_wait3A, %dma_wait3A_37, %dma_wait3A_38] : memref<2x2x128xi32, #tpu.memory_space<vmem>> -> memref<1x1x128xi32, #tpu.memory_space<vmem>>
    %dma_wait3A_40 = tpu.memref_squeeze %dma_wait3A_39 : memref<1x1x128xi32, #tpu.memory_space<vmem>> -> memref<128xi32, #tpu.memory_space<vmem>>
    %dma_wait3A_41 = arith.constant 0 : i32
    %dma_wait3A_42 = tpu.memref_slice %arg4[%dma_wait3A_41] : memref<204800xi32, #tpu.memory_space<hbm>> -> memref<128xi32, #tpu.memory_space<hbm>>
    %dma_wait3A_43 = arith.constant 0 : i32
    %dma_wait3A_44 = tpu.memref_slice %arg8[%dma_wait3A, %dma_wait3A_37, %dma_wait3A_43] : memref<2x2x128xi32, #tpu.memory_space<vmem>> -> memref<1x1x128xi32, #tpu.memory_space<vmem>>
    %dma_wait3A_45 = tpu.memref_squeeze %dma_wait3A_44 : memref<1x1x128xi32, #tpu.memory_space<vmem>> -> memref<128xi32, #tpu.memory_space<vmem>>
    %dma_wait3A_46 = arith.constant 0 : i32
    %dma_wait3A_47 = tpu.memref_slice %arg4[%dma_wait3A_46] : memref<204800xi32, #tpu.memory_space<hbm>> -> memref<128xi32, #tpu.memory_space<hbm>>
    tpu.wait_dma2 semaphore(%arg11 : memref<!tpu.dma_semaphore, #tpu.memory_space<semaphore_mem>>) src(%dma_wait3A_47 : memref<128xi32, #tpu.memory_space<hbm>>) dst(%dma_wait3A_45 : memref<128xi32, #tpu.memory_space<vmem>>)
    %dma_wait3A_48 = arith.constant 0 : i32
    %dma_wait3A_49 = arith.constant 1 : i32
    %dma_wait3A_50 = arith.constant 0 : i32
    %dma_wait3A_51 = tpu.memref_slice %arg8[%dma_wait3A_48, %dma_wait3A_49, %dma_wait3A_50] : memref<2x2x128xi32, #tpu.memory_space<vmem>> -> memref<1x1x128xi32, #tpu.memory_space<vmem>>
    %dma_wait3A_52 = tpu.memref_squeeze %dma_wait3A_51 : memref<1x1x128xi32, #tpu.memory_space<vmem>> -> memref<128xi32, #tpu.memory_space<vmem>>
    %dma_wait3A_53 = arith.constant 0 : i32
    %dma_wait3A_54 = tpu.memref_slice %arg4[%dma_wait3A_53] : memref<204800xi32, #tpu.memory_space<hbm>> -> memref<128xi32, #tpu.memory_space<hbm>>
    %dma_wait3A_55 = arith.constant 0 : i32
    %dma_wait3A_56 = tpu.memref_slice %arg8[%dma_wait3A_48, %dma_wait3A_49, %dma_wait3A_55] : memref<2x2x128xi32, #tpu.memory_space<vmem>> -> memref<1x1x128xi32, #tpu.memory_space<vmem>>
    %dma_wait3A_57 = tpu.memref_squeeze %dma_wait3A_56 : memref<1x1x128xi32, #tpu.memory_space<vmem>> -> memref<128xi32, #tpu.memory_space<vmem>>
    %dma_wait3A_58 = arith.constant 0 : i32
    %dma_wait3A_59 = tpu.memref_slice %arg4[%dma_wait3A_58] : memref<204800xi32, #tpu.memory_space<hbm>> -> memref<128xi32, #tpu.memory_space<hbm>>
    tpu.wait_dma2 semaphore(%arg11 : memref<!tpu.dma_semaphore, #tpu.memory_space<semaphore_mem>>) src(%dma_wait3A_59 : memref<128xi32, #tpu.memory_space<hbm>>) dst(%dma_wait3A_57 : memref<128xi32, #tpu.memory_space<vmem>>)
    %dma_wait3A_60 = arith.constant 0 : i32
    %dma_wait3A_61 = arith.constant 0 : i32
    %dma_wait3A_62 = tpu.memref_slice %arg9[%dma_wait3A_60, %dma_wait3A_61] : memref<2x272xi32, #tpu.memory_space<vmem>> -> memref<1x256xi32, #tpu.memory_space<vmem>>
    %dma_wait3A_63 = tpu.memref_squeeze %dma_wait3A_62 : memref<1x256xi32, #tpu.memory_space<vmem>> -> memref<256xi32, #tpu.memory_space<vmem>>
    %dma_wait3A_64 = arith.constant 0 : i32
    %dma_wait3A_65 = tpu.memref_slice %arg5[%dma_wait3A_64] : memref<204800xi32, #tpu.memory_space<hbm>> -> memref<256xi32, #tpu.memory_space<hbm>>
    %dma_wait3A_66 = arith.constant 0 : i32
    %dma_wait3A_67 = tpu.memref_slice %arg9[%dma_wait3A_60, %dma_wait3A_66] : memref<2x272xi32, #tpu.memory_space<vmem>> -> memref<1x256xi32, #tpu.memory_space<vmem>>
    %dma_wait3A_68 = tpu.memref_squeeze %dma_wait3A_67 : memref<1x256xi32, #tpu.memory_space<vmem>> -> memref<256xi32, #tpu.memory_space<vmem>>
    %dma_wait3A_69 = arith.constant 0 : i32
    %dma_wait3A_70 = tpu.memref_slice %arg5[%dma_wait3A_69] : memref<204800xi32, #tpu.memory_space<hbm>> -> memref<256xi32, #tpu.memory_space<hbm>>
    tpu.wait_dma2 semaphore(%arg11 : memref<!tpu.dma_semaphore, #tpu.memory_space<semaphore_mem>>) src(%dma_wait3A_70 : memref<256xi32, #tpu.memory_space<hbm>>) dst(%dma_wait3A_68 : memref<256xi32, #tpu.memory_space<vmem>>)
    %dma_start3A_71 = arith.constant 0 : i32
    %dma_start3A_72 = arith.constant 0 : i32
    %dma_start3A_73 = arith.constant 0 : i32
    %dma_start3A_74 = arith.constant 0 : i32
    %dma_start3A_75 = arith.constant 0 : i32
    %dma_start3A_76 = tpu.memref_slice %arg10[%dma_start3A_73, %dma_start3A_74, %dma_start3A_75] : memref<2x256x64xf32, #tpu.memory_space<vmem>> -> memref<1x128x64xf32, #tpu.memory_space<vmem>>
    %dma_start3A_77 = tpu.memref_squeeze %dma_start3A_76 : memref<1x128x64xf32, #tpu.memory_space<vmem>> -> memref<128x64xf32, #tpu.memory_space<vmem>>
    %dma_start3A_78 = arith.constant 0 : i32
    %dma_start3A_79 = tpu.memref_slice %arg8[%dma_start3A_71, %dma_start3A_72, %dma_start3A_78] : memref<2x2x128xi32, #tpu.memory_space<vmem>> -> memref<1x1x128xi32, #tpu.memory_space<vmem>>
    %dma_start3A_80 = tpu.memref_squeeze %dma_start3A_79 : memref<1x1x128xi32, #tpu.memory_space<vmem>> -> memref<128xi32, #tpu.memory_space<vmem>>
    %dma_start3A_81 = arith.constant 0 : i32
    %dma_start3A_82 = arith.constant 0 : i32
    %dma_start3A_83 = tpu.memref_slice %arg2[%dma_start3A_81, %dma_start3A_82] : memref<100000x64xf32, #tpu.memory_space<hbm>> -> memref<100000x64xf32, #tpu.memory_space<hbm>>
    tpu.enqueue_indirect_dma source(%dma_start3A_83 : memref<100000x64xf32, #tpu.memory_space<hbm>>) target(%dma_start3A_77 : memref<128x64xf32, #tpu.memory_space<vmem>>) offsets(%dma_start3A_80 : memref<128xi32, #tpu.memory_space<vmem>>) semaphore(%arg12 : memref<!tpu.dma_semaphore, #tpu.memory_space<semaphore_mem>>)
    %dma_start3A_84 = arith.constant 0 : i32
    %dma_start3A_85 = arith.constant 1 : i32
    %dma_start3A_86 = arith.constant 0 : i32
    %dma_start3A_87 = arith.constant 128 : i32
    %dma_start3A_88 = arith.constant 0 : i32
    %dma_start3A_89 = tpu.memref_slice %arg10[%dma_start3A_86, %dma_start3A_87, %dma_start3A_88] : memref<2x256x64xf32, #tpu.memory_space<vmem>> -> memref<1x128x64xf32, #tpu.memory_space<vmem>>
    %dma_start3A_90 = tpu.memref_squeeze %dma_start3A_89 : memref<1x128x64xf32, #tpu.memory_space<vmem>> -> memref<128x64xf32, #tpu.memory_space<vmem>>
    %dma_start3A_91 = arith.constant 0 : i32
    %dma_start3A_92 = tpu.memref_slice %arg8[%dma_start3A_84, %dma_start3A_85, %dma_start3A_91] : memref<2x2x128xi32, #tpu.memory_space<vmem>> -> memref<1x1x128xi32, #tpu.memory_space<vmem>>
    %dma_start3A_93 = tpu.memref_squeeze %dma_start3A_92 : memref<1x1x128xi32, #tpu.memory_space<vmem>> -> memref<128xi32, #tpu.memory_space<vmem>>
    %dma_start3A_94 = arith.constant 0 : i32
    %dma_start3A_95 = arith.constant 0 : i32
    %dma_start3A_96 = tpu.memref_slice %arg2[%dma_start3A_94, %dma_start3A_95] : memref<100000x64xf32, #tpu.memory_space<hbm>> -> memref<100000x64xf32, #tpu.memory_space<hbm>>
    tpu.enqueue_indirect_dma source(%dma_start3A_96 : memref<100000x64xf32, #tpu.memory_space<hbm>>) target(%dma_start3A_90 : memref<128x64xf32, #tpu.memory_space<vmem>>) offsets(%dma_start3A_93 : memref<128xi32, #tpu.memory_space<vmem>>) semaphore(%arg12 : memref<!tpu.dma_semaphore, #tpu.memory_space<semaphore_mem>>)
    %add3A_97 = arith.constant 256 : i32
    %add3A_98 = arith.addi %mul3A_2, %add3A_97 : i32
    %add3A_99 = arith.constant 0 : i32
    %add3A_100 = arith.addi %add3A_98, %add3A_99 : i32
    %dma_start3A_101 = arith.constant 1 : i32
    %dma_start3A_102 = arith.constant 0 : i32
    %dma_start3A_103 = arith.constant 0 : i32
    %dma_start3A_104 = tpu.memref_slice %arg8[%dma_start3A_101, %dma_start3A_102, %dma_start3A_103] : memref<2x2x128xi32, #tpu.memory_space<vmem>> -> memref<1x1x128xi32, #tpu.memory_space<vmem>>
    %dma_start3A_105 = tpu.memref_squeeze %dma_start3A_104 : memref<1x1x128xi32, #tpu.memory_space<vmem>> -> memref<128xi32, #tpu.memory_space<vmem>>
    %dma_start3A_106 = tpu.memref_slice %arg4[%add3A_100] : memref<204800xi32, #tpu.memory_space<hbm>> -> memref<128xi32, #tpu.memory_space<hbm>>
    %dma_start3A_107 = arith.constant 0 : i32
    %dma_start3A_108 = tpu.memref_slice %arg8[%dma_start3A_101, %dma_start3A_102, %dma_start3A_107] : memref<2x2x128xi32, #tpu.memory_space<vmem>> -> memref<1x1x128xi32, #tpu.memory_space<vmem>>
    %dma_start3A_109 = tpu.memref_squeeze %dma_start3A_108 : memref<1x1x128xi32, #tpu.memory_space<vmem>> -> memref<128xi32, #tpu.memory_space<vmem>>
    %dma_start3A_110 = tpu.memref_slice %arg4[%add3A_100] : memref<204800xi32, #tpu.memory_space<hbm>> -> memref<128xi32, #tpu.memory_space<hbm>>
    tpu.enqueue_dma source(%dma_start3A_110 : memref<128xi32, #tpu.memory_space<hbm>>) target(%dma_start3A_109 : memref<128xi32, #tpu.memory_space<vmem>>) target_semaphore(%arg11 : memref<!tpu.dma_semaphore, #tpu.memory_space<semaphore_mem>>)
    %add3A_111 = arith.constant 128 : i32
    %add3A_112 = arith.addi %add3A_98, %add3A_111 : i32
    %dma_start3A_113 = arith.constant 1 : i32
    %dma_start3A_114 = arith.constant 1 : i32
    %dma_start3A_115 = arith.constant 0 : i32
    %dma_start3A_116 = tpu.memref_slice %arg8[%dma_start3A_113, %dma_start3A_114, %dma_start3A_115] : memref<2x2x128xi32, #tpu.memory_space<vmem>> -> memref<1x1x128xi32, #tpu.memory_space<vmem>>
    %dma_start3A_117 = tpu.memref_squeeze %dma_start3A_116 : memref<1x1x128xi32, #tpu.memory_space<vmem>> -> memref<128xi32, #tpu.memory_space<vmem>>
    %dma_start3A_118 = tpu.memref_slice %arg4[%add3A_112] : memref<204800xi32, #tpu.memory_space<hbm>> -> memref<128xi32, #tpu.memory_space<hbm>>
    %dma_start3A_119 = arith.constant 0 : i32
    %dma_start3A_120 = tpu.memref_slice %arg8[%dma_start3A_113, %dma_start3A_114, %dma_start3A_119] : memref<2x2x128xi32, #tpu.memory_space<vmem>> -> memref<1x1x128xi32, #tpu.memory_space<vmem>>
    %dma_start3A_121 = tpu.memref_squeeze %dma_start3A_120 : memref<1x1x128xi32, #tpu.memory_space<vmem>> -> memref<128xi32, #tpu.memory_space<vmem>>
    %dma_start3A_122 = tpu.memref_slice %arg4[%add3A_112] : memref<204800xi32, #tpu.memory_space<hbm>> -> memref<128xi32, #tpu.memory_space<hbm>>
    tpu.enqueue_dma source(%dma_start3A_122 : memref<128xi32, #tpu.memory_space<hbm>>) target(%dma_start3A_121 : memref<128xi32, #tpu.memory_space<vmem>>) target_semaphore(%arg11 : memref<!tpu.dma_semaphore, #tpu.memory_space<semaphore_mem>>)
    %dma_start3A_123 = arith.constant 1 : i32
    %dma_start3A_124 = arith.constant 0 : i32
    %dma_start3A_125 = tpu.memref_slice %arg9[%dma_start3A_123, %dma_start3A_124] : memref<2x272xi32, #tpu.memory_space<vmem>> -> memref<1x256xi32, #tpu.memory_space<vmem>>
    %dma_start3A_126 = tpu.memref_squeeze %dma_start3A_125 : memref<1x256xi32, #tpu.memory_space<vmem>> -> memref<256xi32, #tpu.memory_space<vmem>>
    %dma_start3A_127 = tpu.memref_slice %arg5[%add3A_98] : memref<204800xi32, #tpu.memory_space<hbm>> -> memref<256xi32, #tpu.memory_space<hbm>>
    %dma_start3A_128 = arith.constant 0 : i32
    %dma_start3A_129 = tpu.memref_slice %arg9[%dma_start3A_123, %dma_start3A_128] : memref<2x272xi32, #tpu.memory_space<vmem>> -> memref<1x256xi32, #tpu.memory_space<vmem>>
    %dma_start3A_130 = tpu.memref_squeeze %dma_start3A_129 : memref<1x256xi32, #tpu.memory_space<vmem>> -> memref<256xi32, #tpu.memory_space<vmem>>
    %dma_start3A_131 = tpu.memref_slice %arg5[%add3A_98] : memref<204800xi32, #tpu.memory_space<hbm>> -> memref<256xi32, #tpu.memory_space<hbm>>
    tpu.enqueue_dma source(%dma_start3A_131 : memref<256xi32, #tpu.memory_space<hbm>>) target(%dma_start3A_130 : memref<256xi32, #tpu.memory_space<vmem>>) target_semaphore(%arg11 : memref<!tpu.dma_semaphore, #tpu.memory_space<semaphore_mem>>)
    %scan3A = arith.constant 0 : i32
    %scan3A_132 = arith.constant 0 : i32
    %scan3A_133 = arith.constant 25 : i32
    %scan3A_134 = arith.addi %scan3A_132, %scan3A_133 : i32
    %scan3A_135 = arith.constant 1 : i32
    scf.for %scan3A_167 = %scan3A_132 to %scan3A_134 step %scan3A_135  : i32 {
      %and3A = arith.constant 1 : i32
      %and3A_168 = arith.andi %scan3A_167, %and3A : i32
      %add3A_169 = arith.constant 1 : i32
      %add3A_170 = arith.addi %scan3A_167, %add3A_169 : i32
      %lt3A = arith.constant 25 : i32
      %lt3A_171 = arith.cmpi slt, %add3A_170, %lt3A : i32
      %convert_element_type3A = arith.extui %lt3A_171 : i1 to i32
      %cond3A = arith.constant 0 : i32
      %cond3A_172 = arith.cmpi ne, %convert_element_type3A, %cond3A : i32
      scf.if %cond3A_172 {
        %add3A_248 = arith.constant 1 : i32
        %add3A_249 = arith.addi %scan3A_167, %add3A_248 : i32
        %and3A_250 = arith.constant 1 : i32
        %and3A_251 = arith.andi %add3A_249, %and3A_250 : i32
        %dma_wait3A_252 = arith.constant 0 : i32
        %dma_wait3A_253 = arith.constant 0 : i32
        %dma_wait3A_254 = tpu.memref_slice %arg8[%and3A_251, %dma_wait3A_252, %dma_wait3A_253] : memref<2x2x128xi32, #tpu.memory_space<vmem>> -> memref<1x1x128xi32, #tpu.memory_space<vmem>>
        %dma_wait3A_255 = tpu.memref_squeeze %dma_wait3A_254 : memref<1x1x128xi32, #tpu.memory_space<vmem>> -> memref<128xi32, #tpu.memory_space<vmem>>
        %dma_wait3A_256 = arith.constant 0 : i32
        %dma_wait3A_257 = tpu.memref_slice %arg4[%dma_wait3A_256] : memref<204800xi32, #tpu.memory_space<hbm>> -> memref<128xi32, #tpu.memory_space<hbm>>
        %dma_wait3A_258 = arith.constant 0 : i32
        %dma_wait3A_259 = tpu.memref_slice %arg8[%and3A_251, %dma_wait3A_252, %dma_wait3A_258] : memref<2x2x128xi32, #tpu.memory_space<vmem>> -> memref<1x1x128xi32, #tpu.memory_space<vmem>>
        %dma_wait3A_260 = tpu.memref_squeeze %dma_wait3A_259 : memref<1x1x128xi32, #tpu.memory_space<vmem>> -> memref<128xi32, #tpu.memory_space<vmem>>
        %dma_wait3A_261 = arith.constant 0 : i32
        %dma_wait3A_262 = tpu.memref_slice %arg4[%dma_wait3A_261] : memref<204800xi32, #tpu.memory_space<hbm>> -> memref<128xi32, #tpu.memory_space<hbm>>
        tpu.wait_dma2 semaphore(%arg11 : memref<!tpu.dma_semaphore, #tpu.memory_space<semaphore_mem>>) src(%dma_wait3A_262 : memref<128xi32, #tpu.memory_space<hbm>>) dst(%dma_wait3A_260 : memref<128xi32, #tpu.memory_space<vmem>>)
        %dma_wait3A_263 = arith.constant 1 : i32
        %dma_wait3A_264 = arith.constant 0 : i32
        %dma_wait3A_265 = tpu.memref_slice %arg8[%and3A_251, %dma_wait3A_263, %dma_wait3A_264] : memref<2x2x128xi32, #tpu.memory_space<vmem>> -> memref<1x1x128xi32, #tpu.memory_space<vmem>>
        %dma_wait3A_266 = tpu.memref_squeeze %dma_wait3A_265 : memref<1x1x128xi32, #tpu.memory_space<vmem>> -> memref<128xi32, #tpu.memory_space<vmem>>
        %dma_wait3A_267 = arith.constant 0 : i32
        %dma_wait3A_268 = tpu.memref_slice %arg4[%dma_wait3A_267] : memref<204800xi32, #tpu.memory_space<hbm>> -> memref<128xi32, #tpu.memory_space<hbm>>
        %dma_wait3A_269 = arith.constant 0 : i32
        %dma_wait3A_270 = tpu.memref_slice %arg8[%and3A_251, %dma_wait3A_263, %dma_wait3A_269] : memref<2x2x128xi32, #tpu.memory_space<vmem>> -> memref<1x1x128xi32, #tpu.memory_space<vmem>>
        %dma_wait3A_271 = tpu.memref_squeeze %dma_wait3A_270 : memref<1x1x128xi32, #tpu.memory_space<vmem>> -> memref<128xi32, #tpu.memory_space<vmem>>
        %dma_wait3A_272 = arith.constant 0 : i32
        %dma_wait3A_273 = tpu.memref_slice %arg4[%dma_wait3A_272] : memref<204800xi32, #tpu.memory_space<hbm>> -> memref<128xi32, #tpu.memory_space<hbm>>
        tpu.wait_dma2 semaphore(%arg11 : memref<!tpu.dma_semaphore, #tpu.memory_space<semaphore_mem>>) src(%dma_wait3A_273 : memref<128xi32, #tpu.memory_space<hbm>>) dst(%dma_wait3A_271 : memref<128xi32, #tpu.memory_space<vmem>>)
        %dma_wait3A_274 = arith.constant 0 : i32
        %dma_wait3A_275 = tpu.memref_slice %arg9[%and3A_251, %dma_wait3A_274] : memref<2x272xi32, #tpu.memory_space<vmem>> -> memref<1x256xi32, #tpu.memory_space<vmem>>
        %dma_wait3A_276 = tpu.memref_squeeze %dma_wait3A_275 : memref<1x256xi32, #tpu.memory_space<vmem>> -> memref<256xi32, #tpu.memory_space<vmem>>
        %dma_wait3A_277 = arith.constant 0 : i32
        %dma_wait3A_278 = tpu.memref_slice %arg5[%dma_wait3A_277] : memref<204800xi32, #tpu.memory_space<hbm>> -> memref<256xi32, #tpu.memory_space<hbm>>
        %dma_wait3A_279 = arith.constant 0 : i32
        %dma_wait3A_280 = tpu.memref_slice %arg9[%and3A_251, %dma_wait3A_279] : memref<2x272xi32, #tpu.memory_space<vmem>> -> memref<1x256xi32, #tpu.memory_space<vmem>>
        %dma_wait3A_281 = tpu.memref_squeeze %dma_wait3A_280 : memref<1x256xi32, #tpu.memory_space<vmem>> -> memref<256xi32, #tpu.memory_space<vmem>>
        %dma_wait3A_282 = arith.constant 0 : i32
        %dma_wait3A_283 = tpu.memref_slice %arg5[%dma_wait3A_282] : memref<204800xi32, #tpu.memory_space<hbm>> -> memref<256xi32, #tpu.memory_space<hbm>>
        tpu.wait_dma2 semaphore(%arg11 : memref<!tpu.dma_semaphore, #tpu.memory_space<semaphore_mem>>) src(%dma_wait3A_283 : memref<256xi32, #tpu.memory_space<hbm>>) dst(%dma_wait3A_281 : memref<256xi32, #tpu.memory_space<vmem>>)
        %ge3A = arith.constant 1 : i32
        %ge3A_284 = arith.cmpi sge, %scan3A_167, %ge3A : i32
        %convert_element_type3A_285 = arith.extui %ge3A_284 : i1 to i32
        %cond3A_286 = arith.constant 0 : i32
        %cond3A_287 = arith.cmpi ne, %convert_element_type3A_285, %cond3A_286 : i32
        scf.if %cond3A_287 {
          %sub3A = arith.constant 1 : i32
          %sub3A_314 = arith.subi %scan3A_167, %sub3A : i32
          %and3A_315 = arith.constant 1 : i32
          %and3A_316 = arith.andi %sub3A_314, %and3A_315 : i32
          %dma_wait3A_317 = arith.constant 0 : i32
          %dma_wait3A_318 = arith.constant 0 : i32
          %dma_wait3A_319 = tpu.memref_slice %arg10[%and3A_316, %dma_wait3A_317, %dma_wait3A_318] : memref<2x256x64xf32, #tpu.memory_space<vmem>> -> memref<1x256x64xf32, #tpu.memory_space<vmem>>
          %dma_wait3A_320 = tpu.memref_squeeze %dma_wait3A_319 : memref<1x256x64xf32, #tpu.memory_space<vmem>> -> memref<256x64xf32, #tpu.memory_space<vmem>>
          %dma_wait3A_321 = arith.constant 0 : i32
          %dma_wait3A_322 = arith.constant 0 : i32
          %dma_wait3A_323 = tpu.memref_slice %arg6[%dma_wait3A_321, %dma_wait3A_322] : memref<204800x64xf32, #tpu.memory_space<hbm>> -> memref<256x64xf32, #tpu.memory_space<hbm>>
          %dma_wait3A_324 = arith.constant 0 : i32
          %dma_wait3A_325 = arith.constant 0 : i32
          %dma_wait3A_326 = tpu.memref_slice %arg6[%dma_wait3A_324, %dma_wait3A_325] : memref<204800x64xf32, #tpu.memory_space<hbm>> -> memref<256x64xf32, #tpu.memory_space<hbm>>
          %dma_wait3A_327 = arith.constant 0 : i32
          %dma_wait3A_328 = arith.constant 0 : i32
          %dma_wait3A_329 = tpu.memref_slice %arg10[%and3A_316, %dma_wait3A_327, %dma_wait3A_328] : memref<2x256x64xf32, #tpu.memory_space<vmem>> -> memref<1x256x64xf32, #tpu.memory_space<vmem>>
          %dma_wait3A_330 = tpu.memref_squeeze %dma_wait3A_329 : memref<1x256x64xf32, #tpu.memory_space<vmem>> -> memref<256x64xf32, #tpu.memory_space<vmem>>
          tpu.wait_dma2 semaphore(%arg13 : memref<!tpu.dma_semaphore, #tpu.memory_space<semaphore_mem>>) src(%dma_wait3A_330 : memref<256x64xf32, #tpu.memory_space<vmem>>) dst(%dma_wait3A_326 : memref<256x64xf32, #tpu.memory_space<hbm>>)
        } else {
        }
        %add3A_288 = arith.constant 1 : i32
        %add3A_289 = arith.addi %scan3A_167, %add3A_288 : i32
        %and3A_290 = arith.constant 1 : i32
        %and3A_291 = arith.andi %add3A_289, %and3A_290 : i32
        %dma_start3A_292 = arith.constant 0 : i32
        %dma_start3A_293 = arith.constant 0 : i32
        %dma_start3A_294 = arith.constant 0 : i32
        %dma_start3A_295 = tpu.memref_slice %arg10[%and3A_291, %dma_start3A_293, %dma_start3A_294] : memref<2x256x64xf32, #tpu.memory_space<vmem>> -> memref<1x128x64xf32, #tpu.memory_space<vmem>>
        %dma_start3A_296 = tpu.memref_squeeze %dma_start3A_295 : memref<1x128x64xf32, #tpu.memory_space<vmem>> -> memref<128x64xf32, #tpu.memory_space<vmem>>
        %dma_start3A_297 = arith.constant 0 : i32
        %dma_start3A_298 = tpu.memref_slice %arg8[%and3A_291, %dma_start3A_292, %dma_start3A_297] : memref<2x2x128xi32, #tpu.memory_space<vmem>> -> memref<1x1x128xi32, #tpu.memory_space<vmem>>
        %dma_start3A_299 = tpu.memref_squeeze %dma_start3A_298 : memref<1x1x128xi32, #tpu.memory_space<vmem>> -> memref<128xi32, #tpu.memory_space<vmem>>
        %dma_start3A_300 = arith.constant 0 : i32
        %dma_start3A_301 = arith.constant 0 : i32
        %dma_start3A_302 = tpu.memref_slice %arg2[%dma_start3A_300, %dma_start3A_301] : memref<100000x64xf32, #tpu.memory_space<hbm>> -> memref<100000x64xf32, #tpu.memory_space<hbm>>
        tpu.enqueue_indirect_dma source(%dma_start3A_302 : memref<100000x64xf32, #tpu.memory_space<hbm>>) target(%dma_start3A_296 : memref<128x64xf32, #tpu.memory_space<vmem>>) offsets(%dma_start3A_299 : memref<128xi32, #tpu.memory_space<vmem>>) semaphore(%arg12 : memref<!tpu.dma_semaphore, #tpu.memory_space<semaphore_mem>>)
        %dma_start3A_303 = arith.constant 1 : i32
        %dma_start3A_304 = arith.constant 128 : i32
        %dma_start3A_305 = arith.constant 0 : i32
        %dma_start3A_306 = tpu.memref_slice %arg10[%and3A_291, %dma_start3A_304, %dma_start3A_305] : memref<2x256x64xf32, #tpu.memory_space<vmem>> -> memref<1x128x64xf32, #tpu.memory_space<vmem>>
        %dma_start3A_307 = tpu.memref_squeeze %dma_start3A_306 : memref<1x128x64xf32, #tpu.memory_space<vmem>> -> memref<128x64xf32, #tpu.memory_space<vmem>>
        %dma_start3A_308 = arith.constant 0 : i32
        %dma_start3A_309 = tpu.memref_slice %arg8[%and3A_291, %dma_start3A_303, %dma_start3A_308] : memref<2x2x128xi32, #tpu.memory_space<vmem>> -> memref<1x1x128xi32, #tpu.memory_space<vmem>>
        %dma_start3A_310 = tpu.memref_squeeze %dma_start3A_309 : memref<1x1x128xi32, #tpu.memory_space<vmem>> -> memref<128xi32, #tpu.memory_space<vmem>>
        %dma_start3A_311 = arith.constant 0 : i32
        %dma_start3A_312 = arith.constant 0 : i32
        %dma_start3A_313 = tpu.memref_slice %arg2[%dma_start3A_311, %dma_start3A_312] : memref<100000x64xf32, #tpu.memory_space<hbm>> -> memref<100000x64xf32, #tpu.memory_space<hbm>>
        tpu.enqueue_indirect_dma source(%dma_start3A_313 : memref<100000x64xf32, #tpu.memory_space<hbm>>) target(%dma_start3A_307 : memref<128x64xf32, #tpu.memory_space<vmem>>) offsets(%dma_start3A_310 : memref<128xi32, #tpu.memory_space<vmem>>) semaphore(%arg12 : memref<!tpu.dma_semaphore, #tpu.memory_space<semaphore_mem>>)
      } else {
      }
      %and3A_173 = arith.constant 1 : i32
      %and3A_174 = arith.andi %scan3A_167, %and3A_173 : i32
      %dma_wait3A_175 = arith.constant 0 : i32
      %dma_wait3A_176 = arith.constant 0 : i32
      %dma_wait3A_177 = tpu.memref_slice %arg10[%and3A_174, %dma_wait3A_175, %dma_wait3A_176] : memref<2x256x64xf32, #tpu.memory_space<vmem>> -> memref<1x128x64xf32, #tpu.memory_space<vmem>>
      %dma_wait3A_178 = tpu.memref_squeeze %dma_wait3A_177 : memref<1x128x64xf32, #tpu.memory_space<vmem>> -> memref<128x64xf32, #tpu.memory_space<vmem>>
      %dma_wait3A_179 = arith.constant 0 : i32
      %dma_wait3A_180 = arith.constant 0 : i32
      %dma_wait3A_181 = tpu.memref_slice %arg2[%dma_wait3A_179, %dma_wait3A_180] : memref<100000x64xf32, #tpu.memory_space<hbm>> -> memref<128x64xf32, #tpu.memory_space<hbm>>
      %dma_wait3A_182 = arith.constant 0 : i32
      %dma_wait3A_183 = arith.constant 0 : i32
      %dma_wait3A_184 = tpu.memref_slice %arg10[%and3A_174, %dma_wait3A_182, %dma_wait3A_183] : memref<2x256x64xf32, #tpu.memory_space<vmem>> -> memref<1x128x64xf32, #tpu.memory_space<vmem>>
      %dma_wait3A_185 = tpu.memref_squeeze %dma_wait3A_184 : memref<1x128x64xf32, #tpu.memory_space<vmem>> -> memref<128x64xf32, #tpu.memory_space<vmem>>
      %dma_wait3A_186 = arith.constant 0 : i32
      %dma_wait3A_187 = arith.constant 0 : i32
      %dma_wait3A_188 = tpu.memref_slice %arg2[%dma_wait3A_186, %dma_wait3A_187] : memref<100000x64xf32, #tpu.memory_space<hbm>> -> memref<128x64xf32, #tpu.memory_space<hbm>>
      tpu.wait_dma2 semaphore(%arg12 : memref<!tpu.dma_semaphore, #tpu.memory_space<semaphore_mem>>) src(%dma_wait3A_188 : memref<128x64xf32, #tpu.memory_space<hbm>>) dst(%dma_wait3A_185 : memref<128x64xf32, #tpu.memory_space<vmem>>)
      %dma_wait3A_189 = arith.constant 128 : i32
      %dma_wait3A_190 = arith.constant 0 : i32
      %dma_wait3A_191 = tpu.memref_slice %arg10[%and3A_174, %dma_wait3A_189, %dma_wait3A_190] : memref<2x256x64xf32, #tpu.memory_space<vmem>> -> memref<1x128x64xf32, #tpu.memory_space<vmem>>
      %dma_wait3A_192 = tpu.memref_squeeze %dma_wait3A_191 : memref<1x128x64xf32, #tpu.memory_space<vmem>> -> memref<128x64xf32, #tpu.memory_space<vmem>>
      %dma_wait3A_193 = arith.constant 0 : i32
      %dma_wait3A_194 = arith.constant 0 : i32
      %dma_wait3A_195 = tpu.memref_slice %arg2[%dma_wait3A_193, %dma_wait3A_194] : memref<100000x64xf32, #tpu.memory_space<hbm>> -> memref<128x64xf32, #tpu.memory_space<hbm>>
      %dma_wait3A_196 = arith.constant 128 : i32
      %dma_wait3A_197 = arith.constant 0 : i32
      %dma_wait3A_198 = tpu.memref_slice %arg10[%and3A_174, %dma_wait3A_196, %dma_wait3A_197] : memref<2x256x64xf32, #tpu.memory_space<vmem>> -> memref<1x128x64xf32, #tpu.memory_space<vmem>>
      %dma_wait3A_199 = tpu.memref_squeeze %dma_wait3A_198 : memref<1x128x64xf32, #tpu.memory_space<vmem>> -> memref<128x64xf32, #tpu.memory_space<vmem>>
      %dma_wait3A_200 = arith.constant 0 : i32
      %dma_wait3A_201 = arith.constant 0 : i32
      %dma_wait3A_202 = tpu.memref_slice %arg2[%dma_wait3A_200, %dma_wait3A_201] : memref<100000x64xf32, #tpu.memory_space<hbm>> -> memref<128x64xf32, #tpu.memory_space<hbm>>
      tpu.wait_dma2 semaphore(%arg12 : memref<!tpu.dma_semaphore, #tpu.memory_space<semaphore_mem>>) src(%dma_wait3A_202 : memref<128x64xf32, #tpu.memory_space<hbm>>) dst(%dma_wait3A_199 : memref<128x64xf32, #tpu.memory_space<vmem>>)
      %broadcast_in_dim3A = vector.broadcast %and3A_168 : i32 to vector<16xi32>
      %iota3A = tpu.iota {dimensions = array<i32: 0>} : vector<16xi32>
      %add3A_203 = arith.constant 0 : i32
      %add3A_204 = vector.broadcast %add3A_203 : i32 to vector<16xi32>
      %add3A_205 = arith.addi %iota3A, %add3A_204 : vector<16xi32>
      %iota3A_206 = tpu.iota {dimensions = array<i32: 0>} : vector<16xi32>
      %add3A_207 = arith.constant 16 : i32
      %add3A_208 = vector.broadcast %add3A_207 : i32 to vector<16xi32>
      %add3A_209 = arith.addi %iota3A_206, %add3A_208 : vector<16xi32>
      %iota3A_210 = tpu.iota {dimensions = array<i32: 0>} : vector<16xi32>
      %add3A_211 = arith.constant 32 : i32
      %add3A_212 = vector.broadcast %add3A_211 : i32 to vector<16xi32>
      %add3A_213 = arith.addi %iota3A_210, %add3A_212 : vector<16xi32>
      %iota3A_214 = tpu.iota {dimensions = array<i32: 0>} : vector<16xi32>
      %add3A_215 = arith.constant 48 : i32
      %add3A_216 = vector.broadcast %add3A_215 : i32 to vector<16xi32>
      %add3A_217 = arith.addi %iota3A_214, %add3A_216 : vector<16xi32>
      %scan3A_218 = arith.constant 0 : i32
      %scan3A_219 = arith.constant 0 : i32
      %scan3A_220 = arith.constant 256 : i32
      %scan3A_221 = arith.addi %scan3A_219, %scan3A_220 : i32
      %scan3A_222 = arith.constant 16 : i32
      scf.for %scan3A_248 = %scan3A_219 to %scan3A_221 step %scan3A_222  : i32 {
        %broadcast_in_dim3A_249 = vector.broadcast %scan3A_248 : i32 to vector<16xi32>
        %get3A = arith.index_cast %and3A_168 : i32 to index
        %get3A_250 = arith.index_cast %scan3A_248 : i32 to index
        %get3A_251 = arith.constant 0 : index
        %get3A_252 = tpu.vector_load %arg10[%get3A, %get3A_250, %get3A_251] {strides = array<i32>} : memref<2x256x64xf32, #tpu.memory_space<vmem>>, vector<16xf32>,
        %get3A_253 = arith.index_cast %and3A_168 : i32 to index
        %get3A_254 = arith.index_cast %scan3A_248 : i32 to index
        %get3A_255 = arith.constant 16 : index
        %get3A_256 = tpu.vector_load %arg10[%get3A_253, %get3A_254, %get3A_255] {strides = array<i32>} : memref<2x256x64xf32, #tpu.memory_space<vmem>>, vector<16xf32>,
        %get3A_257 = arith.index_cast %and3A_168 : i32 to index
        %get3A_258 = arith.index_cast %scan3A_248 : i32 to index
        %get3A_259 = arith.constant 32 : index
        %get3A_260 = tpu.vector_load %arg10[%get3A_257, %get3A_258, %get3A_259] {strides = array<i32>} : memref<2x256x64xf32, #tpu.memory_space<vmem>>, vector<16xf32>,
        %get3A_261 = arith.index_cast %and3A_168 : i32 to index
        %get3A_262 = arith.index_cast %scan3A_248 : i32 to index
        %get3A_263 = arith.constant 48 : index
        %get3A_264 = tpu.vector_load %arg10[%get3A_261, %get3A_262, %get3A_263] {strides = array<i32>} : memref<2x256x64xf32, #tpu.memory_space<vmem>>, vector<16xf32>,
        %gather3A = tpu.vector_load_idx %arg9[%broadcast_in_dim3A, %broadcast_in_dim3A_249] : memref<2x272xi32, #tpu.memory_space<vmem>>[vector<16xi32>, vector<16xi32>], vector<16xi32>,
        %and3A_265 = arith.constant 31 : i32
        %and3A_266 = vector.broadcast %and3A_265 : i32 to vector<16xi32>
        %and3A_267 = arith.andi %gather3A, %and3A_266 : vector<16xi32>
        %add3A_268 = arith.constant 0 : i32
        %add3A_269 = vector.broadcast %add3A_268 : i32 to vector<16xi32>
        %add3A_270 = arith.addi %and3A_267, %add3A_269 : vector<16xi32>
        %shift_right_arithmetic3A = arith.constant 5 : i32
        %shift_right_arithmetic3A_271 = vector.broadcast %shift_right_arithmetic3A : i32 to vector<16xi32>
        %shift_right_arithmetic3A_272 = arith.shrsi %gather3A, %shift_right_arithmetic3A_271 : vector<16xi32>
        %and3A_273 = arith.constant 63 : i32
        %and3A_274 = vector.broadcast %and3A_273 : i32 to vector<16xi32>
        %and3A_275 = arith.andi %shift_right_arithmetic3A_272, %and3A_274 : vector<16xi32>
        %add3A_276 = arith.constant 32 : i32
        %add3A_277 = vector.broadcast %add3A_276 : i32 to vector<16xi32>
        %add3A_278 = arith.addi %and3A_275, %add3A_277 : vector<16xi32>
        %shift_right_arithmetic3A_279 = arith.constant 11 : i32
        %shift_right_arithmetic3A_280 = vector.broadcast %shift_right_arithmetic3A_279 : i32 to vector<16xi32>
        %shift_right_arithmetic3A_281 = arith.shrsi %gather3A, %shift_right_arithmetic3A_280 : vector<16xi32>
        %and3A_282 = arith.constant 511 : i32
        %and3A_283 = vector.broadcast %and3A_282 : i32 to vector<16xi32>
        %and3A_284 = arith.andi %shift_right_arithmetic3A_281, %and3A_283 : vector<16xi32>
        %add3A_285 = arith.constant 96 : i32
        %add3A_286 = vector.broadcast %add3A_285 : i32 to vector<16xi32>
        %add3A_287 = arith.addi %and3A_284, %add3A_286 : vector<16xi32>
        %shift_right_arithmetic3A_288 = arith.constant 20 : i32
        %shift_right_arithmetic3A_289 = vector.broadcast %shift_right_arithmetic3A_288 : i32 to vector<16xi32>
        %shift_right_arithmetic3A_290 = arith.shrsi %gather3A, %shift_right_arithmetic3A_289 : vector<16xi32>
        %add3A_291 = arith.constant 608 : i32
        %add3A_292 = vector.broadcast %add3A_291 : i32 to vector<16xi32>
        %add3A_293 = arith.addi %shift_right_arithmetic3A_290, %add3A_292 : vector<16xi32>
        %gather3A_294 = tpu.vector_load_idx %arg7[%add3A_270, %add3A_205] : memref<736x64xf32, #tpu.memory_space<vmem>>[vector<16xi32>, vector<16xi32>], vector<16xf32>,
        %add3A_295 = arith.addf %get3A_252, %gather3A_294 : vector<16xf32>
        %gather3A_296 = tpu.vector_load_idx %arg7[%add3A_270, %add3A_209] : memref<736x64xf32, #tpu.memory_space<vmem>>[vector<16xi32>, vector<16xi32>], vector<16xf32>,
        %add3A_297 = arith.addf %get3A_256, %gather3A_296 : vector<16xf32>
        %gather3A_298 = tpu.vector_load_idx %arg7[%add3A_270, %add3A_213] : memref<736x64xf32, #tpu.memory_space<vmem>>[vector<16xi32>, vector<16xi32>], vector<16xf32>,
        %add3A_299 = arith.addf %get3A_260, %gather3A_298 : vector<16xf32>
        %gather3A_300 = tpu.vector_load_idx %arg7[%add3A_270, %add3A_217] : memref<736x64xf32, #tpu.memory_space<vmem>>[vector<16xi32>, vector<16xi32>], vector<16xf32>,
        %add3A_301 = arith.addf %get3A_264, %gather3A_300 : vector<16xf32>
        %gather3A_302 = tpu.vector_load_idx %arg7[%add3A_278, %add3A_205] : memref<736x64xf32, #tpu.memory_space<vmem>>[vector<16xi32>, vector<16xi32>], vector<16xf32>,
        %add3A_303 = arith.addf %add3A_295, %gather3A_302 : vector<16xf32>
        %gather3A_304 = tpu.vector_load_idx %arg7[%add3A_278, %add3A_209] : memref<736x64xf32, #tpu.memory_space<vmem>>[vector<16xi32>, vector<16xi32>], vector<16xf32>,
        %add3A_305 = arith.addf %add3A_297, %gather3A_304 : vector<16xf32>
        %gather3A_306 = tpu.vector_load_idx %arg7[%add3A_278, %add3A_213] : memref<736x64xf32, #tpu.memory_space<vmem>>[vector<16xi32>, vector<16xi32>], vector<16xf32>,
        %add3A_307 = arith.addf %add3A_299, %gather3A_306 : vector<16xf32>
        %gather3A_308 = tpu.vector_load_idx %arg7[%add3A_278, %add3A_217] : memref<736x64xf32, #tpu.memory_space<vmem>>[vector<16xi32>, vector<16xi32>], vector<16xf32>,
        %add3A_309 = arith.addf %add3A_301, %gather3A_308 : vector<16xf32>
        %gather3A_310 = tpu.vector_load_idx %arg7[%add3A_287, %add3A_205] : memref<736x64xf32, #tpu.memory_space<vmem>>[vector<16xi32>, vector<16xi32>], vector<16xf32>,
        %add3A_311 = arith.addf %add3A_303, %gather3A_310 : vector<16xf32>
        %gather3A_312 = tpu.vector_load_idx %arg7[%add3A_287, %add3A_209] : memref<736x64xf32, #tpu.memory_space<vmem>>[vector<16xi32>, vector<16xi32>], vector<16xf32>,
        %add3A_313 = arith.addf %add3A_305, %gather3A_312 : vector<16xf32>
        %gather3A_314 = tpu.vector_load_idx %arg7[%add3A_287, %add3A_213] : memref<736x64xf32, #tpu.memory_space<vmem>>[vector<16xi32>, vector<16xi32>], vector<16xf32>,
        %add3A_315 = arith.addf %add3A_307, %gather3A_314 : vector<16xf32>
        %gather3A_316 = tpu.vector_load_idx %arg7[%add3A_287, %add3A_217] : memref<736x64xf32, #tpu.memory_space<vmem>>[vector<16xi32>, vector<16xi32>], vector<16xf32>,
        %add3A_317 = arith.addf %add3A_309, %gather3A_316 : vector<16xf32>
        %gather3A_318 = tpu.vector_load_idx %arg7[%add3A_293, %add3A_205] : memref<736x64xf32, #tpu.memory_space<vmem>>[vector<16xi32>, vector<16xi32>], vector<16xf32>,
        %add3A_319 = arith.addf %add3A_311, %gather3A_318 : vector<16xf32>
        %gather3A_320 = tpu.vector_load_idx %arg7[%add3A_293, %add3A_209] : memref<736x64xf32, #tpu.memory_space<vmem>>[vector<16xi32>, vector<16xi32>], vector<16xf32>,
        %add3A_321 = arith.addf %add3A_313, %gather3A_320 : vector<16xf32>
        %gather3A_322 = tpu.vector_load_idx %arg7[%add3A_293, %add3A_213] : memref<736x64xf32, #tpu.memory_space<vmem>>[vector<16xi32>, vector<16xi32>], vector<16xf32>,
        %add3A_323 = arith.addf %add3A_315, %gather3A_322 : vector<16xf32>
        %gather3A_324 = tpu.vector_load_idx %arg7[%add3A_293, %add3A_217] : memref<736x64xf32, #tpu.memory_space<vmem>>[vector<16xi32>, vector<16xi32>], vector<16xf32>,
        %add3A_325 = arith.addf %add3A_317, %gather3A_324 : vector<16xf32>
        %swap3A = arith.index_cast %and3A_168 : i32 to index
        %swap3A_326 = arith.index_cast %scan3A_248 : i32 to index
        %swap3A_327 = arith.constant 0 : index
        %swap3A_328 = tpu.vector_load %arg10[%swap3A, %swap3A_326, %swap3A_327] {strides = array<i32>} : memref<2x256x64xf32, #tpu.memory_space<vmem>>, vector<16xf32>,
        tpu.vector_store %arg10[%swap3A, %swap3A_326, %swap3A_327], %add3A_319 {strides = array<i32>} : memref<2x256x64xf32, #tpu.memory_space<vmem>>, vector<16xf32>,
        %swap3A_329 = arith.index_cast %and3A_168 : i32 to index
        %swap3A_330 = arith.index_cast %scan3A_248 : i32 to index
        %swap3A_331 = arith.constant 16 : index
        %swap3A_332 = tpu.vector_load %arg10[%swap3A_329, %swap3A_330, %swap3A_331] {strides = array<i32>} : memref<2x256x64xf32, #tpu.memory_space<vmem>>, vector<16xf32>,
        tpu.vector_store %arg10[%swap3A_329, %swap3A_330, %swap3A_331], %add3A_321 {strides = array<i32>} : memref<2x256x64xf32, #tpu.memory_space<vmem>>, vector<16xf32>,
        %swap3A_333 = arith.index_cast %and3A_168 : i32 to index
        %swap3A_334 = arith.index_cast %scan3A_248 : i32 to index
        %swap3A_335 = arith.constant 32 : index
        %swap3A_336 = tpu.vector_load %arg10[%swap3A_333, %swap3A_334, %swap3A_335] {strides = array<i32>} : memref<2x256x64xf32, #tpu.memory_space<vmem>>, vector<16xf32>,
        tpu.vector_store %arg10[%swap3A_333, %swap3A_334, %swap3A_335], %add3A_323 {strides = array<i32>} : memref<2x256x64xf32, #tpu.memory_space<vmem>>, vector<16xf32>,
        %swap3A_337 = arith.index_cast %and3A_168 : i32 to index
        %swap3A_338 = arith.index_cast %scan3A_248 : i32 to index
        %swap3A_339 = arith.constant 48 : index
        %swap3A_340 = tpu.vector_load %arg10[%swap3A_337, %swap3A_338, %swap3A_339] {strides = array<i32>} : memref<2x256x64xf32, #tpu.memory_space<vmem>>, vector<16xf32>,
        tpu.vector_store %arg10[%swap3A_337, %swap3A_338, %swap3A_339], %add3A_325 {strides = array<i32>} : memref<2x256x64xf32, #tpu.memory_space<vmem>>, vector<16xf32>,
        %scan3A_341 = arith.constant 1 : i32
        %scan3A_342 = arith.addi %scan3A_248, %scan3A_341 : i32
        %broadcast_in_dim3A_343 = vector.broadcast %scan3A_342 : i32 to vector<16xi32>
        %get3A_344 = arith.index_cast %and3A_168 : i32 to index
        %get3A_345 = arith.index_cast %scan3A_342 : i32 to index
        %get3A_346 = arith.constant 0 : index
        %get3A_347 = tpu.vector_load %arg10[%get3A_344, %get3A_345, %get3A_346] {strides = array<i32>} : memref<2x256x64xf32, #tpu.memory_space<vmem>>, vector<16xf32>,
        %get3A_348 = arith.index_cast %and3A_168 : i32 to index
        %get3A_349 = arith.index_cast %scan3A_342 : i32 to index
        %get3A_350 = arith.constant 16 : index
        %get3A_351 = tpu.vector_load %arg10[%get3A_348, %get3A_349, %get3A_350] {strides = array<i32>} : memref<2x256x64xf32, #tpu.memory_space<vmem>>, vector<16xf32>,
        %get3A_352 = arith.index_cast %and3A_168 : i32 to index
        %get3A_353 = arith.index_cast %scan3A_342 : i32 to index
        %get3A_354 = arith.constant 32 : index
        %get3A_355 = tpu.vector_load %arg10[%get3A_352, %get3A_353, %get3A_354] {strides = array<i32>} : memref<2x256x64xf32, #tpu.memory_space<vmem>>, vector<16xf32>,
        %get3A_356 = arith.index_cast %and3A_168 : i32 to index
        %get3A_357 = arith.index_cast %scan3A_342 : i32 to index
        %get3A_358 = arith.constant 48 : index
        %get3A_359 = tpu.vector_load %arg10[%get3A_356, %get3A_357, %get3A_358] {strides = array<i32>} : memref<2x256x64xf32, #tpu.memory_space<vmem>>, vector<16xf32>,
        %gather3A_360 = tpu.vector_load_idx %arg9[%broadcast_in_dim3A, %broadcast_in_dim3A_343] : memref<2x272xi32, #tpu.memory_space<vmem>>[vector<16xi32>, vector<16xi32>], vector<16xi32>,
        %and3A_361 = arith.constant 31 : i32
        %and3A_362 = vector.broadcast %and3A_361 : i32 to vector<16xi32>
        %and3A_363 = arith.andi %gather3A_360, %and3A_362 : vector<16xi32>
        %add3A_364 = arith.constant 0 : i32
        %add3A_365 = vector.broadcast %add3A_364 : i32 to vector<16xi32>
        %add3A_366 = arith.addi %and3A_363, %add3A_365 : vector<16xi32>
        %shift_right_arithmetic3A_367 = arith.constant 5 : i32
        %shift_right_arithmetic3A_368 = vector.broadcast %shift_right_arithmetic3A_367 : i32 to vector<16xi32>
        %shift_right_arithmetic3A_369 = arith.shrsi %gather3A_360, %shift_right_arithmetic3A_368 : vector<16xi32>
        %and3A_370 = arith.constant 63 : i32
        %and3A_371 = vector.broadcast %and3A_370 : i32 to vector<16xi32>
        %and3A_372 = arith.andi %shift_right_arithmetic3A_369, %and3A_371 : vector<16xi32>
        %add3A_373 = arith.constant 32 : i32
        %add3A_374 = vector.broadcast %add3A_373 : i32 to vector<16xi32>
        %add3A_375 = arith.addi %and3A_372, %add3A_374 : vector<16xi32>
        %shift_right_arithmetic3A_376 = arith.constant 11 : i32
        %shift_right_arithmetic3A_377 = vector.broadcast %shift_right_arithmetic3A_376 : i32 to vector<16xi32>
        %shift_right_arithmetic3A_378 = arith.shrsi %gather3A_360, %shift_right_arithmetic3A_377 : vector<16xi32>
        %and3A_379 = arith.constant 511 : i32
        %and3A_380 = vector.broadcast %and3A_379 : i32 to vector<16xi32>
        %and3A_381 = arith.andi %shift_right_arithmetic3A_378, %and3A_380 : vector<16xi32>
        %add3A_382 = arith.constant 96 : i32
        %add3A_383 = vector.broadcast %add3A_382 : i32 to vector<16xi32>
        %add3A_384 = arith.addi %and3A_381, %add3A_383 : vector<16xi32>
        %shift_right_arithmetic3A_385 = arith.constant 20 : i32
        %shift_right_arithmetic3A_386 = vector.broadcast %shift_right_arithmetic3A_385 : i32 to vector<16xi32>
        %shift_right_arithmetic3A_387 = arith.shrsi %gather3A_360, %shift_right_arithmetic3A_386 : vector<16xi32>
        %add3A_388 = arith.constant 608 : i32
        %add3A_389 = vector.broadcast %add3A_388 : i32 to vector<16xi32>
        %add3A_390 = arith.addi %shift_right_arithmetic3A_387, %add3A_389 : vector<16xi32>
        %gather3A_391 = tpu.vector_load_idx %arg7[%add3A_366, %add3A_205] : memref<736x64xf32, #tpu.memory_space<vmem>>[vector<16xi32>, vector<16xi32>], vector<16xf32>,
        %add3A_392 = arith.addf %get3A_347, %gather3A_391 : vector<16xf32>
        %gather3A_393 = tpu.vector_load_idx %arg7[%add3A_366, %add3A_209] : memref<736x64xf32, #tpu.memory_space<vmem>>[vector<16xi32>, vector<16xi32>], vector<16xf32>,
        %add3A_394 = arith.addf %get3A_351, %gather3A_393 : vector<16xf32>
        %gather3A_395 = tpu.vector_load_idx %arg7[%add3A_366, %add3A_213] : memref<736x64xf32, #tpu.memory_space<vmem>>[vector<16xi32>, vector<16xi32>], vector<16xf32>,
        %add3A_396 = arith.addf %get3A_355, %gather3A_395 : vector<16xf32>
        %gather3A_397 = tpu.vector_load_idx %arg7[%add3A_366, %add3A_217] : memref<736x64xf32, #tpu.memory_space<vmem>>[vector<16xi32>, vector<16xi32>], vector<16xf32>,
        %add3A_398 = arith.addf %get3A_359, %gather3A_397 : vector<16xf32>
        %gather3A_399 = tpu.vector_load_idx %arg7[%add3A_375, %add3A_205] : memref<736x64xf32, #tpu.memory_space<vmem>>[vector<16xi32>, vector<16xi32>], vector<16xf32>,
        %add3A_400 = arith.addf %add3A_392, %gather3A_399 : vector<16xf32>
        %gather3A_401 = tpu.vector_load_idx %arg7[%add3A_375, %add3A_209] : memref<736x64xf32, #tpu.memory_space<vmem>>[vector<16xi32>, vector<16xi32>], vector<16xf32>,
        %add3A_402 = arith.addf %add3A_394, %gather3A_401 : vector<16xf32>
        %gather3A_403 = tpu.vector_load_idx %arg7[%add3A_375, %add3A_213] : memref<736x64xf32, #tpu.memory_space<vmem>>[vector<16xi32>, vector<16xi32>], vector<16xf32>,
        %add3A_404 = arith.addf %add3A_396, %gather3A_403 : vector<16xf32>
        %gather3A_405 = tpu.vector_load_idx %arg7[%add3A_375, %add3A_217] : memref<736x64xf32, #tpu.memory_space<vmem>>[vector<16xi32>, vector<16xi32>], vector<16xf32>,
        %add3A_406 = arith.addf %add3A_398, %gather3A_405 : vector<16xf32>
        %gather3A_407 = tpu.vector_load_idx %arg7[%add3A_384, %add3A_205] : memref<736x64xf32, #tpu.memory_space<vmem>>[vector<16xi32>, vector<16xi32>], vector<16xf32>,
        %add3A_408 = arith.addf %add3A_400, %gather3A_407 : vector<16xf32>
        %gather3A_409 = tpu.vector_load_idx %arg7[%add3A_384, %add3A_209] : memref<736x64xf32, #tpu.memory_space<vmem>>[vector<16xi32>, vector<16xi32>], vector<16xf32>,
        %add3A_410 = arith.addf %add3A_402, %gather3A_409 : vector<16xf32>
        %gather3A_411 = tpu.vector_load_idx %arg7[%add3A_384, %add3A_213] : memref<736x64xf32, #tpu.memory_space<vmem>>[vector<16xi32>, vector<16xi32>], vector<16xf32>,
        %add3A_412 = arith.addf %add3A_404, %gather3A_411 : vector<16xf32>
        %gather3A_413 = tpu.vector_load_idx %arg7[%add3A_384, %add3A_217] : memref<736x64xf32, #tpu.memory_space<vmem>>[vector<16xi32>, vector<16xi32>], vector<16xf32>,
        %add3A_414 = arith.addf %add3A_406, %gather3A_413 : vector<16xf32>
        %gather3A_415 = tpu.vector_load_idx %arg7[%add3A_390, %add3A_205] : memref<736x64xf32, #tpu.memory_space<vmem>>[vector<16xi32>, vector<16xi32>], vector<16xf32>,
        %add3A_416 = arith.addf %add3A_408, %gather3A_415 : vector<16xf32>
        %gather3A_417 = tpu.vector_load_idx %arg7[%add3A_390, %add3A_209] : memref<736x64xf32, #tpu.memory_space<vmem>>[vector<16xi32>, vector<16xi32>], vector<16xf32>,
        %add3A_418 = arith.addf %add3A_410, %gather3A_417 : vector<16xf32>
        %gather3A_419 = tpu.vector_load_idx %arg7[%add3A_390, %add3A_213] : memref<736x64xf32, #tpu.memory_space<vmem>>[vector<16xi32>, vector<16xi32>], vector<16xf32>,
        %add3A_420 = arith.addf %add3A_412, %gather3A_419 : vector<16xf32>
        %gather3A_421 = tpu.vector_load_idx %arg7[%add3A_390, %add3A_217] : memref<736x64xf32, #tpu.memory_space<vmem>>[vector<16xi32>, vector<16xi32>], vector<16xf32>,
        %add3A_422 = arith.addf %add3A_414, %gather3A_421 : vector<16xf32>
        %swap3A_423 = arith.index_cast %and3A_168 : i32 to index
        %swap3A_424 = arith.index_cast %scan3A_342 : i32 to index
        %swap3A_425 = arith.constant 0 : index
        %swap3A_426 = tpu.vector_load %arg10[%swap3A_423, %swap3A_424, %swap3A_425] {strides = array<i32>} : memref<2x256x64xf32, #tpu.memory_space<vmem>>, vector<16xf32>,
        tpu.vector_store %arg10[%swap3A_423, %swap3A_424, %swap3A_425], %add3A_416 {strides = array<i32>} : memref<2x256x64xf32, #tpu.memory_space<vmem>>, vector<16xf32>,
        %swap3A_427 = arith.index_cast %and3A_168 : i32 to index
        %swap3A_428 = arith.index_cast %scan3A_342 : i32 to index
        %swap3A_429 = arith.constant 16 : index
        %swap3A_430 = tpu.vector_load %arg10[%swap3A_427, %swap3A_428, %swap3A_429] {strides = array<i32>} : memref<2x256x64xf32, #tpu.memory_space<vmem>>, vector<16xf32>,
        tpu.vector_store %arg10[%swap3A_427, %swap3A_428, %swap3A_429], %add3A_418 {strides = array<i32>} : memref<2x256x64xf32, #tpu.memory_space<vmem>>, vector<16xf32>,
        %swap3A_431 = arith.index_cast %and3A_168 : i32 to index
        %swap3A_432 = arith.index_cast %scan3A_342 : i32 to index
        %swap3A_433 = arith.constant 32 : index
        %swap3A_434 = tpu.vector_load %arg10[%swap3A_431, %swap3A_432, %swap3A_433] {strides = array<i32>} : memref<2x256x64xf32, #tpu.memory_space<vmem>>, vector<16xf32>,
        tpu.vector_store %arg10[%swap3A_431, %swap3A_432, %swap3A_433], %add3A_420 {strides = array<i32>} : memref<2x256x64xf32, #tpu.memory_space<vmem>>, vector<16xf32>,
        %swap3A_435 = arith.index_cast %and3A_168 : i32 to index
        %swap3A_436 = arith.index_cast %scan3A_342 : i32 to index
        %swap3A_437 = arith.constant 48 : index
        %swap3A_438 = tpu.vector_load %arg10[%swap3A_435, %swap3A_436, %swap3A_437] {strides = array<i32>} : memref<2x256x64xf32, #tpu.memory_space<vmem>>, vector<16xf32>,
        tpu.vector_store %arg10[%swap3A_435, %swap3A_436, %swap3A_437], %add3A_422 {strides = array<i32>} : memref<2x256x64xf32, #tpu.memory_space<vmem>>, vector<16xf32>,
        %scan3A_439 = arith.constant 2 : i32
        %scan3A_440 = arith.addi %scan3A_248, %scan3A_439 : i32
        %broadcast_in_dim3A_441 = vector.broadcast %scan3A_440 : i32 to vector<16xi32>
        %get3A_442 = arith.index_cast %and3A_168 : i32 to index
        %get3A_443 = arith.index_cast %scan3A_440 : i32 to index
        %get3A_444 = arith.constant 0 : index
        %get3A_445 = tpu.vector_load %arg10[%get3A_442, %get3A_443, %get3A_444] {strides = array<i32>} : memref<2x256x64xf32, #tpu.memory_space<vmem>>, vector<16xf32>,
        %get3A_446 = arith.index_cast %and3A_168 : i32 to index
        %get3A_447 = arith.index_cast %scan3A_440 : i32 to index
        %get3A_448 = arith.constant 16 : index
        %get3A_449 = tpu.vector_load %arg10[%get3A_446, %get3A_447, %get3A_448] {strides = array<i32>} : memref<2x256x64xf32, #tpu.memory_space<vmem>>, vector<16xf32>,
        %get3A_450 = arith.index_cast %and3A_168 : i32 to index
        %get3A_451 = arith.index_cast %scan3A_440 : i32 to index
        %get3A_452 = arith.constant 32 : index
        %get3A_453 = tpu.vector_load %arg10[%get3A_450, %get3A_451, %get3A_452] {strides = array<i32>} : memref<2x256x64xf32, #tpu.memory_space<vmem>>, vector<16xf32>,
        %get3A_454 = arith.index_cast %and3A_168 : i32 to index
        %get3A_455 = arith.index_cast %scan3A_440 : i32 to index
        %get3A_456 = arith.constant 48 : index
        %get3A_457 = tpu.vector_load %arg10[%get3A_454, %get3A_455, %get3A_456] {strides = array<i32>} : memref<2x256x64xf32, #tpu.memory_space<vmem>>, vector<16xf32>,
        %gather3A_458 = tpu.vector_load_idx %arg9[%broadcast_in_dim3A, %broadcast_in_dim3A_441] : memref<2x272xi32, #tpu.memory_space<vmem>>[vector<16xi32>, vector<16xi32>], vector<16xi32>,
        %and3A_459 = arith.constant 31 : i32
        %and3A_460 = vector.broadcast %and3A_459 : i32 to vector<16xi32>
        %and3A_461 = arith.andi %gather3A_458, %and3A_460 : vector<16xi32>
        %add3A_462 = arith.constant 0 : i32
        %add3A_463 = vector.broadcast %add3A_462 : i32 to vector<16xi32>
        %add3A_464 = arith.addi %and3A_461, %add3A_463 : vector<16xi32>
        %shift_right_arithmetic3A_465 = arith.constant 5 : i32
        %shift_right_arithmetic3A_466 = vector.broadcast %shift_right_arithmetic3A_465 : i32 to vector<16xi32>
        %shift_right_arithmetic3A_467 = arith.shrsi %gather3A_458, %shift_right_arithmetic3A_466 : vector<16xi32>
        %and3A_468 = arith.constant 63 : i32
        %and3A_469 = vector.broadcast %and3A_468 : i32 to vector<16xi32>
        %and3A_470 = arith.andi %shift_right_arithmetic3A_467, %and3A_469 : vector<16xi32>
        %add3A_471 = arith.constant 32 : i32
        %add3A_472 = vector.broadcast %add3A_471 : i32 to vector<16xi32>
        %add3A_473 = arith.addi %and3A_470, %add3A_472 : vector<16xi32>
        %shift_right_arithmetic3A_474 = arith.constant 11 : i32
        %shift_right_arithmetic3A_475 = vector.broadcast %shift_right_arithmetic3A_474 : i32 to vector<16xi32>
        %shift_right_arithmetic3A_476 = arith.shrsi %gather3A_458, %shift_right_arithmetic3A_475 : vector<16xi32>
        %and3A_477 = arith.constant 511 : i32
        %and3A_478 = vector.broadcast %and3A_477 : i32 to vector<16xi32>
        %and3A_479 = arith.andi %shift_right_arithmetic3A_476, %and3A_478 : vector<16xi32>
        %add3A_480 = arith.constant 96 : i32
        %add3A_481 = vector.broadcast %add3A_480 : i32 to vector<16xi32>
        %add3A_482 = arith.addi %and3A_479, %add3A_481 : vector<16xi32>
        %shift_right_arithmetic3A_483 = arith.constant 20 : i32
        %shift_right_arithmetic3A_484 = vector.broadcast %shift_right_arithmetic3A_483 : i32 to vector<16xi32>
        %shift_right_arithmetic3A_485 = arith.shrsi %gather3A_458, %shift_right_arithmetic3A_484 : vector<16xi32>
        %add3A_486 = arith.constant 608 : i32
        %add3A_487 = vector.broadcast %add3A_486 : i32 to vector<16xi32>
        %add3A_488 = arith.addi %shift_right_arithmetic3A_485, %add3A_487 : vector<16xi32>
        %gather3A_489 = tpu.vector_load_idx %arg7[%add3A_464, %add3A_205] : memref<736x64xf32, #tpu.memory_space<vmem>>[vector<16xi32>, vector<16xi32>], vector<16xf32>,
        %add3A_490 = arith.addf %get3A_445, %gather3A_489 : vector<16xf32>
        %gather3A_491 = tpu.vector_load_idx %arg7[%add3A_464, %add3A_209] : memref<736x64xf32, #tpu.memory_space<vmem>>[vector<16xi32>, vector<16xi32>], vector<16xf32>,
        %add3A_492 = arith.addf %get3A_449, %gather3A_491 : vector<16xf32>
        %gather3A_493 = tpu.vector_load_idx %arg7[%add3A_464, %add3A_213] : memref<736x64xf32, #tpu.memory_space<vmem>>[vector<16xi32>, vector<16xi32>], vector<16xf32>,
        %add3A_494 = arith.addf %get3A_453, %gather3A_493 : vector<16xf32>
        %gather3A_495 = tpu.vector_load_idx %arg7[%add3A_464, %add3A_217] : memref<736x64xf32, #tpu.memory_space<vmem>>[vector<16xi32>, vector<16xi32>], vector<16xf32>,
        %add3A_496 = arith.addf %get3A_457, %gather3A_495 : vector<16xf32>
        %gather3A_497 = tpu.vector_load_idx %arg7[%add3A_473, %add3A_205] : memref<736x64xf32, #tpu.memory_space<vmem>>[vector<16xi32>, vector<16xi32>], vector<16xf32>,
        %add3A_498 = arith.addf %add3A_490, %gather3A_497 : vector<16xf32>
        %gather3A_499 = tpu.vector_load_idx %arg7[%add3A_473, %add3A_209] : memref<736x64xf32, #tpu.memory_space<vmem>>[vector<16xi32>, vector<16xi32>], vector<16xf32>,
        %add3A_500 = arith.addf %add3A_492, %gather3A_499 : vector<16xf32>
        %gather3A_501 = tpu.vector_load_idx %arg7[%add3A_473, %add3A_213] : memref<736x64xf32, #tpu.memory_space<vmem>>[vector<16xi32>, vector<16xi32>], vector<16xf32>,
        %add3A_502 = arith.addf %add3A_494, %gather3A_501 : vector<16xf32>
        %gather3A_503 = tpu.vector_load_idx %arg7[%add3A_473, %add3A_217] : memref<736x64xf32, #tpu.memory_space<vmem>>[vector<16xi32>, vector<16xi32>], vector<16xf32>,
        %add3A_504 = arith.addf %add3A_496, %gather3A_503 : vector<16xf32>
        %gather3A_505 = tpu.vector_load_idx %arg7[%add3A_482, %add3A_205] : memref<736x64xf32, #tpu.memory_space<vmem>>[vector<16xi32>, vector<16xi32>], vector<16xf32>,
        %add3A_506 = arith.addf %add3A_498, %gather3A_505 : vector<16xf32>
        %gather3A_507 = tpu.vector_load_idx %arg7[%add3A_482, %add3A_209] : memref<736x64xf32, #tpu.memory_space<vmem>>[vector<16xi32>, vector<16xi32>], vector<16xf32>,
        %add3A_508 = arith.addf %add3A_500, %gather3A_507 : vector<16xf32>
        %gather3A_509 = tpu.vector_load_idx %arg7[%add3A_482, %add3A_213] : memref<736x64xf32, #tpu.memory_space<vmem>>[vector<16xi32>, vector<16xi32>], vector<16xf32>,
        %add3A_510 = arith.addf %add3A_502, %gather3A_509 : vector<16xf32>
        %gather3A_511 = tpu.vector_load_idx %arg7[%add3A_482, %add3A_217] : memref<736x64xf32, #tpu.memory_space<vmem>>[vector<16xi32>, vector<16xi32>], vector<16xf32>,
        %add3A_512 = arith.addf %add3A_504, %gather3A_511 : vector<16xf32>
        %gather3A_513 = tpu.vector_load_idx %arg7[%add3A_488, %add3A_205] : memref<736x64xf32, #tpu.memory_space<vmem>>[vector<16xi32>, vector<16xi32>], vector<16xf32>,
        %add3A_514 = arith.addf %add3A_506, %gather3A_513 : vector<16xf32>
        %gather3A_515 = tpu.vector_load_idx %arg7[%add3A_488, %add3A_209] : memref<736x64xf32, #tpu.memory_space<vmem>>[vector<16xi32>, vector<16xi32>], vector<16xf32>,
        %add3A_516 = arith.addf %add3A_508, %gather3A_515 : vector<16xf32>
        %gather3A_517 = tpu.vector_load_idx %arg7[%add3A_488, %add3A_213] : memref<736x64xf32, #tpu.memory_space<vmem>>[vector<16xi32>, vector<16xi32>], vector<16xf32>,
        %add3A_518 = arith.addf %add3A_510, %gather3A_517 : vector<16xf32>
        %gather3A_519 = tpu.vector_load_idx %arg7[%add3A_488, %add3A_217] : memref<736x64xf32, #tpu.memory_space<vmem>>[vector<16xi32>, vector<16xi32>], vector<16xf32>,
        %add3A_520 = arith.addf %add3A_512, %gather3A_519 : vector<16xf32>
        %swap3A_521 = arith.index_cast %and3A_168 : i32 to index
        %swap3A_522 = arith.index_cast %scan3A_440 : i32 to index
        %swap3A_523 = arith.constant 0 : index
        %swap3A_524 = tpu.vector_load %arg10[%swap3A_521, %swap3A_522, %swap3A_523] {strides = array<i32>} : memref<2x256x64xf32, #tpu.memory_space<vmem>>, vector<16xf32>,
        tpu.vector_store %arg10[%swap3A_521, %swap3A_522, %swap3A_523], %add3A_514 {strides = array<i32>} : memref<2x256x64xf32, #tpu.memory_space<vmem>>, vector<16xf32>,
        %swap3A_525 = arith.index_cast %and3A_168 : i32 to index
        %swap3A_526 = arith.index_cast %scan3A_440 : i32 to index
        %swap3A_527 = arith.constant 16 : index
        %swap3A_528 = tpu.vector_load %arg10[%swap3A_525, %swap3A_526, %swap3A_527] {strides = array<i32>} : memref<2x256x64xf32, #tpu.memory_space<vmem>>, vector<16xf32>,
        tpu.vector_store %arg10[%swap3A_525, %swap3A_526, %swap3A_527], %add3A_516 {strides = array<i32>} : memref<2x256x64xf32, #tpu.memory_space<vmem>>, vector<16xf32>,
        %swap3A_529 = arith.index_cast %and3A_168 : i32 to index
        %swap3A_530 = arith.index_cast %scan3A_440 : i32 to index
        %swap3A_531 = arith.constant 32 : index
        %swap3A_532 = tpu.vector_load %arg10[%swap3A_529, %swap3A_530, %swap3A_531] {strides = array<i32>} : memref<2x256x64xf32, #tpu.memory_space<vmem>>, vector<16xf32>,
        tpu.vector_store %arg10[%swap3A_529, %swap3A_530, %swap3A_531], %add3A_518 {strides = array<i32>} : memref<2x256x64xf32, #tpu.memory_space<vmem>>, vector<16xf32>,
        %swap3A_533 = arith.index_cast %and3A_168 : i32 to index
        %swap3A_534 = arith.index_cast %scan3A_440 : i32 to index
        %swap3A_535 = arith.constant 48 : index
        %swap3A_536 = tpu.vector_load %arg10[%swap3A_533, %swap3A_534, %swap3A_535] {strides = array<i32>} : memref<2x256x64xf32, #tpu.memory_space<vmem>>, vector<16xf32>,
        tpu.vector_store %arg10[%swap3A_533, %swap3A_534, %swap3A_535], %add3A_520 {strides = array<i32>} : memref<2x256x64xf32, #tpu.memory_space<vmem>>, vector<16xf32>,
        %scan3A_537 = arith.constant 3 : i32
        %scan3A_538 = arith.addi %scan3A_248, %scan3A_537 : i32
        %broadcast_in_dim3A_539 = vector.broadcast %scan3A_538 : i32 to vector<16xi32>
        %get3A_540 = arith.index_cast %and3A_168 : i32 to index
        %get3A_541 = arith.index_cast %scan3A_538 : i32 to index
        %get3A_542 = arith.constant 0 : index
        %get3A_543 = tpu.vector_load %arg10[%get3A_540, %get3A_541, %get3A_542] {strides = array<i32>} : memref<2x256x64xf32, #tpu.memory_space<vmem>>, vector<16xf32>,
        %get3A_544 = arith.index_cast %and3A_168 : i32 to index
        %get3A_545 = arith.index_cast %scan3A_538 : i32 to index
        %get3A_546 = arith.constant 16 : index
        %get3A_547 = tpu.vector_load %arg10[%get3A_544, %get3A_545, %get3A_546] {strides = array<i32>} : memref<2x256x64xf32, #tpu.memory_space<vmem>>, vector<16xf32>,
        %get3A_548 = arith.index_cast %and3A_168 : i32 to index
        %get3A_549 = arith.index_cast %scan3A_538 : i32 to index
        %get3A_550 = arith.constant 32 : index
        %get3A_551 = tpu.vector_load %arg10[%get3A_548, %get3A_549, %get3A_550] {strides = array<i32>} : memref<2x256x64xf32, #tpu.memory_space<vmem>>, vector<16xf32>,
        %get3A_552 = arith.index_cast %and3A_168 : i32 to index
        %get3A_553 = arith.index_cast %scan3A_538 : i32 to index
        %get3A_554 = arith.constant 48 : index
        %get3A_555 = tpu.vector_load %arg10[%get3A_552, %get3A_553, %get3A_554] {strides = array<i32>} : memref<2x256x64xf32, #tpu.memory_space<vmem>>, vector<16xf32>,
        %gather3A_556 = tpu.vector_load_idx %arg9[%broadcast_in_dim3A, %broadcast_in_dim3A_539] : memref<2x272xi32, #tpu.memory_space<vmem>>[vector<16xi32>, vector<16xi32>], vector<16xi32>,
        %and3A_557 = arith.constant 31 : i32
        %and3A_558 = vector.broadcast %and3A_557 : i32 to vector<16xi32>
        %and3A_559 = arith.andi %gather3A_556, %and3A_558 : vector<16xi32>
        %add3A_560 = arith.constant 0 : i32
        %add3A_561 = vector.broadcast %add3A_560 : i32 to vector<16xi32>
        %add3A_562 = arith.addi %and3A_559, %add3A_561 : vector<16xi32>
        %shift_right_arithmetic3A_563 = arith.constant 5 : i32
        %shift_right_arithmetic3A_564 = vector.broadcast %shift_right_arithmetic3A_563 : i32 to vector<16xi32>
        %shift_right_arithmetic3A_565 = arith.shrsi %gather3A_556, %shift_right_arithmetic3A_564 : vector<16xi32>
        %and3A_566 = arith.constant 63 : i32
        %and3A_567 = vector.broadcast %and3A_566 : i32 to vector<16xi32>
        %and3A_568 = arith.andi %shift_right_arithmetic3A_565, %and3A_567 : vector<16xi32>
        %add3A_569 = arith.constant 32 : i32
        %add3A_570 = vector.broadcast %add3A_569 : i32 to vector<16xi32>
        %add3A_571 = arith.addi %and3A_568, %add3A_570 : vector<16xi32>
        %shift_right_arithmetic3A_572 = arith.constant 11 : i32
        %shift_right_arithmetic3A_573 = vector.broadcast %shift_right_arithmetic3A_572 : i32 to vector<16xi32>
        %shift_right_arithmetic3A_574 = arith.shrsi %gather3A_556, %shift_right_arithmetic3A_573 : vector<16xi32>
        %and3A_575 = arith.constant 511 : i32
        %and3A_576 = vector.broadcast %and3A_575 : i32 to vector<16xi32>
        %and3A_577 = arith.andi %shift_right_arithmetic3A_574, %and3A_576 : vector<16xi32>
        %add3A_578 = arith.constant 96 : i32
        %add3A_579 = vector.broadcast %add3A_578 : i32 to vector<16xi32>
        %add3A_580 = arith.addi %and3A_577, %add3A_579 : vector<16xi32>
        %shift_right_arithmetic3A_581 = arith.constant 20 : i32
        %shift_right_arithmetic3A_582 = vector.broadcast %shift_right_arithmetic3A_581 : i32 to vector<16xi32>
        %shift_right_arithmetic3A_583 = arith.shrsi %gather3A_556, %shift_right_arithmetic3A_582 : vector<16xi32>
        %add3A_584 = arith.constant 608 : i32
        %add3A_585 = vector.broadcast %add3A_584 : i32 to vector<16xi32>
        %add3A_586 = arith.addi %shift_right_arithmetic3A_583, %add3A_585 : vector<16xi32>
        %gather3A_587 = tpu.vector_load_idx %arg7[%add3A_562, %add3A_205] : memref<736x64xf32, #tpu.memory_space<vmem>>[vector<16xi32>, vector<16xi32>], vector<16xf32>,
        %add3A_588 = arith.addf %get3A_543, %gather3A_587 : vector<16xf32>
        %gather3A_589 = tpu.vector_load_idx %arg7[%add3A_562, %add3A_209] : memref<736x64xf32, #tpu.memory_space<vmem>>[vector<16xi32>, vector<16xi32>], vector<16xf32>,
        %add3A_590 = arith.addf %get3A_547, %gather3A_589 : vector<16xf32>
        %gather3A_591 = tpu.vector_load_idx %arg7[%add3A_562, %add3A_213] : memref<736x64xf32, #tpu.memory_space<vmem>>[vector<16xi32>, vector<16xi32>], vector<16xf32>,
        %add3A_592 = arith.addf %get3A_551, %gather3A_591 : vector<16xf32>
        %gather3A_593 = tpu.vector_load_idx %arg7[%add3A_562, %add3A_217] : memref<736x64xf32, #tpu.memory_space<vmem>>[vector<16xi32>, vector<16xi32>], vector<16xf32>,
        %add3A_594 = arith.addf %get3A_555, %gather3A_593 : vector<16xf32>
        %gather3A_595 = tpu.vector_load_idx %arg7[%add3A_571, %add3A_205] : memref<736x64xf32, #tpu.memory_space<vmem>>[vector<16xi32>, vector<16xi32>], vector<16xf32>,
        %add3A_596 = arith.addf %add3A_588, %gather3A_595 : vector<16xf32>
        %gather3A_597 = tpu.vector_load_idx %arg7[%add3A_571, %add3A_209] : memref<736x64xf32, #tpu.memory_space<vmem>>[vector<16xi32>, vector<16xi32>], vector<16xf32>,
        %add3A_598 = arith.addf %add3A_590, %gather3A_597 : vector<16xf32>
        %gather3A_599 = tpu.vector_load_idx %arg7[%add3A_571, %add3A_213] : memref<736x64xf32, #tpu.memory_space<vmem>>[vector<16xi32>, vector<16xi32>], vector<16xf32>,
        %add3A_600 = arith.addf %add3A_592, %gather3A_599 : vector<16xf32>
        %gather3A_601 = tpu.vector_load_idx %arg7[%add3A_571, %add3A_217] : memref<736x64xf32, #tpu.memory_space<vmem>>[vector<16xi32>, vector<16xi32>], vector<16xf32>,
        %add3A_602 = arith.addf %add3A_594, %gather3A_601 : vector<16xf32>
        %gather3A_603 = tpu.vector_load_idx %arg7[%add3A_580, %add3A_205] : memref<736x64xf32, #tpu.memory_space<vmem>>[vector<16xi32>, vector<16xi32>], vector<16xf32>,
        %add3A_604 = arith.addf %add3A_596, %gather3A_603 : vector<16xf32>
        %gather3A_605 = tpu.vector_load_idx %arg7[%add3A_580, %add3A_209] : memref<736x64xf32, #tpu.memory_space<vmem>>[vector<16xi32>, vector<16xi32>], vector<16xf32>,
        %add3A_606 = arith.addf %add3A_598, %gather3A_605 : vector<16xf32>
        %gather3A_607 = tpu.vector_load_idx %arg7[%add3A_580, %add3A_213] : memref<736x64xf32, #tpu.memory_space<vmem>>[vector<16xi32>, vector<16xi32>], vector<16xf32>,
        %add3A_608 = arith.addf %add3A_600, %gather3A_607 : vector<16xf32>
        %gather3A_609 = tpu.vector_load_idx %arg7[%add3A_580, %add3A_217] : memref<736x64xf32, #tpu.memory_space<vmem>>[vector<16xi32>, vector<16xi32>], vector<16xf32>,
        %add3A_610 = arith.addf %add3A_602, %gather3A_609 : vector<16xf32>
        %gather3A_611 = tpu.vector_load_idx %arg7[%add3A_586, %add3A_205] : memref<736x64xf32, #tpu.memory_space<vmem>>[vector<16xi32>, vector<16xi32>], vector<16xf32>,
        %add3A_612 = arith.addf %add3A_604, %gather3A_611 : vector<16xf32>
        %gather3A_613 = tpu.vector_load_idx %arg7[%add3A_586, %add3A_209] : memref<736x64xf32, #tpu.memory_space<vmem>>[vector<16xi32>, vector<16xi32>], vector<16xf32>,
        %add3A_614 = arith.addf %add3A_606, %gather3A_613 : vector<16xf32>
        %gather3A_615 = tpu.vector_load_idx %arg7[%add3A_586, %add3A_213] : memref<736x64xf32, #tpu.memory_space<vmem>>[vector<16xi32>, vector<16xi32>], vector<16xf32>,
        %add3A_616 = arith.addf %add3A_608, %gather3A_615 : vector<16xf32>
        %gather3A_617 = tpu.vector_load_idx %arg7[%add3A_586, %add3A_217] : memref<736x64xf32, #tpu.memory_space<vmem>>[vector<16xi32>, vector<16xi32>], vector<16xf32>,
        %add3A_618 = arith.addf %add3A_610, %gather3A_617 : vector<16xf32>
        %swap3A_619 = arith.index_cast %and3A_168 : i32 to index
        %swap3A_620 = arith.index_cast %scan3A_538 : i32 to index
        %swap3A_621 = arith.constant 0 : index
        %swap3A_622 = tpu.vector_load %arg10[%swap3A_619, %swap3A_620, %swap3A_621] {strides = array<i32>} : memref<2x256x64xf32, #tpu.memory_space<vmem>>, vector<16xf32>,
        tpu.vector_store %arg10[%swap3A_619, %swap3A_620, %swap3A_621], %add3A_612 {strides = array<i32>} : memref<2x256x64xf32, #tpu.memory_space<vmem>>, vector<16xf32>,
        %swap3A_623 = arith.index_cast %and3A_168 : i32 to index
        %swap3A_624 = arith.index_cast %scan3A_538 : i32 to index
        %swap3A_625 = arith.constant 16 : index
        %swap3A_626 = tpu.vector_load %arg10[%swap3A_623, %swap3A_624, %swap3A_625] {strides = array<i32>} : memref<2x256x64xf32, #tpu.memory_space<vmem>>, vector<16xf32>,
        tpu.vector_store %arg10[%swap3A_623, %swap3A_624, %swap3A_625], %add3A_614 {strides = array<i32>} : memref<2x256x64xf32, #tpu.memory_space<vmem>>, vector<16xf32>,
        %swap3A_627 = arith.index_cast %and3A_168 : i32 to index
        %swap3A_628 = arith.index_cast %scan3A_538 : i32 to index
        %swap3A_629 = arith.constant 32 : index
        %swap3A_630 = tpu.vector_load %arg10[%swap3A_627, %swap3A_628, %swap3A_629] {strides = array<i32>} : memref<2x256x64xf32, #tpu.memory_space<vmem>>, vector<16xf32>,
        tpu.vector_store %arg10[%swap3A_627, %swap3A_628, %swap3A_629], %add3A_616 {strides = array<i32>} : memref<2x256x64xf32, #tpu.memory_space<vmem>>, vector<16xf32>,
        %swap3A_631 = arith.index_cast %and3A_168 : i32 to index
        %swap3A_632 = arith.index_cast %scan3A_538 : i32 to index
        %swap3A_633 = arith.constant 48 : index
        %swap3A_634 = tpu.vector_load %arg10[%swap3A_631, %swap3A_632, %swap3A_633] {strides = array<i32>} : memref<2x256x64xf32, #tpu.memory_space<vmem>>, vector<16xf32>,
        tpu.vector_store %arg10[%swap3A_631, %swap3A_632, %swap3A_633], %add3A_618 {strides = array<i32>} : memref<2x256x64xf32, #tpu.memory_space<vmem>>, vector<16xf32>,
        %scan3A_635 = arith.constant 4 : i32
        %scan3A_636 = arith.addi %scan3A_248, %scan3A_635 : i32
        %broadcast_in_dim3A_637 = vector.broadcast %scan3A_636 : i32 to vector<16xi32>
        %get3A_638 = arith.index_cast %and3A_168 : i32 to index
        %get3A_639 = arith.index_cast %scan3A_636 : i32 to index
        %get3A_640 = arith.constant 0 : index
        %get3A_641 = tpu.vector_load %arg10[%get3A_638, %get3A_639, %get3A_640] {strides = array<i32>} : memref<2x256x64xf32, #tpu.memory_space<vmem>>, vector<16xf32>,
        %get3A_642 = arith.index_cast %and3A_168 : i32 to index
        %get3A_643 = arith.index_cast %scan3A_636 : i32 to index
        %get3A_644 = arith.constant 16 : index
        %get3A_645 = tpu.vector_load %arg10[%get3A_642, %get3A_643, %get3A_644] {strides = array<i32>} : memref<2x256x64xf32, #tpu.memory_space<vmem>>, vector<16xf32>,
        %get3A_646 = arith.index_cast %and3A_168 : i32 to index
        %get3A_647 = arith.index_cast %scan3A_636 : i32 to index
        %get3A_648 = arith.constant 32 : index
        %get3A_649 = tpu.vector_load %arg10[%get3A_646, %get3A_647, %get3A_648] {strides = array<i32>} : memref<2x256x64xf32, #tpu.memory_space<vmem>>, vector<16xf32>,
        %get3A_650 = arith.index_cast %and3A_168 : i32 to index
        %get3A_651 = arith.index_cast %scan3A_636 : i32 to index
        %get3A_652 = arith.constant 48 : index
        %get3A_653 = tpu.vector_load %arg10[%get3A_650, %get3A_651, %get3A_652] {strides = array<i32>} : memref<2x256x64xf32, #tpu.memory_space<vmem>>, vector<16xf32>,
        %gather3A_654 = tpu.vector_load_idx %arg9[%broadcast_in_dim3A, %broadcast_in_dim3A_637] : memref<2x272xi32, #tpu.memory_space<vmem>>[vector<16xi32>, vector<16xi32>], vector<16xi32>,
        %and3A_655 = arith.constant 31 : i32
        %and3A_656 = vector.broadcast %and3A_655 : i32 to vector<16xi32>
        %and3A_657 = arith.andi %gather3A_654, %and3A_656 : vector<16xi32>
        %add3A_658 = arith.constant 0 : i32
        %add3A_659 = vector.broadcast %add3A_658 : i32 to vector<16xi32>
        %add3A_660 = arith.addi %and3A_657, %add3A_659 : vector<16xi32>
        %shift_right_arithmetic3A_661 = arith.constant 5 : i32
        %shift_right_arithmetic3A_662 = vector.broadcast %shift_right_arithmetic3A_661 : i32 to vector<16xi32>
        %shift_right_arithmetic3A_663 = arith.shrsi %gather3A_654, %shift_right_arithmetic3A_662 : vector<16xi32>
        %and3A_664 = arith.constant 63 : i32
        %and3A_665 = vector.broadcast %and3A_664 : i32 to vector<16xi32>
        %and3A_666 = arith.andi %shift_right_arithmetic3A_663, %and3A_665 : vector<16xi32>
        %add3A_667 = arith.constant 32 : i32
        %add3A_668 = vector.broadcast %add3A_667 : i32 to vector<16xi32>
        %add3A_669 = arith.addi %and3A_666, %add3A_668 : vector<16xi32>
        %shift_right_arithmetic3A_670 = arith.constant 11 : i32
        %shift_right_arithmetic3A_671 = vector.broadcast %shift_right_arithmetic3A_670 : i32 to vector<16xi32>
        %shift_right_arithmetic3A_672 = arith.shrsi %gather3A_654, %shift_right_arithmetic3A_671 : vector<16xi32>
        %and3A_673 = arith.constant 511 : i32
        %and3A_674 = vector.broadcast %and3A_673 : i32 to vector<16xi32>
        %and3A_675 = arith.andi %shift_right_arithmetic3A_672, %and3A_674 : vector<16xi32>
        %add3A_676 = arith.constant 96 : i32
        %add3A_677 = vector.broadcast %add3A_676 : i32 to vector<16xi32>
        %add3A_678 = arith.addi %and3A_675, %add3A_677 : vector<16xi32>
        %shift_right_arithmetic3A_679 = arith.constant 20 : i32
        %shift_right_arithmetic3A_680 = vector.broadcast %shift_right_arithmetic3A_679 : i32 to vector<16xi32>
        %shift_right_arithmetic3A_681 = arith.shrsi %gather3A_654, %shift_right_arithmetic3A_680 : vector<16xi32>
        %add3A_682 = arith.constant 608 : i32
        %add3A_683 = vector.broadcast %add3A_682 : i32 to vector<16xi32>
        %add3A_684 = arith.addi %shift_right_arithmetic3A_681, %add3A_683 : vector<16xi32>
        %gather3A_685 = tpu.vector_load_idx %arg7[%add3A_660, %add3A_205] : memref<736x64xf32, #tpu.memory_space<vmem>>[vector<16xi32>, vector<16xi32>], vector<16xf32>,
        %add3A_686 = arith.addf %get3A_641, %gather3A_685 : vector<16xf32>
        %gather3A_687 = tpu.vector_load_idx %arg7[%add3A_660, %add3A_209] : memref<736x64xf32, #tpu.memory_space<vmem>>[vector<16xi32>, vector<16xi32>], vector<16xf32>,
        %add3A_688 = arith.addf %get3A_645, %gather3A_687 : vector<16xf32>
        %gather3A_689 = tpu.vector_load_idx %arg7[%add3A_660, %add3A_213] : memref<736x64xf32, #tpu.memory_space<vmem>>[vector<16xi32>, vector<16xi32>], vector<16xf32>,
        %add3A_690 = arith.addf %get3A_649, %gather3A_689 : vector<16xf32>
        %gather3A_691 = tpu.vector_load_idx %arg7[%add3A_660, %add3A_217] : memref<736x64xf32, #tpu.memory_space<vmem>>[vector<16xi32>, vector<16xi32>], vector<16xf32>,
        %add3A_692 = arith.addf %get3A_653, %gather3A_691 : vector<16xf32>
        %gather3A_693 = tpu.vector_load_idx %arg7[%add3A_669, %add3A_205] : memref<736x64xf32, #tpu.memory_space<vmem>>[vector<16xi32>, vector<16xi32>], vector<16xf32>,
        %add3A_694 = arith.addf %add3A_686, %gather3A_693 : vector<16xf32>
        %gather3A_695 = tpu.vector_load_idx %arg7[%add3A_669, %add3A_209] : memref<736x64xf32, #tpu.memory_space<vmem>>[vector<16xi32>, vector<16xi32>], vector<16xf32>,
        %add3A_696 = arith.addf %add3A_688, %gather3A_695 : vector<16xf32>
        %gather3A_697 = tpu.vector_load_idx %arg7[%add3A_669, %add3A_213] : memref<736x64xf32, #tpu.memory_space<vmem>>[vector<16xi32>, vector<16xi32>], vector<16xf32>,
        %add3A_698 = arith.addf %add3A_690, %gather3A_697 : vector<16xf32>
        %gather3A_699 = tpu.vector_load_idx %arg7[%add3A_669, %add3A_217] : memref<736x64xf32, #tpu.memory_space<vmem>>[vector<16xi32>, vector<16xi32>], vector<16xf32>,
        %add3A_700 = arith.addf %add3A_692, %gather3A_699 : vector<16xf32>
        %gather3A_701 = tpu.vector_load_idx %arg7[%add3A_678, %add3A_205] : memref<736x64xf32, #tpu.memory_space<vmem>>[vector<16xi32>, vector<16xi32>], vector<16xf32>,
        %add3A_702 = arith.addf %add3A_694, %gather3A_701 : vector<16xf32>
        %gather3A_703 = tpu.vector_load_idx %arg7[%add3A_678, %add3A_209] : memref<736x64xf32, #tpu.memory_space<vmem>>[vector<16xi32>, vector<16xi32>], vector<16xf32>,
        %add3A_704 = arith.addf %add3A_696, %gather3A_703 : vector<16xf32>
        %gather3A_705 = tpu.vector_load_idx %arg7[%add3A_678, %add3A_213] : memref<736x64xf32, #tpu.memory_space<vmem>>[vector<16xi32>, vector<16xi32>], vector<16xf32>,
        %add3A_706 = arith.addf %add3A_698, %gather3A_705 : vector<16xf32>
        %gather3A_707 = tpu.vector_load_idx %arg7[%add3A_678, %add3A_217] : memref<736x64xf32, #tpu.memory_space<vmem>>[vector<16xi32>, vector<16xi32>], vector<16xf32>,
        %add3A_708 = arith.addf %add3A_700, %gather3A_707 : vector<16xf32>
        %gather3A_709 = tpu.vector_load_idx %arg7[%add3A_684, %add3A_205] : memref<736x64xf32, #tpu.memory_space<vmem>>[vector<16xi32>, vector<16xi32>], vector<16xf32>,
        %add3A_710 = arith.addf %add3A_702, %gather3A_709 : vector<16xf32>
        %gather3A_711 = tpu.vector_load_idx %arg7[%add3A_684, %add3A_209] : memref<736x64xf32, #tpu.memory_space<vmem>>[vector<16xi32>, vector<16xi32>], vector<16xf32>,
        %add3A_712 = arith.addf %add3A_704, %gather3A_711 : vector<16xf32>
        %gather3A_713 = tpu.vector_load_idx %arg7[%add3A_684, %add3A_213] : memref<736x64xf32, #tpu.memory_space<vmem>>[vector<16xi32>, vector<16xi32>], vector<16xf32>,
        %add3A_714 = arith.addf %add3A_706, %gather3A_713 : vector<16xf32>
        %gather3A_715 = tpu.vector_load_idx %arg7[%add3A_684, %add3A_217] : memref<736x64xf32, #tpu.memory_space<vmem>>[vector<16xi32>, vector<16xi32>], vector<16xf32>,
        %add3A_716 = arith.addf %add3A_708, %gather3A_715 : vector<16xf32>
        %swap3A_717 = arith.index_cast %and3A_168 : i32 to index
        %swap3A_718 = arith.index_cast %scan3A_636 : i32 to index
        %swap3A_719 = arith.constant 0 : index
        %swap3A_720 = tpu.vector_load %arg10[%swap3A_717, %swap3A_718, %swap3A_719] {strides = array<i32>} : memref<2x256x64xf32, #tpu.memory_space<vmem>>, vector<16xf32>,
        tpu.vector_store %arg10[%swap3A_717, %swap3A_718, %swap3A_719], %add3A_710 {strides = array<i32>} : memref<2x256x64xf32, #tpu.memory_space<vmem>>, vector<16xf32>,
        %swap3A_721 = arith.index_cast %and3A_168 : i32 to index
        %swap3A_722 = arith.index_cast %scan3A_636 : i32 to index
        %swap3A_723 = arith.constant 16 : index
        %swap3A_724 = tpu.vector_load %arg10[%swap3A_721, %swap3A_722, %swap3A_723] {strides = array<i32>} : memref<2x256x64xf32, #tpu.memory_space<vmem>>, vector<16xf32>,
        tpu.vector_store %arg10[%swap3A_721, %swap3A_722, %swap3A_723], %add3A_712 {strides = array<i32>} : memref<2x256x64xf32, #tpu.memory_space<vmem>>, vector<16xf32>,
        %swap3A_725 = arith.index_cast %and3A_168 : i32 to index
        %swap3A_726 = arith.index_cast %scan3A_636 : i32 to index
        %swap3A_727 = arith.constant 32 : index
        %swap3A_728 = tpu.vector_load %arg10[%swap3A_725, %swap3A_726, %swap3A_727] {strides = array<i32>} : memref<2x256x64xf32, #tpu.memory_space<vmem>>, vector<16xf32>,
        tpu.vector_store %arg10[%swap3A_725, %swap3A_726, %swap3A_727], %add3A_714 {strides = array<i32>} : memref<2x256x64xf32, #tpu.memory_space<vmem>>, vector<16xf32>,
        %swap3A_729 = arith.index_cast %and3A_168 : i32 to index
        %swap3A_730 = arith.index_cast %scan3A_636 : i32 to index
        %swap3A_731 = arith.constant 48 : index
        %swap3A_732 = tpu.vector_load %arg10[%swap3A_729, %swap3A_730, %swap3A_731] {strides = array<i32>} : memref<2x256x64xf32, #tpu.memory_space<vmem>>, vector<16xf32>,
        tpu.vector_store %arg10[%swap3A_729, %swap3A_730, %swap3A_731], %add3A_716 {strides = array<i32>} : memref<2x256x64xf32, #tpu.memory_space<vmem>>, vector<16xf32>,
        %scan3A_733 = arith.constant 5 : i32
        %scan3A_734 = arith.addi %scan3A_248, %scan3A_733 : i32
        %broadcast_in_dim3A_735 = vector.broadcast %scan3A_734 : i32 to vector<16xi32>
        %get3A_736 = arith.index_cast %and3A_168 : i32 to index
        %get3A_737 = arith.index_cast %scan3A_734 : i32 to index
        %get3A_738 = arith.constant 0 : index
        %get3A_739 = tpu.vector_load %arg10[%get3A_736, %get3A_737, %get3A_738] {strides = array<i32>} : memref<2x256x64xf32, #tpu.memory_space<vmem>>, vector<16xf32>,
        %get3A_740 = arith.index_cast %and3A_168 : i32 to index
        %get3A_741 = arith.index_cast %scan3A_734 : i32 to index
        %get3A_742 = arith.constant 16 : index
        %get3A_743 = tpu.vector_load %arg10[%get3A_740, %get3A_741, %get3A_742] {strides = array<i32>} : memref<2x256x64xf32, #tpu.memory_space<vmem>>, vector<16xf32>,
        %get3A_744 = arith.index_cast %and3A_168 : i32 to index
        %get3A_745 = arith.index_cast %scan3A_734 : i32 to index
        %get3A_746 = arith.constant 32 : index
        %get3A_747 = tpu.vector_load %arg10[%get3A_744, %get3A_745, %get3A_746] {strides = array<i32>} : memref<2x256x64xf32, #tpu.memory_space<vmem>>, vector<16xf32>,
        %get3A_748 = arith.index_cast %and3A_168 : i32 to index
        %get3A_749 = arith.index_cast %scan3A_734 : i32 to index
        %get3A_750 = arith.constant 48 : index
        %get3A_751 = tpu.vector_load %arg10[%get3A_748, %get3A_749, %get3A_750] {strides = array<i32>} : memref<2x256x64xf32, #tpu.memory_space<vmem>>, vector<16xf32>,
        %gather3A_752 = tpu.vector_load_idx %arg9[%broadcast_in_dim3A, %broadcast_in_dim3A_735] : memref<2x272xi32, #tpu.memory_space<vmem>>[vector<16xi32>, vector<16xi32>], vector<16xi32>,
        %and3A_753 = arith.constant 31 : i32
        %and3A_754 = vector.broadcast %and3A_753 : i32 to vector<16xi32>
        %and3A_755 = arith.andi %gather3A_752, %and3A_754 : vector<16xi32>
        %add3A_756 = arith.constant 0 : i32
        %add3A_757 = vector.broadcast %add3A_756 : i32 to vector<16xi32>
        %add3A_758 = arith.addi %and3A_755, %add3A_757 : vector<16xi32>
        %shift_right_arithmetic3A_759 = arith.constant 5 : i32
        %shift_right_arithmetic3A_760 = vector.broadcast %shift_right_arithmetic3A_759 : i32 to vector<16xi32>
        %shift_right_arithmetic3A_761 = arith.shrsi %gather3A_752, %shift_right_arithmetic3A_760 : vector<16xi32>
        %and3A_762 = arith.constant 63 : i32
        %and3A_763 = vector.broadcast %and3A_762 : i32 to vector<16xi32>
        %and3A_764 = arith.andi %shift_right_arithmetic3A_761, %and3A_763 : vector<16xi32>
        %add3A_765 = arith.constant 32 : i32
        %add3A_766 = vector.broadcast %add3A_765 : i32 to vector<16xi32>
        %add3A_767 = arith.addi %and3A_764, %add3A_766 : vector<16xi32>
        %shift_right_arithmetic3A_768 = arith.constant 11 : i32
        %shift_right_arithmetic3A_769 = vector.broadcast %shift_right_arithmetic3A_768 : i32 to vector<16xi32>
        %shift_right_arithmetic3A_770 = arith.shrsi %gather3A_752, %shift_right_arithmetic3A_769 : vector<16xi32>
        %and3A_771 = arith.constant 511 : i32
        %and3A_772 = vector.broadcast %and3A_771 : i32 to vector<16xi32>
        %and3A_773 = arith.andi %shift_right_arithmetic3A_770, %and3A_772 : vector<16xi32>
        %add3A_774 = arith.constant 96 : i32
        %add3A_775 = vector.broadcast %add3A_774 : i32 to vector<16xi32>
        %add3A_776 = arith.addi %and3A_773, %add3A_775 : vector<16xi32>
        %shift_right_arithmetic3A_777 = arith.constant 20 : i32
        %shift_right_arithmetic3A_778 = vector.broadcast %shift_right_arithmetic3A_777 : i32 to vector<16xi32>
        %shift_right_arithmetic3A_779 = arith.shrsi %gather3A_752, %shift_right_arithmetic3A_778 : vector<16xi32>
        %add3A_780 = arith.constant 608 : i32
        %add3A_781 = vector.broadcast %add3A_780 : i32 to vector<16xi32>
        %add3A_782 = arith.addi %shift_right_arithmetic3A_779, %add3A_781 : vector<16xi32>
        %gather3A_783 = tpu.vector_load_idx %arg7[%add3A_758, %add3A_205] : memref<736x64xf32, #tpu.memory_space<vmem>>[vector<16xi32>, vector<16xi32>], vector<16xf32>,
        %add3A_784 = arith.addf %get3A_739, %gather3A_783 : vector<16xf32>
        %gather3A_785 = tpu.vector_load_idx %arg7[%add3A_758, %add3A_209] : memref<736x64xf32, #tpu.memory_space<vmem>>[vector<16xi32>, vector<16xi32>], vector<16xf32>,
        %add3A_786 = arith.addf %get3A_743, %gather3A_785 : vector<16xf32>
        %gather3A_787 = tpu.vector_load_idx %arg7[%add3A_758, %add3A_213] : memref<736x64xf32, #tpu.memory_space<vmem>>[vector<16xi32>, vector<16xi32>], vector<16xf32>,
        %add3A_788 = arith.addf %get3A_747, %gather3A_787 : vector<16xf32>
        %gather3A_789 = tpu.vector_load_idx %arg7[%add3A_758, %add3A_217] : memref<736x64xf32, #tpu.memory_space<vmem>>[vector<16xi32>, vector<16xi32>], vector<16xf32>,
        %add3A_790 = arith.addf %get3A_751, %gather3A_789 : vector<16xf32>
        %gather3A_791 = tpu.vector_load_idx %arg7[%add3A_767, %add3A_205] : memref<736x64xf32, #tpu.memory_space<vmem>>[vector<16xi32>, vector<16xi32>], vector<16xf32>,
        %add3A_792 = arith.addf %add3A_784, %gather3A_791 : vector<16xf32>
        %gather3A_793 = tpu.vector_load_idx %arg7[%add3A_767, %add3A_209] : memref<736x64xf32, #tpu.memory_space<vmem>>[vector<16xi32>, vector<16xi32>], vector<16xf32>,
        %add3A_794 = arith.addf %add3A_786, %gather3A_793 : vector<16xf32>
        %gather3A_795 = tpu.vector_load_idx %arg7[%add3A_767, %add3A_213] : memref<736x64xf32, #tpu.memory_space<vmem>>[vector<16xi32>, vector<16xi32>], vector<16xf32>,
        %add3A_796 = arith.addf %add3A_788, %gather3A_795 : vector<16xf32>
        %gather3A_797 = tpu.vector_load_idx %arg7[%add3A_767, %add3A_217] : memref<736x64xf32, #tpu.memory_space<vmem>>[vector<16xi32>, vector<16xi32>], vector<16xf32>,
        %add3A_798 = arith.addf %add3A_790, %gather3A_797 : vector<16xf32>
        %gather3A_799 = tpu.vector_load_idx %arg7[%add3A_776, %add3A_205] : memref<736x64xf32, #tpu.memory_space<vmem>>[vector<16xi32>, vector<16xi32>], vector<16xf32>,
        %add3A_800 = arith.addf %add3A_792, %gather3A_799 : vector<16xf32>
        %gather3A_801 = tpu.vector_load_idx %arg7[%add3A_776, %add3A_209] : memref<736x64xf32, #tpu.memory_space<vmem>>[vector<16xi32>, vector<16xi32>], vector<16xf32>,
        %add3A_802 = arith.addf %add3A_794, %gather3A_801 : vector<16xf32>
        %gather3A_803 = tpu.vector_load_idx %arg7[%add3A_776, %add3A_213] : memref<736x64xf32, #tpu.memory_space<vmem>>[vector<16xi32>, vector<16xi32>], vector<16xf32>,
        %add3A_804 = arith.addf %add3A_796, %gather3A_803 : vector<16xf32>
        %gather3A_805 = tpu.vector_load_idx %arg7[%add3A_776, %add3A_217] : memref<736x64xf32, #tpu.memory_space<vmem>>[vector<16xi32>, vector<16xi32>], vector<16xf32>,
        %add3A_806 = arith.addf %add3A_798, %gather3A_805 : vector<16xf32>
        %gather3A_807 = tpu.vector_load_idx %arg7[%add3A_782, %add3A_205] : memref<736x64xf32, #tpu.memory_space<vmem>>[vector<16xi32>, vector<16xi32>], vector<16xf32>,
        %add3A_808 = arith.addf %add3A_800, %gather3A_807 : vector<16xf32>
        %gather3A_809 = tpu.vector_load_idx %arg7[%add3A_782, %add3A_209] : memref<736x64xf32, #tpu.memory_space<vmem>>[vector<16xi32>, vector<16xi32>], vector<16xf32>,
        %add3A_810 = arith.addf %add3A_802, %gather3A_809 : vector<16xf32>
        %gather3A_811 = tpu.vector_load_idx %arg7[%add3A_782, %add3A_213] : memref<736x64xf32, #tpu.memory_space<vmem>>[vector<16xi32>, vector<16xi32>], vector<16xf32>,
        %add3A_812 = arith.addf %add3A_804, %gather3A_811 : vector<16xf32>
        %gather3A_813 = tpu.vector_load_idx %arg7[%add3A_782, %add3A_217] : memref<736x64xf32, #tpu.memory_space<vmem>>[vector<16xi32>, vector<16xi32>], vector<16xf32>,
        %add3A_814 = arith.addf %add3A_806, %gather3A_813 : vector<16xf32>
        %swap3A_815 = arith.index_cast %and3A_168 : i32 to index
        %swap3A_816 = arith.index_cast %scan3A_734 : i32 to index
        %swap3A_817 = arith.constant 0 : index
        %swap3A_818 = tpu.vector_load %arg10[%swap3A_815, %swap3A_816, %swap3A_817] {strides = array<i32>} : memref<2x256x64xf32, #tpu.memory_space<vmem>>, vector<16xf32>,
        tpu.vector_store %arg10[%swap3A_815, %swap3A_816, %swap3A_817], %add3A_808 {strides = array<i32>} : memref<2x256x64xf32, #tpu.memory_space<vmem>>, vector<16xf32>,
        %swap3A_819 = arith.index_cast %and3A_168 : i32 to index
        %swap3A_820 = arith.index_cast %scan3A_734 : i32 to index
        %swap3A_821 = arith.constant 16 : index
        %swap3A_822 = tpu.vector_load %arg10[%swap3A_819, %swap3A_820, %swap3A_821] {strides = array<i32>} : memref<2x256x64xf32, #tpu.memory_space<vmem>>, vector<16xf32>,
        tpu.vector_store %arg10[%swap3A_819, %swap3A_820, %swap3A_821], %add3A_810 {strides = array<i32>} : memref<2x256x64xf32, #tpu.memory_space<vmem>>, vector<16xf32>,
        %swap3A_823 = arith.index_cast %and3A_168 : i32 to index
        %swap3A_824 = arith.index_cast %scan3A_734 : i32 to index
        %swap3A_825 = arith.constant 32 : index
        %swap3A_826 = tpu.vector_load %arg10[%swap3A_823, %swap3A_824, %swap3A_825] {strides = array<i32>} : memref<2x256x64xf32, #tpu.memory_space<vmem>>, vector<16xf32>,
        tpu.vector_store %arg10[%swap3A_823, %swap3A_824, %swap3A_825], %add3A_812 {strides = array<i32>} : memref<2x256x64xf32, #tpu.memory_space<vmem>>, vector<16xf32>,
        %swap3A_827 = arith.index_cast %and3A_168 : i32 to index
        %swap3A_828 = arith.index_cast %scan3A_734 : i32 to index
        %swap3A_829 = arith.constant 48 : index
        %swap3A_830 = tpu.vector_load %arg10[%swap3A_827, %swap3A_828, %swap3A_829] {strides = array<i32>} : memref<2x256x64xf32, #tpu.memory_space<vmem>>, vector<16xf32>,
        tpu.vector_store %arg10[%swap3A_827, %swap3A_828, %swap3A_829], %add3A_814 {strides = array<i32>} : memref<2x256x64xf32, #tpu.memory_space<vmem>>, vector<16xf32>,
        %scan3A_831 = arith.constant 6 : i32
        %scan3A_832 = arith.addi %scan3A_248, %scan3A_831 : i32
        %broadcast_in_dim3A_833 = vector.broadcast %scan3A_832 : i32 to vector<16xi32>
        %get3A_834 = arith.index_cast %and3A_168 : i32 to index
        %get3A_835 = arith.index_cast %scan3A_832 : i32 to index
        %get3A_836 = arith.constant 0 : index
        %get3A_837 = tpu.vector_load %arg10[%get3A_834, %get3A_835, %get3A_836] {strides = array<i32>} : memref<2x256x64xf32, #tpu.memory_space<vmem>>, vector<16xf32>,
        %get3A_838 = arith.index_cast %and3A_168 : i32 to index
        %get3A_839 = arith.index_cast %scan3A_832 : i32 to index
        %get3A_840 = arith.constant 16 : index
        %get3A_841 = tpu.vector_load %arg10[%get3A_838, %get3A_839, %get3A_840] {strides = array<i32>} : memref<2x256x64xf32, #tpu.memory_space<vmem>>, vector<16xf32>,
        %get3A_842 = arith.index_cast %and3A_168 : i32 to index
        %get3A_843 = arith.index_cast %scan3A_832 : i32 to index
        %get3A_844 = arith.constant 32 : index
        %get3A_845 = tpu.vector_load %arg10[%get3A_842, %get3A_843, %get3A_844] {strides = array<i32>} : memref<2x256x64xf32, #tpu.memory_space<vmem>>, vector<16xf32>,
        %get3A_846 = arith.index_cast %and3A_168 : i32 to index
        %get3A_847 = arith.index_cast %scan3A_832 : i32 to index
        %get3A_848 = arith.constant 48 : index
        %get3A_849 = tpu.vector_load %arg10[%get3A_846, %get3A_847, %get3A_848] {strides = array<i32>} : memref<2x256x64xf32, #tpu.memory_space<vmem>>, vector<16xf32>,
        %gather3A_850 = tpu.vector_load_idx %arg9[%broadcast_in_dim3A, %broadcast_in_dim3A_833] : memref<2x272xi32, #tpu.memory_space<vmem>>[vector<16xi32>, vector<16xi32>], vector<16xi32>,
        %and3A_851 = arith.constant 31 : i32
        %and3A_852 = vector.broadcast %and3A_851 : i32 to vector<16xi32>
        %and3A_853 = arith.andi %gather3A_850, %and3A_852 : vector<16xi32>
        %add3A_854 = arith.constant 0 : i32
        %add3A_855 = vector.broadcast %add3A_854 : i32 to vector<16xi32>
        %add3A_856 = arith.addi %and3A_853, %add3A_855 : vector<16xi32>
        %shift_right_arithmetic3A_857 = arith.constant 5 : i32
        %shift_right_arithmetic3A_858 = vector.broadcast %shift_right_arithmetic3A_857 : i32 to vector<16xi32>
        %shift_right_arithmetic3A_859 = arith.shrsi %gather3A_850, %shift_right_arithmetic3A_858 : vector<16xi32>
        %and3A_860 = arith.constant 63 : i32
        %and3A_861 = vector.broadcast %and3A_860 : i32 to vector<16xi32>
        %and3A_862 = arith.andi %shift_right_arithmetic3A_859, %and3A_861 : vector<16xi32>
        %add3A_863 = arith.constant 32 : i32
        %add3A_864 = vector.broadcast %add3A_863 : i32 to vector<16xi32>
        %add3A_865 = arith.addi %and3A_862, %add3A_864 : vector<16xi32>
        %shift_right_arithmetic3A_866 = arith.constant 11 : i32
        %shift_right_arithmetic3A_867 = vector.broadcast %shift_right_arithmetic3A_866 : i32 to vector<16xi32>
        %shift_right_arithmetic3A_868 = arith.shrsi %gather3A_850, %shift_right_arithmetic3A_867 : vector<16xi32>
        %and3A_869 = arith.constant 511 : i32
        %and3A_870 = vector.broadcast %and3A_869 : i32 to vector<16xi32>
        %and3A_871 = arith.andi %shift_right_arithmetic3A_868, %and3A_870 : vector<16xi32>
        %add3A_872 = arith.constant 96 : i32
        %add3A_873 = vector.broadcast %add3A_872 : i32 to vector<16xi32>
        %add3A_874 = arith.addi %and3A_871, %add3A_873 : vector<16xi32>
        %shift_right_arithmetic3A_875 = arith.constant 20 : i32
        %shift_right_arithmetic3A_876 = vector.broadcast %shift_right_arithmetic3A_875 : i32 to vector<16xi32>
        %shift_right_arithmetic3A_877 = arith.shrsi %gather3A_850, %shift_right_arithmetic3A_876 : vector<16xi32>
        %add3A_878 = arith.constant 608 : i32
        %add3A_879 = vector.broadcast %add3A_878 : i32 to vector<16xi32>
        %add3A_880 = arith.addi %shift_right_arithmetic3A_877, %add3A_879 : vector<16xi32>
        %gather3A_881 = tpu.vector_load_idx %arg7[%add3A_856, %add3A_205] : memref<736x64xf32, #tpu.memory_space<vmem>>[vector<16xi32>, vector<16xi32>], vector<16xf32>,
        %add3A_882 = arith.addf %get3A_837, %gather3A_881 : vector<16xf32>
        %gather3A_883 = tpu.vector_load_idx %arg7[%add3A_856, %add3A_209] : memref<736x64xf32, #tpu.memory_space<vmem>>[vector<16xi32>, vector<16xi32>], vector<16xf32>,
        %add3A_884 = arith.addf %get3A_841, %gather3A_883 : vector<16xf32>
        %gather3A_885 = tpu.vector_load_idx %arg7[%add3A_856, %add3A_213] : memref<736x64xf32, #tpu.memory_space<vmem>>[vector<16xi32>, vector<16xi32>], vector<16xf32>,
        %add3A_886 = arith.addf %get3A_845, %gather3A_885 : vector<16xf32>
        %gather3A_887 = tpu.vector_load_idx %arg7[%add3A_856, %add3A_217] : memref<736x64xf32, #tpu.memory_space<vmem>>[vector<16xi32>, vector<16xi32>], vector<16xf32>,
        %add3A_888 = arith.addf %get3A_849, %gather3A_887 : vector<16xf32>
        %gather3A_889 = tpu.vector_load_idx %arg7[%add3A_865, %add3A_205] : memref<736x64xf32, #tpu.memory_space<vmem>>[vector<16xi32>, vector<16xi32>], vector<16xf32>,
        %add3A_890 = arith.addf %add3A_882, %gather3A_889 : vector<16xf32>
        %gather3A_891 = tpu.vector_load_idx %arg7[%add3A_865, %add3A_209] : memref<736x64xf32, #tpu.memory_space<vmem>>[vector<16xi32>, vector<16xi32>], vector<16xf32>,
        %add3A_892 = arith.addf %add3A_884, %gather3A_891 : vector<16xf32>
        %gather3A_893 = tpu.vector_load_idx %arg7[%add3A_865, %add3A_213] : memref<736x64xf32, #tpu.memory_space<vmem>>[vector<16xi32>, vector<16xi32>], vector<16xf32>,
        %add3A_894 = arith.addf %add3A_886, %gather3A_893 : vector<16xf32>
        %gather3A_895 = tpu.vector_load_idx %arg7[%add3A_865, %add3A_217] : memref<736x64xf32, #tpu.memory_space<vmem>>[vector<16xi32>, vector<16xi32>], vector<16xf32>,
        %add3A_896 = arith.addf %add3A_888, %gather3A_895 : vector<16xf32>
        %gather3A_897 = tpu.vector_load_idx %arg7[%add3A_874, %add3A_205] : memref<736x64xf32, #tpu.memory_space<vmem>>[vector<16xi32>, vector<16xi32>], vector<16xf32>,
        %add3A_898 = arith.addf %add3A_890, %gather3A_897 : vector<16xf32>
        %gather3A_899 = tpu.vector_load_idx %arg7[%add3A_874, %add3A_209] : memref<736x64xf32, #tpu.memory_space<vmem>>[vector<16xi32>, vector<16xi32>], vector<16xf32>,
        %add3A_900 = arith.addf %add3A_892, %gather3A_899 : vector<16xf32>
        %gather3A_901 = tpu.vector_load_idx %arg7[%add3A_874, %add3A_213] : memref<736x64xf32, #tpu.memory_space<vmem>>[vector<16xi32>, vector<16xi32>], vector<16xf32>,
        %add3A_902 = arith.addf %add3A_894, %gather3A_901 : vector<16xf32>
        %gather3A_903 = tpu.vector_load_idx %arg7[%add3A_874, %add3A_217] : memref<736x64xf32, #tpu.memory_space<vmem>>[vector<16xi32>, vector<16xi32>], vector<16xf32>,
        %add3A_904 = arith.addf %add3A_896, %gather3A_903 : vector<16xf32>
        %gather3A_905 = tpu.vector_load_idx %arg7[%add3A_880, %add3A_205] : memref<736x64xf32, #tpu.memory_space<vmem>>[vector<16xi32>, vector<16xi32>], vector<16xf32>,
        %add3A_906 = arith.addf %add3A_898, %gather3A_905 : vector<16xf32>
        %gather3A_907 = tpu.vector_load_idx %arg7[%add3A_880, %add3A_209] : memref<736x64xf32, #tpu.memory_space<vmem>>[vector<16xi32>, vector<16xi32>], vector<16xf32>,
        %add3A_908 = arith.addf %add3A_900, %gather3A_907 : vector<16xf32>
        %gather3A_909 = tpu.vector_load_idx %arg7[%add3A_880, %add3A_213] : memref<736x64xf32, #tpu.memory_space<vmem>>[vector<16xi32>, vector<16xi32>], vector<16xf32>,
        %add3A_910 = arith.addf %add3A_902, %gather3A_909 : vector<16xf32>
        %gather3A_911 = tpu.vector_load_idx %arg7[%add3A_880, %add3A_217] : memref<736x64xf32, #tpu.memory_space<vmem>>[vector<16xi32>, vector<16xi32>], vector<16xf32>,
        %add3A_912 = arith.addf %add3A_904, %gather3A_911 : vector<16xf32>
        %swap3A_913 = arith.index_cast %and3A_168 : i32 to index
        %swap3A_914 = arith.index_cast %scan3A_832 : i32 to index
        %swap3A_915 = arith.constant 0 : index
        %swap3A_916 = tpu.vector_load %arg10[%swap3A_913, %swap3A_914, %swap3A_915] {strides = array<i32>} : memref<2x256x64xf32, #tpu.memory_space<vmem>>, vector<16xf32>,
        tpu.vector_store %arg10[%swap3A_913, %swap3A_914, %swap3A_915], %add3A_906 {strides = array<i32>} : memref<2x256x64xf32, #tpu.memory_space<vmem>>, vector<16xf32>,
        %swap3A_917 = arith.index_cast %and3A_168 : i32 to index
        %swap3A_918 = arith.index_cast %scan3A_832 : i32 to index
        %swap3A_919 = arith.constant 16 : index
        %swap3A_920 = tpu.vector_load %arg10[%swap3A_917, %swap3A_918, %swap3A_919] {strides = array<i32>} : memref<2x256x64xf32, #tpu.memory_space<vmem>>, vector<16xf32>,
        tpu.vector_store %arg10[%swap3A_917, %swap3A_918, %swap3A_919], %add3A_908 {strides = array<i32>} : memref<2x256x64xf32, #tpu.memory_space<vmem>>, vector<16xf32>,
        %swap3A_921 = arith.index_cast %and3A_168 : i32 to index
        %swap3A_922 = arith.index_cast %scan3A_832 : i32 to index
        %swap3A_923 = arith.constant 32 : index
        %swap3A_924 = tpu.vector_load %arg10[%swap3A_921, %swap3A_922, %swap3A_923] {strides = array<i32>} : memref<2x256x64xf32, #tpu.memory_space<vmem>>, vector<16xf32>,
        tpu.vector_store %arg10[%swap3A_921, %swap3A_922, %swap3A_923], %add3A_910 {strides = array<i32>} : memref<2x256x64xf32, #tpu.memory_space<vmem>>, vector<16xf32>,
        %swap3A_925 = arith.index_cast %and3A_168 : i32 to index
        %swap3A_926 = arith.index_cast %scan3A_832 : i32 to index
        %swap3A_927 = arith.constant 48 : index
        %swap3A_928 = tpu.vector_load %arg10[%swap3A_925, %swap3A_926, %swap3A_927] {strides = array<i32>} : memref<2x256x64xf32, #tpu.memory_space<vmem>>, vector<16xf32>,
        tpu.vector_store %arg10[%swap3A_925, %swap3A_926, %swap3A_927], %add3A_912 {strides = array<i32>} : memref<2x256x64xf32, #tpu.memory_space<vmem>>, vector<16xf32>,
        %scan3A_929 = arith.constant 7 : i32
        %scan3A_930 = arith.addi %scan3A_248, %scan3A_929 : i32
        %broadcast_in_dim3A_931 = vector.broadcast %scan3A_930 : i32 to vector<16xi32>
        %get3A_932 = arith.index_cast %and3A_168 : i32 to index
        %get3A_933 = arith.index_cast %scan3A_930 : i32 to index
        %get3A_934 = arith.constant 0 : index
        %get3A_935 = tpu.vector_load %arg10[%get3A_932, %get3A_933, %get3A_934] {strides = array<i32>} : memref<2x256x64xf32, #tpu.memory_space<vmem>>, vector<16xf32>,
        %get3A_936 = arith.index_cast %and3A_168 : i32 to index
        %get3A_937 = arith.index_cast %scan3A_930 : i32 to index
        %get3A_938 = arith.constant 16 : index
        %get3A_939 = tpu.vector_load %arg10[%get3A_936, %get3A_937, %get3A_938] {strides = array<i32>} : memref<2x256x64xf32, #tpu.memory_space<vmem>>, vector<16xf32>,
        %get3A_940 = arith.index_cast %and3A_168 : i32 to index
        %get3A_941 = arith.index_cast %scan3A_930 : i32 to index
        %get3A_942 = arith.constant 32 : index
        %get3A_943 = tpu.vector_load %arg10[%get3A_940, %get3A_941, %get3A_942] {strides = array<i32>} : memref<2x256x64xf32, #tpu.memory_space<vmem>>, vector<16xf32>,
        %get3A_944 = arith.index_cast %and3A_168 : i32 to index
        %get3A_945 = arith.index_cast %scan3A_930 : i32 to index
        %get3A_946 = arith.constant 48 : index
        %get3A_947 = tpu.vector_load %arg10[%get3A_944, %get3A_945, %get3A_946] {strides = array<i32>} : memref<2x256x64xf32, #tpu.memory_space<vmem>>, vector<16xf32>,
        %gather3A_948 = tpu.vector_load_idx %arg9[%broadcast_in_dim3A, %broadcast_in_dim3A_931] : memref<2x272xi32, #tpu.memory_space<vmem>>[vector<16xi32>, vector<16xi32>], vector<16xi32>,
        %and3A_949 = arith.constant 31 : i32
        %and3A_950 = vector.broadcast %and3A_949 : i32 to vector<16xi32>
        %and3A_951 = arith.andi %gather3A_948, %and3A_950 : vector<16xi32>
        %add3A_952 = arith.constant 0 : i32
        %add3A_953 = vector.broadcast %add3A_952 : i32 to vector<16xi32>
        %add3A_954 = arith.addi %and3A_951, %add3A_953 : vector<16xi32>
        %shift_right_arithmetic3A_955 = arith.constant 5 : i32
        %shift_right_arithmetic3A_956 = vector.broadcast %shift_right_arithmetic3A_955 : i32 to vector<16xi32>
        %shift_right_arithmetic3A_957 = arith.shrsi %gather3A_948, %shift_right_arithmetic3A_956 : vector<16xi32>
        %and3A_958 = arith.constant 63 : i32
        %and3A_959 = vector.broadcast %and3A_958 : i32 to vector<16xi32>
        %and3A_960 = arith.andi %shift_right_arithmetic3A_957, %and3A_959 : vector<16xi32>
        %add3A_961 = arith.constant 32 : i32
        %add3A_962 = vector.broadcast %add3A_961 : i32 to vector<16xi32>
        %add3A_963 = arith.addi %and3A_960, %add3A_962 : vector<16xi32>
        %shift_right_arithmetic3A_964 = arith.constant 11 : i32
        %shift_right_arithmetic3A_965 = vector.broadcast %shift_right_arithmetic3A_964 : i32 to vector<16xi32>
        %shift_right_arithmetic3A_966 = arith.shrsi %gather3A_948, %shift_right_arithmetic3A_965 : vector<16xi32>
        %and3A_967 = arith.constant 511 : i32
        %and3A_968 = vector.broadcast %and3A_967 : i32 to vector<16xi32>
        %and3A_969 = arith.andi %shift_right_arithmetic3A_966, %and3A_968 : vector<16xi32>
        %add3A_970 = arith.constant 96 : i32
        %add3A_971 = vector.broadcast %add3A_970 : i32 to vector<16xi32>
        %add3A_972 = arith.addi %and3A_969, %add3A_971 : vector<16xi32>
        %shift_right_arithmetic3A_973 = arith.constant 20 : i32
        %shift_right_arithmetic3A_974 = vector.broadcast %shift_right_arithmetic3A_973 : i32 to vector<16xi32>
        %shift_right_arithmetic3A_975 = arith.shrsi %gather3A_948, %shift_right_arithmetic3A_974 : vector<16xi32>
        %add3A_976 = arith.constant 608 : i32
        %add3A_977 = vector.broadcast %add3A_976 : i32 to vector<16xi32>
        %add3A_978 = arith.addi %shift_right_arithmetic3A_975, %add3A_977 : vector<16xi32>
        %gather3A_979 = tpu.vector_load_idx %arg7[%add3A_954, %add3A_205] : memref<736x64xf32, #tpu.memory_space<vmem>>[vector<16xi32>, vector<16xi32>], vector<16xf32>,
        %add3A_980 = arith.addf %get3A_935, %gather3A_979 : vector<16xf32>
        %gather3A_981 = tpu.vector_load_idx %arg7[%add3A_954, %add3A_209] : memref<736x64xf32, #tpu.memory_space<vmem>>[vector<16xi32>, vector<16xi32>], vector<16xf32>,
        %add3A_982 = arith.addf %get3A_939, %gather3A_981 : vector<16xf32>
        %gather3A_983 = tpu.vector_load_idx %arg7[%add3A_954, %add3A_213] : memref<736x64xf32, #tpu.memory_space<vmem>>[vector<16xi32>, vector<16xi32>], vector<16xf32>,
        %add3A_984 = arith.addf %get3A_943, %gather3A_983 : vector<16xf32>
        %gather3A_985 = tpu.vector_load_idx %arg7[%add3A_954, %add3A_217] : memref<736x64xf32, #tpu.memory_space<vmem>>[vector<16xi32>, vector<16xi32>], vector<16xf32>,
        %add3A_986 = arith.addf %get3A_947, %gather3A_985 : vector<16xf32>
        %gather3A_987 = tpu.vector_load_idx %arg7[%add3A_963, %add3A_205] : memref<736x64xf32, #tpu.memory_space<vmem>>[vector<16xi32>, vector<16xi32>], vector<16xf32>,
        %add3A_988 = arith.addf %add3A_980, %gather3A_987 : vector<16xf32>
        %gather3A_989 = tpu.vector_load_idx %arg7[%add3A_963, %add3A_209] : memref<736x64xf32, #tpu.memory_space<vmem>>[vector<16xi32>, vector<16xi32>], vector<16xf32>,
        %add3A_990 = arith.addf %add3A_982, %gather3A_989 : vector<16xf32>
        %gather3A_991 = tpu.vector_load_idx %arg7[%add3A_963, %add3A_213] : memref<736x64xf32, #tpu.memory_space<vmem>>[vector<16xi32>, vector<16xi32>], vector<16xf32>,
        %add3A_992 = arith.addf %add3A_984, %gather3A_991 : vector<16xf32>
        %gather3A_993 = tpu.vector_load_idx %arg7[%add3A_963, %add3A_217] : memref<736x64xf32, #tpu.memory_space<vmem>>[vector<16xi32>, vector<16xi32>], vector<16xf32>,
        %add3A_994 = arith.addf %add3A_986, %gather3A_993 : vector<16xf32>
        %gather3A_995 = tpu.vector_load_idx %arg7[%add3A_972, %add3A_205] : memref<736x64xf32, #tpu.memory_space<vmem>>[vector<16xi32>, vector<16xi32>], vector<16xf32>,
        %add3A_996 = arith.addf %add3A_988, %gather3A_995 : vector<16xf32>
        %gather3A_997 = tpu.vector_load_idx %arg7[%add3A_972, %add3A_209] : memref<736x64xf32, #tpu.memory_space<vmem>>[vector<16xi32>, vector<16xi32>], vector<16xf32>,
        %add3A_998 = arith.addf %add3A_990, %gather3A_997 : vector<16xf32>
        %gather3A_999 = tpu.vector_load_idx %arg7[%add3A_972, %add3A_213] : memref<736x64xf32, #tpu.memory_space<vmem>>[vector<16xi32>, vector<16xi32>], vector<16xf32>,
        %add3A_1000 = arith.addf %add3A_992, %gather3A_999 : vector<16xf32>
        %gather3A_1001 = tpu.vector_load_idx %arg7[%add3A_972, %add3A_217] : memref<736x64xf32, #tpu.memory_space<vmem>>[vector<16xi32>, vector<16xi32>], vector<16xf32>,
        %add3A_1002 = arith.addf %add3A_994, %gather3A_1001 : vector<16xf32>
        %gather3A_1003 = tpu.vector_load_idx %arg7[%add3A_978, %add3A_205] : memref<736x64xf32, #tpu.memory_space<vmem>>[vector<16xi32>, vector<16xi32>], vector<16xf32>,
        %add3A_1004 = arith.addf %add3A_996, %gather3A_1003 : vector<16xf32>
        %gather3A_1005 = tpu.vector_load_idx %arg7[%add3A_978, %add3A_209] : memref<736x64xf32, #tpu.memory_space<vmem>>[vector<16xi32>, vector<16xi32>], vector<16xf32>,
        %add3A_1006 = arith.addf %add3A_998, %gather3A_1005 : vector<16xf32>
        %gather3A_1007 = tpu.vector_load_idx %arg7[%add3A_978, %add3A_213] : memref<736x64xf32, #tpu.memory_space<vmem>>[vector<16xi32>, vector<16xi32>], vector<16xf32>,
        %add3A_1008 = arith.addf %add3A_1000, %gather3A_1007 : vector<16xf32>
        %gather3A_1009 = tpu.vector_load_idx %arg7[%add3A_978, %add3A_217] : memref<736x64xf32, #tpu.memory_space<vmem>>[vector<16xi32>, vector<16xi32>], vector<16xf32>,
        %add3A_1010 = arith.addf %add3A_1002, %gather3A_1009 : vector<16xf32>
        %swap3A_1011 = arith.index_cast %and3A_168 : i32 to index
        %swap3A_1012 = arith.index_cast %scan3A_930 : i32 to index
        %swap3A_1013 = arith.constant 0 : index
        %swap3A_1014 = tpu.vector_load %arg10[%swap3A_1011, %swap3A_1012, %swap3A_1013] {strides = array<i32>} : memref<2x256x64xf32, #tpu.memory_space<vmem>>, vector<16xf32>,
        tpu.vector_store %arg10[%swap3A_1011, %swap3A_1012, %swap3A_1013], %add3A_1004 {strides = array<i32>} : memref<2x256x64xf32, #tpu.memory_space<vmem>>, vector<16xf32>,
        %swap3A_1015 = arith.index_cast %and3A_168 : i32 to index
        %swap3A_1016 = arith.index_cast %scan3A_930 : i32 to index
        %swap3A_1017 = arith.constant 16 : index
        %swap3A_1018 = tpu.vector_load %arg10[%swap3A_1015, %swap3A_1016, %swap3A_1017] {strides = array<i32>} : memref<2x256x64xf32, #tpu.memory_space<vmem>>, vector<16xf32>,
        tpu.vector_store %arg10[%swap3A_1015, %swap3A_1016, %swap3A_1017], %add3A_1006 {strides = array<i32>} : memref<2x256x64xf32, #tpu.memory_space<vmem>>, vector<16xf32>,
        %swap3A_1019 = arith.index_cast %and3A_168 : i32 to index
        %swap3A_1020 = arith.index_cast %scan3A_930 : i32 to index
        %swap3A_1021 = arith.constant 32 : index
        %swap3A_1022 = tpu.vector_load %arg10[%swap3A_1019, %swap3A_1020, %swap3A_1021] {strides = array<i32>} : memref<2x256x64xf32, #tpu.memory_space<vmem>>, vector<16xf32>,
        tpu.vector_store %arg10[%swap3A_1019, %swap3A_1020, %swap3A_1021], %add3A_1008 {strides = array<i32>} : memref<2x256x64xf32, #tpu.memory_space<vmem>>, vector<16xf32>,
        %swap3A_1023 = arith.index_cast %and3A_168 : i32 to index
        %swap3A_1024 = arith.index_cast %scan3A_930 : i32 to index
        %swap3A_1025 = arith.constant 48 : index
        %swap3A_1026 = tpu.vector_load %arg10[%swap3A_1023, %swap3A_1024, %swap3A_1025] {strides = array<i32>} : memref<2x256x64xf32, #tpu.memory_space<vmem>>, vector<16xf32>,
        tpu.vector_store %arg10[%swap3A_1023, %swap3A_1024, %swap3A_1025], %add3A_1010 {strides = array<i32>} : memref<2x256x64xf32, #tpu.memory_space<vmem>>, vector<16xf32>,
        %scan3A_1027 = arith.constant 8 : i32
        %scan3A_1028 = arith.addi %scan3A_248, %scan3A_1027 : i32
        %broadcast_in_dim3A_1029 = vector.broadcast %scan3A_1028 : i32 to vector<16xi32>
        %get3A_1030 = arith.index_cast %and3A_168 : i32 to index
        %get3A_1031 = arith.index_cast %scan3A_1028 : i32 to index
        %get3A_1032 = arith.constant 0 : index
        %get3A_1033 = tpu.vector_load %arg10[%get3A_1030, %get3A_1031, %get3A_1032] {strides = array<i32>} : memref<2x256x64xf32, #tpu.memory_space<vmem>>, vector<16xf32>,
        %get3A_1034 = arith.index_cast %and3A_168 : i32 to index
        %get3A_1035 = arith.index_cast %scan3A_1028 : i32 to index
        %get3A_1036 = arith.constant 16 : index
        %get3A_1037 = tpu.vector_load %arg10[%get3A_1034, %get3A_1035, %get3A_1036] {strides = array<i32>} : memref<2x256x64xf32, #tpu.memory_space<vmem>>, vector<16xf32>,
        %get3A_1038 = arith.index_cast %and3A_168 : i32 to index
        %get3A_1039 = arith.index_cast %scan3A_1028 : i32 to index
        %get3A_1040 = arith.constant 32 : index
        %get3A_1041 = tpu.vector_load %arg10[%get3A_1038, %get3A_1039, %get3A_1040] {strides = array<i32>} : memref<2x256x64xf32, #tpu.memory_space<vmem>>, vector<16xf32>,
        %get3A_1042 = arith.index_cast %and3A_168 : i32 to index
        %get3A_1043 = arith.index_cast %scan3A_1028 : i32 to index
        %get3A_1044 = arith.constant 48 : index
        %get3A_1045 = tpu.vector_load %arg10[%get3A_1042, %get3A_1043, %get3A_1044] {strides = array<i32>} : memref<2x256x64xf32, #tpu.memory_space<vmem>>, vector<16xf32>,
        %gather3A_1046 = tpu.vector_load_idx %arg9[%broadcast_in_dim3A, %broadcast_in_dim3A_1029] : memref<2x272xi32, #tpu.memory_space<vmem>>[vector<16xi32>, vector<16xi32>], vector<16xi32>,
        %and3A_1047 = arith.constant 31 : i32
        %and3A_1048 = vector.broadcast %and3A_1047 : i32 to vector<16xi32>
        %and3A_1049 = arith.andi %gather3A_1046, %and3A_1048 : vector<16xi32>
        %add3A_1050 = arith.constant 0 : i32
        %add3A_1051 = vector.broadcast %add3A_1050 : i32 to vector<16xi32>
        %add3A_1052 = arith.addi %and3A_1049, %add3A_1051 : vector<16xi32>
        %shift_right_arithmetic3A_1053 = arith.constant 5 : i32
        %shift_right_arithmetic3A_1054 = vector.broadcast %shift_right_arithmetic3A_1053 : i32 to vector<16xi32>
        %shift_right_arithmetic3A_1055 = arith.shrsi %gather3A_1046, %shift_right_arithmetic3A_1054 : vector<16xi32>
        %and3A_1056 = arith.constant 63 : i32
        %and3A_1057 = vector.broadcast %and3A_1056 : i32 to vector<16xi32>
        %and3A_1058 = arith.andi %shift_right_arithmetic3A_1055, %and3A_1057 : vector<16xi32>
        %add3A_1059 = arith.constant 32 : i32
        %add3A_1060 = vector.broadcast %add3A_1059 : i32 to vector<16xi32>
        %add3A_1061 = arith.addi %and3A_1058, %add3A_1060 : vector<16xi32>
        %shift_right_arithmetic3A_1062 = arith.constant 11 : i32
        %shift_right_arithmetic3A_1063 = vector.broadcast %shift_right_arithmetic3A_1062 : i32 to vector<16xi32>
        %shift_right_arithmetic3A_1064 = arith.shrsi %gather3A_1046, %shift_right_arithmetic3A_1063 : vector<16xi32>
        %and3A_1065 = arith.constant 511 : i32
        %and3A_1066 = vector.broadcast %and3A_1065 : i32 to vector<16xi32>
        %and3A_1067 = arith.andi %shift_right_arithmetic3A_1064, %and3A_1066 : vector<16xi32>
        %add3A_1068 = arith.constant 96 : i32
        %add3A_1069 = vector.broadcast %add3A_1068 : i32 to vector<16xi32>
        %add3A_1070 = arith.addi %and3A_1067, %add3A_1069 : vector<16xi32>
        %shift_right_arithmetic3A_1071 = arith.constant 20 : i32
        %shift_right_arithmetic3A_1072 = vector.broadcast %shift_right_arithmetic3A_1071 : i32 to vector<16xi32>
        %shift_right_arithmetic3A_1073 = arith.shrsi %gather3A_1046, %shift_right_arithmetic3A_1072 : vector<16xi32>
        %add3A_1074 = arith.constant 608 : i32
        %add3A_1075 = vector.broadcast %add3A_1074 : i32 to vector<16xi32>
        %add3A_1076 = arith.addi %shift_right_arithmetic3A_1073, %add3A_1075 : vector<16xi32>
        %gather3A_1077 = tpu.vector_load_idx %arg7[%add3A_1052, %add3A_205] : memref<736x64xf32, #tpu.memory_space<vmem>>[vector<16xi32>, vector<16xi32>], vector<16xf32>,
        %add3A_1078 = arith.addf %get3A_1033, %gather3A_1077 : vector<16xf32>
        %gather3A_1079 = tpu.vector_load_idx %arg7[%add3A_1052, %add3A_209] : memref<736x64xf32, #tpu.memory_space<vmem>>[vector<16xi32>, vector<16xi32>], vector<16xf32>,
        %add3A_1080 = arith.addf %get3A_1037, %gather3A_1079 : vector<16xf32>
        %gather3A_1081 = tpu.vector_load_idx %arg7[%add3A_1052, %add3A_213] : memref<736x64xf32, #tpu.memory_space<vmem>>[vector<16xi32>, vector<16xi32>], vector<16xf32>,
        %add3A_1082 = arith.addf %get3A_1041, %gather3A_1081 : vector<16xf32>
        %gather3A_1083 = tpu.vector_load_idx %arg7[%add3A_1052, %add3A_217] : memref<736x64xf32, #tpu.memory_space<vmem>>[vector<16xi32>, vector<16xi32>], vector<16xf32>,
        %add3A_1084 = arith.addf %get3A_1045, %gather3A_1083 : vector<16xf32>
        %gather3A_1085 = tpu.vector_load_idx %arg7[%add3A_1061, %add3A_205] : memref<736x64xf32, #tpu.memory_space<vmem>>[vector<16xi32>, vector<16xi32>], vector<16xf32>,
        %add3A_1086 = arith.addf %add3A_1078, %gather3A_1085 : vector<16xf32>
        %gather3A_1087 = tpu.vector_load_idx %arg7[%add3A_1061, %add3A_209] : memref<736x64xf32, #tpu.memory_space<vmem>>[vector<16xi32>, vector<16xi32>], vector<16xf32>,
        %add3A_1088 = arith.addf %add3A_1080, %gather3A_1087 : vector<16xf32>
        %gather3A_1089 = tpu.vector_load_idx %arg7[%add3A_1061, %add3A_213] : memref<736x64xf32, #tpu.memory_space<vmem>>[vector<16xi32>, vector<16xi32>], vector<16xf32>,
        %add3A_1090 = arith.addf %add3A_1082, %gather3A_1089 : vector<16xf32>
        %gather3A_1091 = tpu.vector_load_idx %arg7[%add3A_1061, %add3A_217] : memref<736x64xf32, #tpu.memory_space<vmem>>[vector<16xi32>, vector<16xi32>], vector<16xf32>,
        %add3A_1092 = arith.addf %add3A_1084, %gather3A_1091 : vector<16xf32>
        %gather3A_1093 = tpu.vector_load_idx %arg7[%add3A_1070, %add3A_205] : memref<736x64xf32, #tpu.memory_space<vmem>>[vector<16xi32>, vector<16xi32>], vector<16xf32>,
        %add3A_1094 = arith.addf %add3A_1086, %gather3A_1093 : vector<16xf32>
        %gather3A_1095 = tpu.vector_load_idx %arg7[%add3A_1070, %add3A_209] : memref<736x64xf32, #tpu.memory_space<vmem>>[vector<16xi32>, vector<16xi32>], vector<16xf32>,
        %add3A_1096 = arith.addf %add3A_1088, %gather3A_1095 : vector<16xf32>
        %gather3A_1097 = tpu.vector_load_idx %arg7[%add3A_1070, %add3A_213] : memref<736x64xf32, #tpu.memory_space<vmem>>[vector<16xi32>, vector<16xi32>], vector<16xf32>,
        %add3A_1098 = arith.addf %add3A_1090, %gather3A_1097 : vector<16xf32>
        %gather3A_1099 = tpu.vector_load_idx %arg7[%add3A_1070, %add3A_217] : memref<736x64xf32, #tpu.memory_space<vmem>>[vector<16xi32>, vector<16xi32>], vector<16xf32>,
        %add3A_1100 = arith.addf %add3A_1092, %gather3A_1099 : vector<16xf32>
        %gather3A_1101 = tpu.vector_load_idx %arg7[%add3A_1076, %add3A_205] : memref<736x64xf32, #tpu.memory_space<vmem>>[vector<16xi32>, vector<16xi32>], vector<16xf32>,
        %add3A_1102 = arith.addf %add3A_1094, %gather3A_1101 : vector<16xf32>
        %gather3A_1103 = tpu.vector_load_idx %arg7[%add3A_1076, %add3A_209] : memref<736x64xf32, #tpu.memory_space<vmem>>[vector<16xi32>, vector<16xi32>], vector<16xf32>,
        %add3A_1104 = arith.addf %add3A_1096, %gather3A_1103 : vector<16xf32>
        %gather3A_1105 = tpu.vector_load_idx %arg7[%add3A_1076, %add3A_213] : memref<736x64xf32, #tpu.memory_space<vmem>>[vector<16xi32>, vector<16xi32>], vector<16xf32>,
        %add3A_1106 = arith.addf %add3A_1098, %gather3A_1105 : vector<16xf32>
        %gather3A_1107 = tpu.vector_load_idx %arg7[%add3A_1076, %add3A_217] : memref<736x64xf32, #tpu.memory_space<vmem>>[vector<16xi32>, vector<16xi32>], vector<16xf32>,
        %add3A_1108 = arith.addf %add3A_1100, %gather3A_1107 : vector<16xf32>
        %swap3A_1109 = arith.index_cast %and3A_168 : i32 to index
        %swap3A_1110 = arith.index_cast %scan3A_1028 : i32 to index
        %swap3A_1111 = arith.constant 0 : index
        %swap3A_1112 = tpu.vector_load %arg10[%swap3A_1109, %swap3A_1110, %swap3A_1111] {strides = array<i32>} : memref<2x256x64xf32, #tpu.memory_space<vmem>>, vector<16xf32>,
        tpu.vector_store %arg10[%swap3A_1109, %swap3A_1110, %swap3A_1111], %add3A_1102 {strides = array<i32>} : memref<2x256x64xf32, #tpu.memory_space<vmem>>, vector<16xf32>,
        %swap3A_1113 = arith.index_cast %and3A_168 : i32 to index
        %swap3A_1114 = arith.index_cast %scan3A_1028 : i32 to index
        %swap3A_1115 = arith.constant 16 : index
        %swap3A_1116 = tpu.vector_load %arg10[%swap3A_1113, %swap3A_1114, %swap3A_1115] {strides = array<i32>} : memref<2x256x64xf32, #tpu.memory_space<vmem>>, vector<16xf32>,
        tpu.vector_store %arg10[%swap3A_1113, %swap3A_1114, %swap3A_1115], %add3A_1104 {strides = array<i32>} : memref<2x256x64xf32, #tpu.memory_space<vmem>>, vector<16xf32>,
        %swap3A_1117 = arith.index_cast %and3A_168 : i32 to index
        %swap3A_1118 = arith.index_cast %scan3A_1028 : i32 to index
        %swap3A_1119 = arith.constant 32 : index
        %swap3A_1120 = tpu.vector_load %arg10[%swap3A_1117, %swap3A_1118, %swap3A_1119] {strides = array<i32>} : memref<2x256x64xf32, #tpu.memory_space<vmem>>, vector<16xf32>,
        tpu.vector_store %arg10[%swap3A_1117, %swap3A_1118, %swap3A_1119], %add3A_1106 {strides = array<i32>} : memref<2x256x64xf32, #tpu.memory_space<vmem>>, vector<16xf32>,
        %swap3A_1121 = arith.index_cast %and3A_168 : i32 to index
        %swap3A_1122 = arith.index_cast %scan3A_1028 : i32 to index
        %swap3A_1123 = arith.constant 48 : index
        %swap3A_1124 = tpu.vector_load %arg10[%swap3A_1121, %swap3A_1122, %swap3A_1123] {strides = array<i32>} : memref<2x256x64xf32, #tpu.memory_space<vmem>>, vector<16xf32>,
        tpu.vector_store %arg10[%swap3A_1121, %swap3A_1122, %swap3A_1123], %add3A_1108 {strides = array<i32>} : memref<2x256x64xf32, #tpu.memory_space<vmem>>, vector<16xf32>,
        %scan3A_1125 = arith.constant 9 : i32
        %scan3A_1126 = arith.addi %scan3A_248, %scan3A_1125 : i32
        %broadcast_in_dim3A_1127 = vector.broadcast %scan3A_1126 : i32 to vector<16xi32>
        %get3A_1128 = arith.index_cast %and3A_168 : i32 to index
        %get3A_1129 = arith.index_cast %scan3A_1126 : i32 to index
        %get3A_1130 = arith.constant 0 : index
        %get3A_1131 = tpu.vector_load %arg10[%get3A_1128, %get3A_1129, %get3A_1130] {strides = array<i32>} : memref<2x256x64xf32, #tpu.memory_space<vmem>>, vector<16xf32>,
        %get3A_1132 = arith.index_cast %and3A_168 : i32 to index
        %get3A_1133 = arith.index_cast %scan3A_1126 : i32 to index
        %get3A_1134 = arith.constant 16 : index
        %get3A_1135 = tpu.vector_load %arg10[%get3A_1132, %get3A_1133, %get3A_1134] {strides = array<i32>} : memref<2x256x64xf32, #tpu.memory_space<vmem>>, vector<16xf32>,
        %get3A_1136 = arith.index_cast %and3A_168 : i32 to index
        %get3A_1137 = arith.index_cast %scan3A_1126 : i32 to index
        %get3A_1138 = arith.constant 32 : index
        %get3A_1139 = tpu.vector_load %arg10[%get3A_1136, %get3A_1137, %get3A_1138] {strides = array<i32>} : memref<2x256x64xf32, #tpu.memory_space<vmem>>, vector<16xf32>,
        %get3A_1140 = arith.index_cast %and3A_168 : i32 to index
        %get3A_1141 = arith.index_cast %scan3A_1126 : i32 to index
        %get3A_1142 = arith.constant 48 : index
        %get3A_1143 = tpu.vector_load %arg10[%get3A_1140, %get3A_1141, %get3A_1142] {strides = array<i32>} : memref<2x256x64xf32, #tpu.memory_space<vmem>>, vector<16xf32>,
        %gather3A_1144 = tpu.vector_load_idx %arg9[%broadcast_in_dim3A, %broadcast_in_dim3A_1127] : memref<2x272xi32, #tpu.memory_space<vmem>>[vector<16xi32>, vector<16xi32>], vector<16xi32>,
        %and3A_1145 = arith.constant 31 : i32
        %and3A_1146 = vector.broadcast %and3A_1145 : i32 to vector<16xi32>
        %and3A_1147 = arith.andi %gather3A_1144, %and3A_1146 : vector<16xi32>
        %add3A_1148 = arith.constant 0 : i32
        %add3A_1149 = vector.broadcast %add3A_1148 : i32 to vector<16xi32>
        %add3A_1150 = arith.addi %and3A_1147, %add3A_1149 : vector<16xi32>
        %shift_right_arithmetic3A_1151 = arith.constant 5 : i32
        %shift_right_arithmetic3A_1152 = vector.broadcast %shift_right_arithmetic3A_1151 : i32 to vector<16xi32>
        %shift_right_arithmetic3A_1153 = arith.shrsi %gather3A_1144, %shift_right_arithmetic3A_1152 : vector<16xi32>
        %and3A_1154 = arith.constant 63 : i32
        %and3A_1155 = vector.broadcast %and3A_1154 : i32 to vector<16xi32>
        %and3A_1156 = arith.andi %shift_right_arithmetic3A_1153, %and3A_1155 : vector<16xi32>
        %add3A_1157 = arith.constant 32 : i32
        %add3A_1158 = vector.broadcast %add3A_1157 : i32 to vector<16xi32>
        %add3A_1159 = arith.addi %and3A_1156, %add3A_1158 : vector<16xi32>
        %shift_right_arithmetic3A_1160 = arith.constant 11 : i32
        %shift_right_arithmetic3A_1161 = vector.broadcast %shift_right_arithmetic3A_1160 : i32 to vector<16xi32>
        %shift_right_arithmetic3A_1162 = arith.shrsi %gather3A_1144, %shift_right_arithmetic3A_1161 : vector<16xi32>
        %and3A_1163 = arith.constant 511 : i32
        %and3A_1164 = vector.broadcast %and3A_1163 : i32 to vector<16xi32>
        %and3A_1165 = arith.andi %shift_right_arithmetic3A_1162, %and3A_1164 : vector<16xi32>
        %add3A_1166 = arith.constant 96 : i32
        %add3A_1167 = vector.broadcast %add3A_1166 : i32 to vector<16xi32>
        %add3A_1168 = arith.addi %and3A_1165, %add3A_1167 : vector<16xi32>
        %shift_right_arithmetic3A_1169 = arith.constant 20 : i32
        %shift_right_arithmetic3A_1170 = vector.broadcast %shift_right_arithmetic3A_1169 : i32 to vector<16xi32>
        %shift_right_arithmetic3A_1171 = arith.shrsi %gather3A_1144, %shift_right_arithmetic3A_1170 : vector<16xi32>
        %add3A_1172 = arith.constant 608 : i32
        %add3A_1173 = vector.broadcast %add3A_1172 : i32 to vector<16xi32>
        %add3A_1174 = arith.addi %shift_right_arithmetic3A_1171, %add3A_1173 : vector<16xi32>
        %gather3A_1175 = tpu.vector_load_idx %arg7[%add3A_1150, %add3A_205] : memref<736x64xf32, #tpu.memory_space<vmem>>[vector<16xi32>, vector<16xi32>], vector<16xf32>,
        %add3A_1176 = arith.addf %get3A_1131, %gather3A_1175 : vector<16xf32>
        %gather3A_1177 = tpu.vector_load_idx %arg7[%add3A_1150, %add3A_209] : memref<736x64xf32, #tpu.memory_space<vmem>>[vector<16xi32>, vector<16xi32>], vector<16xf32>,
        %add3A_1178 = arith.addf %get3A_1135, %gather3A_1177 : vector<16xf32>
        %gather3A_1179 = tpu.vector_load_idx %arg7[%add3A_1150, %add3A_213] : memref<736x64xf32, #tpu.memory_space<vmem>>[vector<16xi32>, vector<16xi32>], vector<16xf32>,
        %add3A_1180 = arith.addf %get3A_1139, %gather3A_1179 : vector<16xf32>
        %gather3A_1181 = tpu.vector_load_idx %arg7[%add3A_1150, %add3A_217] : memref<736x64xf32, #tpu.memory_space<vmem>>[vector<16xi32>, vector<16xi32>], vector<16xf32>,
        %add3A_1182 = arith.addf %get3A_1143, %gather3A_1181 : vector<16xf32>
        %gather3A_1183 = tpu.vector_load_idx %arg7[%add3A_1159, %add3A_205] : memref<736x64xf32, #tpu.memory_space<vmem>>[vector<16xi32>, vector<16xi32>], vector<16xf32>,
        %add3A_1184 = arith.addf %add3A_1176, %gather3A_1183 : vector<16xf32>
        %gather3A_1185 = tpu.vector_load_idx %arg7[%add3A_1159, %add3A_209] : memref<736x64xf32, #tpu.memory_space<vmem>>[vector<16xi32>, vector<16xi32>], vector<16xf32>,
        %add3A_1186 = arith.addf %add3A_1178, %gather3A_1185 : vector<16xf32>
        %gather3A_1187 = tpu.vector_load_idx %arg7[%add3A_1159, %add3A_213] : memref<736x64xf32, #tpu.memory_space<vmem>>[vector<16xi32>, vector<16xi32>], vector<16xf32>,
        %add3A_1188 = arith.addf %add3A_1180, %gather3A_1187 : vector<16xf32>
        %gather3A_1189 = tpu.vector_load_idx %arg7[%add3A_1159, %add3A_217] : memref<736x64xf32, #tpu.memory_space<vmem>>[vector<16xi32>, vector<16xi32>], vector<16xf32>,
        %add3A_1190 = arith.addf %add3A_1182, %gather3A_1189 : vector<16xf32>
        %gather3A_1191 = tpu.vector_load_idx %arg7[%add3A_1168, %add3A_205] : memref<736x64xf32, #tpu.memory_space<vmem>>[vector<16xi32>, vector<16xi32>], vector<16xf32>,
        %add3A_1192 = arith.addf %add3A_1184, %gather3A_1191 : vector<16xf32>
        %gather3A_1193 = tpu.vector_load_idx %arg7[%add3A_1168, %add3A_209] : memref<736x64xf32, #tpu.memory_space<vmem>>[vector<16xi32>, vector<16xi32>], vector<16xf32>,
        %add3A_1194 = arith.addf %add3A_1186, %gather3A_1193 : vector<16xf32>
        %gather3A_1195 = tpu.vector_load_idx %arg7[%add3A_1168, %add3A_213] : memref<736x64xf32, #tpu.memory_space<vmem>>[vector<16xi32>, vector<16xi32>], vector<16xf32>,
        %add3A_1196 = arith.addf %add3A_1188, %gather3A_1195 : vector<16xf32>
        %gather3A_1197 = tpu.vector_load_idx %arg7[%add3A_1168, %add3A_217] : memref<736x64xf32, #tpu.memory_space<vmem>>[vector<16xi32>, vector<16xi32>], vector<16xf32>,
        %add3A_1198 = arith.addf %add3A_1190, %gather3A_1197 : vector<16xf32>
        %gather3A_1199 = tpu.vector_load_idx %arg7[%add3A_1174, %add3A_205] : memref<736x64xf32, #tpu.memory_space<vmem>>[vector<16xi32>, vector<16xi32>], vector<16xf32>,
        %add3A_1200 = arith.addf %add3A_1192, %gather3A_1199 : vector<16xf32>
        %gather3A_1201 = tpu.vector_load_idx %arg7[%add3A_1174, %add3A_209] : memref<736x64xf32, #tpu.memory_space<vmem>>[vector<16xi32>, vector<16xi32>], vector<16xf32>,
        %add3A_1202 = arith.addf %add3A_1194, %gather3A_1201 : vector<16xf32>
        %gather3A_1203 = tpu.vector_load_idx %arg7[%add3A_1174, %add3A_213] : memref<736x64xf32, #tpu.memory_space<vmem>>[vector<16xi32>, vector<16xi32>], vector<16xf32>,
        %add3A_1204 = arith.addf %add3A_1196, %gather3A_1203 : vector<16xf32>
        %gather3A_1205 = tpu.vector_load_idx %arg7[%add3A_1174, %add3A_217] : memref<736x64xf32, #tpu.memory_space<vmem>>[vector<16xi32>, vector<16xi32>], vector<16xf32>,
        %add3A_1206 = arith.addf %add3A_1198, %gather3A_1205 : vector<16xf32>
        %swap3A_1207 = arith.index_cast %and3A_168 : i32 to index
        %swap3A_1208 = arith.index_cast %scan3A_1126 : i32 to index
        %swap3A_1209 = arith.constant 0 : index
        %swap3A_1210 = tpu.vector_load %arg10[%swap3A_1207, %swap3A_1208, %swap3A_1209] {strides = array<i32>} : memref<2x256x64xf32, #tpu.memory_space<vmem>>, vector<16xf32>,
        tpu.vector_store %arg10[%swap3A_1207, %swap3A_1208, %swap3A_1209], %add3A_1200 {strides = array<i32>} : memref<2x256x64xf32, #tpu.memory_space<vmem>>, vector<16xf32>,
        %swap3A_1211 = arith.index_cast %and3A_168 : i32 to index
        %swap3A_1212 = arith.index_cast %scan3A_1126 : i32 to index
        %swap3A_1213 = arith.constant 16 : index
        %swap3A_1214 = tpu.vector_load %arg10[%swap3A_1211, %swap3A_1212, %swap3A_1213] {strides = array<i32>} : memref<2x256x64xf32, #tpu.memory_space<vmem>>, vector<16xf32>,
        tpu.vector_store %arg10[%swap3A_1211, %swap3A_1212, %swap3A_1213], %add3A_1202 {strides = array<i32>} : memref<2x256x64xf32, #tpu.memory_space<vmem>>, vector<16xf32>,
        %swap3A_1215 = arith.index_cast %and3A_168 : i32 to index
        %swap3A_1216 = arith.index_cast %scan3A_1126 : i32 to index
        %swap3A_1217 = arith.constant 32 : index
        %swap3A_1218 = tpu.vector_load %arg10[%swap3A_1215, %swap3A_1216, %swap3A_1217] {strides = array<i32>} : memref<2x256x64xf32, #tpu.memory_space<vmem>>, vector<16xf32>,
        tpu.vector_store %arg10[%swap3A_1215, %swap3A_1216, %swap3A_1217], %add3A_1204 {strides = array<i32>} : memref<2x256x64xf32, #tpu.memory_space<vmem>>, vector<16xf32>,
        %swap3A_1219 = arith.index_cast %and3A_168 : i32 to index
        %swap3A_1220 = arith.index_cast %scan3A_1126 : i32 to index
        %swap3A_1221 = arith.constant 48 : index
        %swap3A_1222 = tpu.vector_load %arg10[%swap3A_1219, %swap3A_1220, %swap3A_1221] {strides = array<i32>} : memref<2x256x64xf32, #tpu.memory_space<vmem>>, vector<16xf32>,
        tpu.vector_store %arg10[%swap3A_1219, %swap3A_1220, %swap3A_1221], %add3A_1206 {strides = array<i32>} : memref<2x256x64xf32, #tpu.memory_space<vmem>>, vector<16xf32>,
        %scan3A_1223 = arith.constant 10 : i32
        %scan3A_1224 = arith.addi %scan3A_248, %scan3A_1223 : i32
        %broadcast_in_dim3A_1225 = vector.broadcast %scan3A_1224 : i32 to vector<16xi32>
        %get3A_1226 = arith.index_cast %and3A_168 : i32 to index
        %get3A_1227 = arith.index_cast %scan3A_1224 : i32 to index
        %get3A_1228 = arith.constant 0 : index
        %get3A_1229 = tpu.vector_load %arg10[%get3A_1226, %get3A_1227, %get3A_1228] {strides = array<i32>} : memref<2x256x64xf32, #tpu.memory_space<vmem>>, vector<16xf32>,
        %get3A_1230 = arith.index_cast %and3A_168 : i32 to index
        %get3A_1231 = arith.index_cast %scan3A_1224 : i32 to index
        %get3A_1232 = arith.constant 16 : index
        %get3A_1233 = tpu.vector_load %arg10[%get3A_1230, %get3A_1231, %get3A_1232] {strides = array<i32>} : memref<2x256x64xf32, #tpu.memory_space<vmem>>, vector<16xf32>,
        %get3A_1234 = arith.index_cast %and3A_168 : i32 to index
        %get3A_1235 = arith.index_cast %scan3A_1224 : i32 to index
        %get3A_1236 = arith.constant 32 : index
        %get3A_1237 = tpu.vector_load %arg10[%get3A_1234, %get3A_1235, %get3A_1236] {strides = array<i32>} : memref<2x256x64xf32, #tpu.memory_space<vmem>>, vector<16xf32>,
        %get3A_1238 = arith.index_cast %and3A_168 : i32 to index
        %get3A_1239 = arith.index_cast %scan3A_1224 : i32 to index
        %get3A_1240 = arith.constant 48 : index
        %get3A_1241 = tpu.vector_load %arg10[%get3A_1238, %get3A_1239, %get3A_1240] {strides = array<i32>} : memref<2x256x64xf32, #tpu.memory_space<vmem>>, vector<16xf32>,
        %gather3A_1242 = tpu.vector_load_idx %arg9[%broadcast_in_dim3A, %broadcast_in_dim3A_1225] : memref<2x272xi32, #tpu.memory_space<vmem>>[vector<16xi32>, vector<16xi32>], vector<16xi32>,
        %and3A_1243 = arith.constant 31 : i32
        %and3A_1244 = vector.broadcast %and3A_1243 : i32 to vector<16xi32>
        %and3A_1245 = arith.andi %gather3A_1242, %and3A_1244 : vector<16xi32>
        %add3A_1246 = arith.constant 0 : i32
        %add3A_1247 = vector.broadcast %add3A_1246 : i32 to vector<16xi32>
        %add3A_1248 = arith.addi %and3A_1245, %add3A_1247 : vector<16xi32>
        %shift_right_arithmetic3A_1249 = arith.constant 5 : i32
        %shift_right_arithmetic3A_1250 = vector.broadcast %shift_right_arithmetic3A_1249 : i32 to vector<16xi32>
        %shift_right_arithmetic3A_1251 = arith.shrsi %gather3A_1242, %shift_right_arithmetic3A_1250 : vector<16xi32>
        %and3A_1252 = arith.constant 63 : i32
        %and3A_1253 = vector.broadcast %and3A_1252 : i32 to vector<16xi32>
        %and3A_1254 = arith.andi %shift_right_arithmetic3A_1251, %and3A_1253 : vector<16xi32>
        %add3A_1255 = arith.constant 32 : i32
        %add3A_1256 = vector.broadcast %add3A_1255 : i32 to vector<16xi32>
        %add3A_1257 = arith.addi %and3A_1254, %add3A_1256 : vector<16xi32>
        %shift_right_arithmetic3A_1258 = arith.constant 11 : i32
        %shift_right_arithmetic3A_1259 = vector.broadcast %shift_right_arithmetic3A_1258 : i32 to vector<16xi32>
        %shift_right_arithmetic3A_1260 = arith.shrsi %gather3A_1242, %shift_right_arithmetic3A_1259 : vector<16xi32>
        %and3A_1261 = arith.constant 511 : i32
        %and3A_1262 = vector.broadcast %and3A_1261 : i32 to vector<16xi32>
        %and3A_1263 = arith.andi %shift_right_arithmetic3A_1260, %and3A_1262 : vector<16xi32>
        %add3A_1264 = arith.constant 96 : i32
        %add3A_1265 = vector.broadcast %add3A_1264 : i32 to vector<16xi32>
        %add3A_1266 = arith.addi %and3A_1263, %add3A_1265 : vector<16xi32>
        %shift_right_arithmetic3A_1267 = arith.constant 20 : i32
        %shift_right_arithmetic3A_1268 = vector.broadcast %shift_right_arithmetic3A_1267 : i32 to vector<16xi32>
        %shift_right_arithmetic3A_1269 = arith.shrsi %gather3A_1242, %shift_right_arithmetic3A_1268 : vector<16xi32>
        %add3A_1270 = arith.constant 608 : i32
        %add3A_1271 = vector.broadcast %add3A_1270 : i32 to vector<16xi32>
        %add3A_1272 = arith.addi %shift_right_arithmetic3A_1269, %add3A_1271 : vector<16xi32>
        %gather3A_1273 = tpu.vector_load_idx %arg7[%add3A_1248, %add3A_205] : memref<736x64xf32, #tpu.memory_space<vmem>>[vector<16xi32>, vector<16xi32>], vector<16xf32>,
        %add3A_1274 = arith.addf %get3A_1229, %gather3A_1273 : vector<16xf32>
        %gather3A_1275 = tpu.vector_load_idx %arg7[%add3A_1248, %add3A_209] : memref<736x64xf32, #tpu.memory_space<vmem>>[vector<16xi32>, vector<16xi32>], vector<16xf32>,
        %add3A_1276 = arith.addf %get3A_1233, %gather3A_1275 : vector<16xf32>
        %gather3A_1277 = tpu.vector_load_idx %arg7[%add3A_1248, %add3A_213] : memref<736x64xf32, #tpu.memory_space<vmem>>[vector<16xi32>, vector<16xi32>], vector<16xf32>,
        %add3A_1278 = arith.addf %get3A_1237, %gather3A_1277 : vector<16xf32>
        %gather3A_1279 = tpu.vector_load_idx %arg7[%add3A_1248, %add3A_217] : memref<736x64xf32, #tpu.memory_space<vmem>>[vector<16xi32>, vector<16xi32>], vector<16xf32>,
        %add3A_1280 = arith.addf %get3A_1241, %gather3A_1279 : vector<16xf32>
        %gather3A_1281 = tpu.vector_load_idx %arg7[%add3A_1257, %add3A_205] : memref<736x64xf32, #tpu.memory_space<vmem>>[vector<16xi32>, vector<16xi32>], vector<16xf32>,
        %add3A_1282 = arith.addf %add3A_1274, %gather3A_1281 : vector<16xf32>
        %gather3A_1283 = tpu.vector_load_idx %arg7[%add3A_1257, %add3A_209] : memref<736x64xf32, #tpu.memory_space<vmem>>[vector<16xi32>, vector<16xi32>], vector<16xf32>,
        %add3A_1284 = arith.addf %add3A_1276, %gather3A_1283 : vector<16xf32>
        %gather3A_1285 = tpu.vector_load_idx %arg7[%add3A_1257, %add3A_213] : memref<736x64xf32, #tpu.memory_space<vmem>>[vector<16xi32>, vector<16xi32>], vector<16xf32>,
        %add3A_1286 = arith.addf %add3A_1278, %gather3A_1285 : vector<16xf32>
        %gather3A_1287 = tpu.vector_load_idx %arg7[%add3A_1257, %add3A_217] : memref<736x64xf32, #tpu.memory_space<vmem>>[vector<16xi32>, vector<16xi32>], vector<16xf32>,
        %add3A_1288 = arith.addf %add3A_1280, %gather3A_1287 : vector<16xf32>
        %gather3A_1289 = tpu.vector_load_idx %arg7[%add3A_1266, %add3A_205] : memref<736x64xf32, #tpu.memory_space<vmem>>[vector<16xi32>, vector<16xi32>], vector<16xf32>,
        %add3A_1290 = arith.addf %add3A_1282, %gather3A_1289 : vector<16xf32>
        %gather3A_1291 = tpu.vector_load_idx %arg7[%add3A_1266, %add3A_209] : memref<736x64xf32, #tpu.memory_space<vmem>>[vector<16xi32>, vector<16xi32>], vector<16xf32>,
        %add3A_1292 = arith.addf %add3A_1284, %gather3A_1291 : vector<16xf32>
        %gather3A_1293 = tpu.vector_load_idx %arg7[%add3A_1266, %add3A_213] : memref<736x64xf32, #tpu.memory_space<vmem>>[vector<16xi32>, vector<16xi32>], vector<16xf32>,
        %add3A_1294 = arith.addf %add3A_1286, %gather3A_1293 : vector<16xf32>
        %gather3A_1295 = tpu.vector_load_idx %arg7[%add3A_1266, %add3A_217] : memref<736x64xf32, #tpu.memory_space<vmem>>[vector<16xi32>, vector<16xi32>], vector<16xf32>,
        %add3A_1296 = arith.addf %add3A_1288, %gather3A_1295 : vector<16xf32>
        %gather3A_1297 = tpu.vector_load_idx %arg7[%add3A_1272, %add3A_205] : memref<736x64xf32, #tpu.memory_space<vmem>>[vector<16xi32>, vector<16xi32>], vector<16xf32>,
        %add3A_1298 = arith.addf %add3A_1290, %gather3A_1297 : vector<16xf32>
        %gather3A_1299 = tpu.vector_load_idx %arg7[%add3A_1272, %add3A_209] : memref<736x64xf32, #tpu.memory_space<vmem>>[vector<16xi32>, vector<16xi32>], vector<16xf32>,
        %add3A_1300 = arith.addf %add3A_1292, %gather3A_1299 : vector<16xf32>
        %gather3A_1301 = tpu.vector_load_idx %arg7[%add3A_1272, %add3A_213] : memref<736x64xf32, #tpu.memory_space<vmem>>[vector<16xi32>, vector<16xi32>], vector<16xf32>,
        %add3A_1302 = arith.addf %add3A_1294, %gather3A_1301 : vector<16xf32>
        %gather3A_1303 = tpu.vector_load_idx %arg7[%add3A_1272, %add3A_217] : memref<736x64xf32, #tpu.memory_space<vmem>>[vector<16xi32>, vector<16xi32>], vector<16xf32>,
        %add3A_1304 = arith.addf %add3A_1296, %gather3A_1303 : vector<16xf32>
        %swap3A_1305 = arith.index_cast %and3A_168 : i32 to index
        %swap3A_1306 = arith.index_cast %scan3A_1224 : i32 to index
        %swap3A_1307 = arith.constant 0 : index
        %swap3A_1308 = tpu.vector_load %arg10[%swap3A_1305, %swap3A_1306, %swap3A_1307] {strides = array<i32>} : memref<2x256x64xf32, #tpu.memory_space<vmem>>, vector<16xf32>,
        tpu.vector_store %arg10[%swap3A_1305, %swap3A_1306, %swap3A_1307], %add3A_1298 {strides = array<i32>} : memref<2x256x64xf32, #tpu.memory_space<vmem>>, vector<16xf32>,
        %swap3A_1309 = arith.index_cast %and3A_168 : i32 to index
        %swap3A_1310 = arith.index_cast %scan3A_1224 : i32 to index
        %swap3A_1311 = arith.constant 16 : index
        %swap3A_1312 = tpu.vector_load %arg10[%swap3A_1309, %swap3A_1310, %swap3A_1311] {strides = array<i32>} : memref<2x256x64xf32, #tpu.memory_space<vmem>>, vector<16xf32>,
        tpu.vector_store %arg10[%swap3A_1309, %swap3A_1310, %swap3A_1311], %add3A_1300 {strides = array<i32>} : memref<2x256x64xf32, #tpu.memory_space<vmem>>, vector<16xf32>,
        %swap3A_1313 = arith.index_cast %and3A_168 : i32 to index
        %swap3A_1314 = arith.index_cast %scan3A_1224 : i32 to index
        %swap3A_1315 = arith.constant 32 : index
        %swap3A_1316 = tpu.vector_load %arg10[%swap3A_1313, %swap3A_1314, %swap3A_1315] {strides = array<i32>} : memref<2x256x64xf32, #tpu.memory_space<vmem>>, vector<16xf32>,
        tpu.vector_store %arg10[%swap3A_1313, %swap3A_1314, %swap3A_1315], %add3A_1302 {strides = array<i32>} : memref<2x256x64xf32, #tpu.memory_space<vmem>>, vector<16xf32>,
        %swap3A_1317 = arith.index_cast %and3A_168 : i32 to index
        %swap3A_1318 = arith.index_cast %scan3A_1224 : i32 to index
        %swap3A_1319 = arith.constant 48 : index
        %swap3A_1320 = tpu.vector_load %arg10[%swap3A_1317, %swap3A_1318, %swap3A_1319] {strides = array<i32>} : memref<2x256x64xf32, #tpu.memory_space<vmem>>, vector<16xf32>,
        tpu.vector_store %arg10[%swap3A_1317, %swap3A_1318, %swap3A_1319], %add3A_1304 {strides = array<i32>} : memref<2x256x64xf32, #tpu.memory_space<vmem>>, vector<16xf32>,
        %scan3A_1321 = arith.constant 11 : i32
        %scan3A_1322 = arith.addi %scan3A_248, %scan3A_1321 : i32
        %broadcast_in_dim3A_1323 = vector.broadcast %scan3A_1322 : i32 to vector<16xi32>
        %get3A_1324 = arith.index_cast %and3A_168 : i32 to index
        %get3A_1325 = arith.index_cast %scan3A_1322 : i32 to index
        %get3A_1326 = arith.constant 0 : index
        %get3A_1327 = tpu.vector_load %arg10[%get3A_1324, %get3A_1325, %get3A_1326] {strides = array<i32>} : memref<2x256x64xf32, #tpu.memory_space<vmem>>, vector<16xf32>,
        %get3A_1328 = arith.index_cast %and3A_168 : i32 to index
        %get3A_1329 = arith.index_cast %scan3A_1322 : i32 to index
        %get3A_1330 = arith.constant 16 : index
        %get3A_1331 = tpu.vector_load %arg10[%get3A_1328, %get3A_1329, %get3A_1330] {strides = array<i32>} : memref<2x256x64xf32, #tpu.memory_space<vmem>>, vector<16xf32>,
        %get3A_1332 = arith.index_cast %and3A_168 : i32 to index
        %get3A_1333 = arith.index_cast %scan3A_1322 : i32 to index
        %get3A_1334 = arith.constant 32 : index
        %get3A_1335 = tpu.vector_load %arg10[%get3A_1332, %get3A_1333, %get3A_1334] {strides = array<i32>} : memref<2x256x64xf32, #tpu.memory_space<vmem>>, vector<16xf32>,
        %get3A_1336 = arith.index_cast %and3A_168 : i32 to index
        %get3A_1337 = arith.index_cast %scan3A_1322 : i32 to index
        %get3A_1338 = arith.constant 48 : index
        %get3A_1339 = tpu.vector_load %arg10[%get3A_1336, %get3A_1337, %get3A_1338] {strides = array<i32>} : memref<2x256x64xf32, #tpu.memory_space<vmem>>, vector<16xf32>,
        %gather3A_1340 = tpu.vector_load_idx %arg9[%broadcast_in_dim3A, %broadcast_in_dim3A_1323] : memref<2x272xi32, #tpu.memory_space<vmem>>[vector<16xi32>, vector<16xi32>], vector<16xi32>,
        %and3A_1341 = arith.constant 31 : i32
        %and3A_1342 = vector.broadcast %and3A_1341 : i32 to vector<16xi32>
        %and3A_1343 = arith.andi %gather3A_1340, %and3A_1342 : vector<16xi32>
        %add3A_1344 = arith.constant 0 : i32
        %add3A_1345 = vector.broadcast %add3A_1344 : i32 to vector<16xi32>
        %add3A_1346 = arith.addi %and3A_1343, %add3A_1345 : vector<16xi32>
        %shift_right_arithmetic3A_1347 = arith.constant 5 : i32
        %shift_right_arithmetic3A_1348 = vector.broadcast %shift_right_arithmetic3A_1347 : i32 to vector<16xi32>
        %shift_right_arithmetic3A_1349 = arith.shrsi %gather3A_1340, %shift_right_arithmetic3A_1348 : vector<16xi32>
        %and3A_1350 = arith.constant 63 : i32
        %and3A_1351 = vector.broadcast %and3A_1350 : i32 to vector<16xi32>
        %and3A_1352 = arith.andi %shift_right_arithmetic3A_1349, %and3A_1351 : vector<16xi32>
        %add3A_1353 = arith.constant 32 : i32
        %add3A_1354 = vector.broadcast %add3A_1353 : i32 to vector<16xi32>
        %add3A_1355 = arith.addi %and3A_1352, %add3A_1354 : vector<16xi32>
        %shift_right_arithmetic3A_1356 = arith.constant 11 : i32
        %shift_right_arithmetic3A_1357 = vector.broadcast %shift_right_arithmetic3A_1356 : i32 to vector<16xi32>
        %shift_right_arithmetic3A_1358 = arith.shrsi %gather3A_1340, %shift_right_arithmetic3A_1357 : vector<16xi32>
        %and3A_1359 = arith.constant 511 : i32
        %and3A_1360 = vector.broadcast %and3A_1359 : i32 to vector<16xi32>
        %and3A_1361 = arith.andi %shift_right_arithmetic3A_1358, %and3A_1360 : vector<16xi32>
        %add3A_1362 = arith.constant 96 : i32
        %add3A_1363 = vector.broadcast %add3A_1362 : i32 to vector<16xi32>
        %add3A_1364 = arith.addi %and3A_1361, %add3A_1363 : vector<16xi32>
        %shift_right_arithmetic3A_1365 = arith.constant 20 : i32
        %shift_right_arithmetic3A_1366 = vector.broadcast %shift_right_arithmetic3A_1365 : i32 to vector<16xi32>
        %shift_right_arithmetic3A_1367 = arith.shrsi %gather3A_1340, %shift_right_arithmetic3A_1366 : vector<16xi32>
        %add3A_1368 = arith.constant 608 : i32
        %add3A_1369 = vector.broadcast %add3A_1368 : i32 to vector<16xi32>
        %add3A_1370 = arith.addi %shift_right_arithmetic3A_1367, %add3A_1369 : vector<16xi32>
        %gather3A_1371 = tpu.vector_load_idx %arg7[%add3A_1346, %add3A_205] : memref<736x64xf32, #tpu.memory_space<vmem>>[vector<16xi32>, vector<16xi32>], vector<16xf32>,
        %add3A_1372 = arith.addf %get3A_1327, %gather3A_1371 : vector<16xf32>
        %gather3A_1373 = tpu.vector_load_idx %arg7[%add3A_1346, %add3A_209] : memref<736x64xf32, #tpu.memory_space<vmem>>[vector<16xi32>, vector<16xi32>], vector<16xf32>,
        %add3A_1374 = arith.addf %get3A_1331, %gather3A_1373 : vector<16xf32>
        %gather3A_1375 = tpu.vector_load_idx %arg7[%add3A_1346, %add3A_213] : memref<736x64xf32, #tpu.memory_space<vmem>>[vector<16xi32>, vector<16xi32>], vector<16xf32>,
        %add3A_1376 = arith.addf %get3A_1335, %gather3A_1375 : vector<16xf32>
        %gather3A_1377 = tpu.vector_load_idx %arg7[%add3A_1346, %add3A_217] : memref<736x64xf32, #tpu.memory_space<vmem>>[vector<16xi32>, vector<16xi32>], vector<16xf32>,
        %add3A_1378 = arith.addf %get3A_1339, %gather3A_1377 : vector<16xf32>
        %gather3A_1379 = tpu.vector_load_idx %arg7[%add3A_1355, %add3A_205] : memref<736x64xf32, #tpu.memory_space<vmem>>[vector<16xi32>, vector<16xi32>], vector<16xf32>,
        %add3A_1380 = arith.addf %add3A_1372, %gather3A_1379 : vector<16xf32>
        %gather3A_1381 = tpu.vector_load_idx %arg7[%add3A_1355, %add3A_209] : memref<736x64xf32, #tpu.memory_space<vmem>>[vector<16xi32>, vector<16xi32>], vector<16xf32>,
        %add3A_1382 = arith.addf %add3A_1374, %gather3A_1381 : vector<16xf32>
        %gather3A_1383 = tpu.vector_load_idx %arg7[%add3A_1355, %add3A_213] : memref<736x64xf32, #tpu.memory_space<vmem>>[vector<16xi32>, vector<16xi32>], vector<16xf32>,
        %add3A_1384 = arith.addf %add3A_1376, %gather3A_1383 : vector<16xf32>
        %gather3A_1385 = tpu.vector_load_idx %arg7[%add3A_1355, %add3A_217] : memref<736x64xf32, #tpu.memory_space<vmem>>[vector<16xi32>, vector<16xi32>], vector<16xf32>,
        %add3A_1386 = arith.addf %add3A_1378, %gather3A_1385 : vector<16xf32>
        %gather3A_1387 = tpu.vector_load_idx %arg7[%add3A_1364, %add3A_205] : memref<736x64xf32, #tpu.memory_space<vmem>>[vector<16xi32>, vector<16xi32>], vector<16xf32>,
        %add3A_1388 = arith.addf %add3A_1380, %gather3A_1387 : vector<16xf32>
        %gather3A_1389 = tpu.vector_load_idx %arg7[%add3A_1364, %add3A_209] : memref<736x64xf32, #tpu.memory_space<vmem>>[vector<16xi32>, vector<16xi32>], vector<16xf32>,
        %add3A_1390 = arith.addf %add3A_1382, %gather3A_1389 : vector<16xf32>
        %gather3A_1391 = tpu.vector_load_idx %arg7[%add3A_1364, %add3A_213] : memref<736x64xf32, #tpu.memory_space<vmem>>[vector<16xi32>, vector<16xi32>], vector<16xf32>,
        %add3A_1392 = arith.addf %add3A_1384, %gather3A_1391 : vector<16xf32>
        %gather3A_1393 = tpu.vector_load_idx %arg7[%add3A_1364, %add3A_217] : memref<736x64xf32, #tpu.memory_space<vmem>>[vector<16xi32>, vector<16xi32>], vector<16xf32>,
        %add3A_1394 = arith.addf %add3A_1386, %gather3A_1393 : vector<16xf32>
        %gather3A_1395 = tpu.vector_load_idx %arg7[%add3A_1370, %add3A_205] : memref<736x64xf32, #tpu.memory_space<vmem>>[vector<16xi32>, vector<16xi32>], vector<16xf32>,
        %add3A_1396 = arith.addf %add3A_1388, %gather3A_1395 : vector<16xf32>
        %gather3A_1397 = tpu.vector_load_idx %arg7[%add3A_1370, %add3A_209] : memref<736x64xf32, #tpu.memory_space<vmem>>[vector<16xi32>, vector<16xi32>], vector<16xf32>,
        %add3A_1398 = arith.addf %add3A_1390, %gather3A_1397 : vector<16xf32>
        %gather3A_1399 = tpu.vector_load_idx %arg7[%add3A_1370, %add3A_213] : memref<736x64xf32, #tpu.memory_space<vmem>>[vector<16xi32>, vector<16xi32>], vector<16xf32>,
        %add3A_1400 = arith.addf %add3A_1392, %gather3A_1399 : vector<16xf32>
        %gather3A_1401 = tpu.vector_load_idx %arg7[%add3A_1370, %add3A_217] : memref<736x64xf32, #tpu.memory_space<vmem>>[vector<16xi32>, vector<16xi32>], vector<16xf32>,
        %add3A_1402 = arith.addf %add3A_1394, %gather3A_1401 : vector<16xf32>
        %swap3A_1403 = arith.index_cast %and3A_168 : i32 to index
        %swap3A_1404 = arith.index_cast %scan3A_1322 : i32 to index
        %swap3A_1405 = arith.constant 0 : index
        %swap3A_1406 = tpu.vector_load %arg10[%swap3A_1403, %swap3A_1404, %swap3A_1405] {strides = array<i32>} : memref<2x256x64xf32, #tpu.memory_space<vmem>>, vector<16xf32>,
        tpu.vector_store %arg10[%swap3A_1403, %swap3A_1404, %swap3A_1405], %add3A_1396 {strides = array<i32>} : memref<2x256x64xf32, #tpu.memory_space<vmem>>, vector<16xf32>,
        %swap3A_1407 = arith.index_cast %and3A_168 : i32 to index
        %swap3A_1408 = arith.index_cast %scan3A_1322 : i32 to index
        %swap3A_1409 = arith.constant 16 : index
        %swap3A_1410 = tpu.vector_load %arg10[%swap3A_1407, %swap3A_1408, %swap3A_1409] {strides = array<i32>} : memref<2x256x64xf32, #tpu.memory_space<vmem>>, vector<16xf32>,
        tpu.vector_store %arg10[%swap3A_1407, %swap3A_1408, %swap3A_1409], %add3A_1398 {strides = array<i32>} : memref<2x256x64xf32, #tpu.memory_space<vmem>>, vector<16xf32>,
        %swap3A_1411 = arith.index_cast %and3A_168 : i32 to index
        %swap3A_1412 = arith.index_cast %scan3A_1322 : i32 to index
        %swap3A_1413 = arith.constant 32 : index
        %swap3A_1414 = tpu.vector_load %arg10[%swap3A_1411, %swap3A_1412, %swap3A_1413] {strides = array<i32>} : memref<2x256x64xf32, #tpu.memory_space<vmem>>, vector<16xf32>,
        tpu.vector_store %arg10[%swap3A_1411, %swap3A_1412, %swap3A_1413], %add3A_1400 {strides = array<i32>} : memref<2x256x64xf32, #tpu.memory_space<vmem>>, vector<16xf32>,
        %swap3A_1415 = arith.index_cast %and3A_168 : i32 to index
        %swap3A_1416 = arith.index_cast %scan3A_1322 : i32 to index
        %swap3A_1417 = arith.constant 48 : index
        %swap3A_1418 = tpu.vector_load %arg10[%swap3A_1415, %swap3A_1416, %swap3A_1417] {strides = array<i32>} : memref<2x256x64xf32, #tpu.memory_space<vmem>>, vector<16xf32>,
        tpu.vector_store %arg10[%swap3A_1415, %swap3A_1416, %swap3A_1417], %add3A_1402 {strides = array<i32>} : memref<2x256x64xf32, #tpu.memory_space<vmem>>, vector<16xf32>,
        %scan3A_1419 = arith.constant 12 : i32
        %scan3A_1420 = arith.addi %scan3A_248, %scan3A_1419 : i32
        %broadcast_in_dim3A_1421 = vector.broadcast %scan3A_1420 : i32 to vector<16xi32>
        %get3A_1422 = arith.index_cast %and3A_168 : i32 to index
        %get3A_1423 = arith.index_cast %scan3A_1420 : i32 to index
        %get3A_1424 = arith.constant 0 : index
        %get3A_1425 = tpu.vector_load %arg10[%get3A_1422, %get3A_1423, %get3A_1424] {strides = array<i32>} : memref<2x256x64xf32, #tpu.memory_space<vmem>>, vector<16xf32>,
        %get3A_1426 = arith.index_cast %and3A_168 : i32 to index
        %get3A_1427 = arith.index_cast %scan3A_1420 : i32 to index
        %get3A_1428 = arith.constant 16 : index
        %get3A_1429 = tpu.vector_load %arg10[%get3A_1426, %get3A_1427, %get3A_1428] {strides = array<i32>} : memref<2x256x64xf32, #tpu.memory_space<vmem>>, vector<16xf32>,
        %get3A_1430 = arith.index_cast %and3A_168 : i32 to index
        %get3A_1431 = arith.index_cast %scan3A_1420 : i32 to index
        %get3A_1432 = arith.constant 32 : index
        %get3A_1433 = tpu.vector_load %arg10[%get3A_1430, %get3A_1431, %get3A_1432] {strides = array<i32>} : memref<2x256x64xf32, #tpu.memory_space<vmem>>, vector<16xf32>,
        %get3A_1434 = arith.index_cast %and3A_168 : i32 to index
        %get3A_1435 = arith.index_cast %scan3A_1420 : i32 to index
        %get3A_1436 = arith.constant 48 : index
        %get3A_1437 = tpu.vector_load %arg10[%get3A_1434, %get3A_1435, %get3A_1436] {strides = array<i32>} : memref<2x256x64xf32, #tpu.memory_space<vmem>>, vector<16xf32>,
        %gather3A_1438 = tpu.vector_load_idx %arg9[%broadcast_in_dim3A, %broadcast_in_dim3A_1421] : memref<2x272xi32, #tpu.memory_space<vmem>>[vector<16xi32>, vector<16xi32>], vector<16xi32>,
        %and3A_1439 = arith.constant 31 : i32
        %and3A_1440 = vector.broadcast %and3A_1439 : i32 to vector<16xi32>
        %and3A_1441 = arith.andi %gather3A_1438, %and3A_1440 : vector<16xi32>
        %add3A_1442 = arith.constant 0 : i32
        %add3A_1443 = vector.broadcast %add3A_1442 : i32 to vector<16xi32>
        %add3A_1444 = arith.addi %and3A_1441, %add3A_1443 : vector<16xi32>
        %shift_right_arithmetic3A_1445 = arith.constant 5 : i32
        %shift_right_arithmetic3A_1446 = vector.broadcast %shift_right_arithmetic3A_1445 : i32 to vector<16xi32>
        %shift_right_arithmetic3A_1447 = arith.shrsi %gather3A_1438, %shift_right_arithmetic3A_1446 : vector<16xi32>
        %and3A_1448 = arith.constant 63 : i32
        %and3A_1449 = vector.broadcast %and3A_1448 : i32 to vector<16xi32>
        %and3A_1450 = arith.andi %shift_right_arithmetic3A_1447, %and3A_1449 : vector<16xi32>
        %add3A_1451 = arith.constant 32 : i32
        %add3A_1452 = vector.broadcast %add3A_1451 : i32 to vector<16xi32>
        %add3A_1453 = arith.addi %and3A_1450, %add3A_1452 : vector<16xi32>
        %shift_right_arithmetic3A_1454 = arith.constant 11 : i32
        %shift_right_arithmetic3A_1455 = vector.broadcast %shift_right_arithmetic3A_1454 : i32 to vector<16xi32>
        %shift_right_arithmetic3A_1456 = arith.shrsi %gather3A_1438, %shift_right_arithmetic3A_1455 : vector<16xi32>
        %and3A_1457 = arith.constant 511 : i32
        %and3A_1458 = vector.broadcast %and3A_1457 : i32 to vector<16xi32>
        %and3A_1459 = arith.andi %shift_right_arithmetic3A_1456, %and3A_1458 : vector<16xi32>
        %add3A_1460 = arith.constant 96 : i32
        %add3A_1461 = vector.broadcast %add3A_1460 : i32 to vector<16xi32>
        %add3A_1462 = arith.addi %and3A_1459, %add3A_1461 : vector<16xi32>
        %shift_right_arithmetic3A_1463 = arith.constant 20 : i32
        %shift_right_arithmetic3A_1464 = vector.broadcast %shift_right_arithmetic3A_1463 : i32 to vector<16xi32>
        %shift_right_arithmetic3A_1465 = arith.shrsi %gather3A_1438, %shift_right_arithmetic3A_1464 : vector<16xi32>
        %add3A_1466 = arith.constant 608 : i32
        %add3A_1467 = vector.broadcast %add3A_1466 : i32 to vector<16xi32>
        %add3A_1468 = arith.addi %shift_right_arithmetic3A_1465, %add3A_1467 : vector<16xi32>
        %gather3A_1469 = tpu.vector_load_idx %arg7[%add3A_1444, %add3A_205] : memref<736x64xf32, #tpu.memory_space<vmem>>[vector<16xi32>, vector<16xi32>], vector<16xf32>,
        %add3A_1470 = arith.addf %get3A_1425, %gather3A_1469 : vector<16xf32>
        %gather3A_1471 = tpu.vector_load_idx %arg7[%add3A_1444, %add3A_209] : memref<736x64xf32, #tpu.memory_space<vmem>>[vector<16xi32>, vector<16xi32>], vector<16xf32>,
        %add3A_1472 = arith.addf %get3A_1429, %gather3A_1471 : vector<16xf32>
        %gather3A_1473 = tpu.vector_load_idx %arg7[%add3A_1444, %add3A_213] : memref<736x64xf32, #tpu.memory_space<vmem>>[vector<16xi32>, vector<16xi32>], vector<16xf32>,
        %add3A_1474 = arith.addf %get3A_1433, %gather3A_1473 : vector<16xf32>
        %gather3A_1475 = tpu.vector_load_idx %arg7[%add3A_1444, %add3A_217] : memref<736x64xf32, #tpu.memory_space<vmem>>[vector<16xi32>, vector<16xi32>], vector<16xf32>,
        %add3A_1476 = arith.addf %get3A_1437, %gather3A_1475 : vector<16xf32>
        %gather3A_1477 = tpu.vector_load_idx %arg7[%add3A_1453, %add3A_205] : memref<736x64xf32, #tpu.memory_space<vmem>>[vector<16xi32>, vector<16xi32>], vector<16xf32>,
        %add3A_1478 = arith.addf %add3A_1470, %gather3A_1477 : vector<16xf32>
        %gather3A_1479 = tpu.vector_load_idx %arg7[%add3A_1453, %add3A_209] : memref<736x64xf32, #tpu.memory_space<vmem>>[vector<16xi32>, vector<16xi32>], vector<16xf32>,
        %add3A_1480 = arith.addf %add3A_1472, %gather3A_1479 : vector<16xf32>
        %gather3A_1481 = tpu.vector_load_idx %arg7[%add3A_1453, %add3A_213] : memref<736x64xf32, #tpu.memory_space<vmem>>[vector<16xi32>, vector<16xi32>], vector<16xf32>,
        %add3A_1482 = arith.addf %add3A_1474, %gather3A_1481 : vector<16xf32>
        %gather3A_1483 = tpu.vector_load_idx %arg7[%add3A_1453, %add3A_217] : memref<736x64xf32, #tpu.memory_space<vmem>>[vector<16xi32>, vector<16xi32>], vector<16xf32>,
        %add3A_1484 = arith.addf %add3A_1476, %gather3A_1483 : vector<16xf32>
        %gather3A_1485 = tpu.vector_load_idx %arg7[%add3A_1462, %add3A_205] : memref<736x64xf32, #tpu.memory_space<vmem>>[vector<16xi32>, vector<16xi32>], vector<16xf32>,
        %add3A_1486 = arith.addf %add3A_1478, %gather3A_1485 : vector<16xf32>
        %gather3A_1487 = tpu.vector_load_idx %arg7[%add3A_1462, %add3A_209] : memref<736x64xf32, #tpu.memory_space<vmem>>[vector<16xi32>, vector<16xi32>], vector<16xf32>,
        %add3A_1488 = arith.addf %add3A_1480, %gather3A_1487 : vector<16xf32>
        %gather3A_1489 = tpu.vector_load_idx %arg7[%add3A_1462, %add3A_213] : memref<736x64xf32, #tpu.memory_space<vmem>>[vector<16xi32>, vector<16xi32>], vector<16xf32>,
        %add3A_1490 = arith.addf %add3A_1482, %gather3A_1489 : vector<16xf32>
        %gather3A_1491 = tpu.vector_load_idx %arg7[%add3A_1462, %add3A_217] : memref<736x64xf32, #tpu.memory_space<vmem>>[vector<16xi32>, vector<16xi32>], vector<16xf32>,
        %add3A_1492 = arith.addf %add3A_1484, %gather3A_1491 : vector<16xf32>
        %gather3A_1493 = tpu.vector_load_idx %arg7[%add3A_1468, %add3A_205] : memref<736x64xf32, #tpu.memory_space<vmem>>[vector<16xi32>, vector<16xi32>], vector<16xf32>,
        %add3A_1494 = arith.addf %add3A_1486, %gather3A_1493 : vector<16xf32>
        %gather3A_1495 = tpu.vector_load_idx %arg7[%add3A_1468, %add3A_209] : memref<736x64xf32, #tpu.memory_space<vmem>>[vector<16xi32>, vector<16xi32>], vector<16xf32>,
        %add3A_1496 = arith.addf %add3A_1488, %gather3A_1495 : vector<16xf32>
        %gather3A_1497 = tpu.vector_load_idx %arg7[%add3A_1468, %add3A_213] : memref<736x64xf32, #tpu.memory_space<vmem>>[vector<16xi32>, vector<16xi32>], vector<16xf32>,
        %add3A_1498 = arith.addf %add3A_1490, %gather3A_1497 : vector<16xf32>
        %gather3A_1499 = tpu.vector_load_idx %arg7[%add3A_1468, %add3A_217] : memref<736x64xf32, #tpu.memory_space<vmem>>[vector<16xi32>, vector<16xi32>], vector<16xf32>,
        %add3A_1500 = arith.addf %add3A_1492, %gather3A_1499 : vector<16xf32>
        %swap3A_1501 = arith.index_cast %and3A_168 : i32 to index
        %swap3A_1502 = arith.index_cast %scan3A_1420 : i32 to index
        %swap3A_1503 = arith.constant 0 : index
        %swap3A_1504 = tpu.vector_load %arg10[%swap3A_1501, %swap3A_1502, %swap3A_1503] {strides = array<i32>} : memref<2x256x64xf32, #tpu.memory_space<vmem>>, vector<16xf32>,
        tpu.vector_store %arg10[%swap3A_1501, %swap3A_1502, %swap3A_1503], %add3A_1494 {strides = array<i32>} : memref<2x256x64xf32, #tpu.memory_space<vmem>>, vector<16xf32>,
        %swap3A_1505 = arith.index_cast %and3A_168 : i32 to index
        %swap3A_1506 = arith.index_cast %scan3A_1420 : i32 to index
        %swap3A_1507 = arith.constant 16 : index
        %swap3A_1508 = tpu.vector_load %arg10[%swap3A_1505, %swap3A_1506, %swap3A_1507] {strides = array<i32>} : memref<2x256x64xf32, #tpu.memory_space<vmem>>, vector<16xf32>,
        tpu.vector_store %arg10[%swap3A_1505, %swap3A_1506, %swap3A_1507], %add3A_1496 {strides = array<i32>} : memref<2x256x64xf32, #tpu.memory_space<vmem>>, vector<16xf32>,
        %swap3A_1509 = arith.index_cast %and3A_168 : i32 to index
        %swap3A_1510 = arith.index_cast %scan3A_1420 : i32 to index
        %swap3A_1511 = arith.constant 32 : index
        %swap3A_1512 = tpu.vector_load %arg10[%swap3A_1509, %swap3A_1510, %swap3A_1511] {strides = array<i32>} : memref<2x256x64xf32, #tpu.memory_space<vmem>>, vector<16xf32>,
        tpu.vector_store %arg10[%swap3A_1509, %swap3A_1510, %swap3A_1511], %add3A_1498 {strides = array<i32>} : memref<2x256x64xf32, #tpu.memory_space<vmem>>, vector<16xf32>,
        %swap3A_1513 = arith.index_cast %and3A_168 : i32 to index
        %swap3A_1514 = arith.index_cast %scan3A_1420 : i32 to index
        %swap3A_1515 = arith.constant 48 : index
        %swap3A_1516 = tpu.vector_load %arg10[%swap3A_1513, %swap3A_1514, %swap3A_1515] {strides = array<i32>} : memref<2x256x64xf32, #tpu.memory_space<vmem>>, vector<16xf32>,
        tpu.vector_store %arg10[%swap3A_1513, %swap3A_1514, %swap3A_1515], %add3A_1500 {strides = array<i32>} : memref<2x256x64xf32, #tpu.memory_space<vmem>>, vector<16xf32>,
        %scan3A_1517 = arith.constant 13 : i32
        %scan3A_1518 = arith.addi %scan3A_248, %scan3A_1517 : i32
        %broadcast_in_dim3A_1519 = vector.broadcast %scan3A_1518 : i32 to vector<16xi32>
        %get3A_1520 = arith.index_cast %and3A_168 : i32 to index
        %get3A_1521 = arith.index_cast %scan3A_1518 : i32 to index
        %get3A_1522 = arith.constant 0 : index
        %get3A_1523 = tpu.vector_load %arg10[%get3A_1520, %get3A_1521, %get3A_1522] {strides = array<i32>} : memref<2x256x64xf32, #tpu.memory_space<vmem>>, vector<16xf32>,
        %get3A_1524 = arith.index_cast %and3A_168 : i32 to index
        %get3A_1525 = arith.index_cast %scan3A_1518 : i32 to index
        %get3A_1526 = arith.constant 16 : index
        %get3A_1527 = tpu.vector_load %arg10[%get3A_1524, %get3A_1525, %get3A_1526] {strides = array<i32>} : memref<2x256x64xf32, #tpu.memory_space<vmem>>, vector<16xf32>,
        %get3A_1528 = arith.index_cast %and3A_168 : i32 to index
        %get3A_1529 = arith.index_cast %scan3A_1518 : i32 to index
        %get3A_1530 = arith.constant 32 : index
        %get3A_1531 = tpu.vector_load %arg10[%get3A_1528, %get3A_1529, %get3A_1530] {strides = array<i32>} : memref<2x256x64xf32, #tpu.memory_space<vmem>>, vector<16xf32>,
        %get3A_1532 = arith.index_cast %and3A_168 : i32 to index
        %get3A_1533 = arith.index_cast %scan3A_1518 : i32 to index
        %get3A_1534 = arith.constant 48 : index
        %get3A_1535 = tpu.vector_load %arg10[%get3A_1532, %get3A_1533, %get3A_1534] {strides = array<i32>} : memref<2x256x64xf32, #tpu.memory_space<vmem>>, vector<16xf32>,
        %gather3A_1536 = tpu.vector_load_idx %arg9[%broadcast_in_dim3A, %broadcast_in_dim3A_1519] : memref<2x272xi32, #tpu.memory_space<vmem>>[vector<16xi32>, vector<16xi32>], vector<16xi32>,
        %and3A_1537 = arith.constant 31 : i32
        %and3A_1538 = vector.broadcast %and3A_1537 : i32 to vector<16xi32>
        %and3A_1539 = arith.andi %gather3A_1536, %and3A_1538 : vector<16xi32>
        %add3A_1540 = arith.constant 0 : i32
        %add3A_1541 = vector.broadcast %add3A_1540 : i32 to vector<16xi32>
        %add3A_1542 = arith.addi %and3A_1539, %add3A_1541 : vector<16xi32>
        %shift_right_arithmetic3A_1543 = arith.constant 5 : i32
        %shift_right_arithmetic3A_1544 = vector.broadcast %shift_right_arithmetic3A_1543 : i32 to vector<16xi32>
        %shift_right_arithmetic3A_1545 = arith.shrsi %gather3A_1536, %shift_right_arithmetic3A_1544 : vector<16xi32>
        %and3A_1546 = arith.constant 63 : i32
        %and3A_1547 = vector.broadcast %and3A_1546 : i32 to vector<16xi32>
        %and3A_1548 = arith.andi %shift_right_arithmetic3A_1545, %and3A_1547 : vector<16xi32>
        %add3A_1549 = arith.constant 32 : i32
        %add3A_1550 = vector.broadcast %add3A_1549 : i32 to vector<16xi32>
        %add3A_1551 = arith.addi %and3A_1548, %add3A_1550 : vector<16xi32>
        %shift_right_arithmetic3A_1552 = arith.constant 11 : i32
        %shift_right_arithmetic3A_1553 = vector.broadcast %shift_right_arithmetic3A_1552 : i32 to vector<16xi32>
        %shift_right_arithmetic3A_1554 = arith.shrsi %gather3A_1536, %shift_right_arithmetic3A_1553 : vector<16xi32>
        %and3A_1555 = arith.constant 511 : i32
        %and3A_1556 = vector.broadcast %and3A_1555 : i32 to vector<16xi32>
        %and3A_1557 = arith.andi %shift_right_arithmetic3A_1554, %and3A_1556 : vector<16xi32>
        %add3A_1558 = arith.constant 96 : i32
        %add3A_1559 = vector.broadcast %add3A_1558 : i32 to vector<16xi32>
        %add3A_1560 = arith.addi %and3A_1557, %add3A_1559 : vector<16xi32>
        %shift_right_arithmetic3A_1561 = arith.constant 20 : i32
        %shift_right_arithmetic3A_1562 = vector.broadcast %shift_right_arithmetic3A_1561 : i32 to vector<16xi32>
        %shift_right_arithmetic3A_1563 = arith.shrsi %gather3A_1536, %shift_right_arithmetic3A_1562 : vector<16xi32>
        %add3A_1564 = arith.constant 608 : i32
        %add3A_1565 = vector.broadcast %add3A_1564 : i32 to vector<16xi32>
        %add3A_1566 = arith.addi %shift_right_arithmetic3A_1563, %add3A_1565 : vector<16xi32>
        %gather3A_1567 = tpu.vector_load_idx %arg7[%add3A_1542, %add3A_205] : memref<736x64xf32, #tpu.memory_space<vmem>>[vector<16xi32>, vector<16xi32>], vector<16xf32>,
        %add3A_1568 = arith.addf %get3A_1523, %gather3A_1567 : vector<16xf32>
        %gather3A_1569 = tpu.vector_load_idx %arg7[%add3A_1542, %add3A_209] : memref<736x64xf32, #tpu.memory_space<vmem>>[vector<16xi32>, vector<16xi32>], vector<16xf32>,
        %add3A_1570 = arith.addf %get3A_1527, %gather3A_1569 : vector<16xf32>
        %gather3A_1571 = tpu.vector_load_idx %arg7[%add3A_1542, %add3A_213] : memref<736x64xf32, #tpu.memory_space<vmem>>[vector<16xi32>, vector<16xi32>], vector<16xf32>,
        %add3A_1572 = arith.addf %get3A_1531, %gather3A_1571 : vector<16xf32>
        %gather3A_1573 = tpu.vector_load_idx %arg7[%add3A_1542, %add3A_217] : memref<736x64xf32, #tpu.memory_space<vmem>>[vector<16xi32>, vector<16xi32>], vector<16xf32>,
        %add3A_1574 = arith.addf %get3A_1535, %gather3A_1573 : vector<16xf32>
        %gather3A_1575 = tpu.vector_load_idx %arg7[%add3A_1551, %add3A_205] : memref<736x64xf32, #tpu.memory_space<vmem>>[vector<16xi32>, vector<16xi32>], vector<16xf32>,
        %add3A_1576 = arith.addf %add3A_1568, %gather3A_1575 : vector<16xf32>
        %gather3A_1577 = tpu.vector_load_idx %arg7[%add3A_1551, %add3A_209] : memref<736x64xf32, #tpu.memory_space<vmem>>[vector<16xi32>, vector<16xi32>], vector<16xf32>,
        %add3A_1578 = arith.addf %add3A_1570, %gather3A_1577 : vector<16xf32>
        %gather3A_1579 = tpu.vector_load_idx %arg7[%add3A_1551, %add3A_213] : memref<736x64xf32, #tpu.memory_space<vmem>>[vector<16xi32>, vector<16xi32>], vector<16xf32>,
        %add3A_1580 = arith.addf %add3A_1572, %gather3A_1579 : vector<16xf32>
        %gather3A_1581 = tpu.vector_load_idx %arg7[%add3A_1551, %add3A_217] : memref<736x64xf32, #tpu.memory_space<vmem>>[vector<16xi32>, vector<16xi32>], vector<16xf32>,
        %add3A_1582 = arith.addf %add3A_1574, %gather3A_1581 : vector<16xf32>
        %gather3A_1583 = tpu.vector_load_idx %arg7[%add3A_1560, %add3A_205] : memref<736x64xf32, #tpu.memory_space<vmem>>[vector<16xi32>, vector<16xi32>], vector<16xf32>,
        %add3A_1584 = arith.addf %add3A_1576, %gather3A_1583 : vector<16xf32>
        %gather3A_1585 = tpu.vector_load_idx %arg7[%add3A_1560, %add3A_209] : memref<736x64xf32, #tpu.memory_space<vmem>>[vector<16xi32>, vector<16xi32>], vector<16xf32>,
        %add3A_1586 = arith.addf %add3A_1578, %gather3A_1585 : vector<16xf32>
        %gather3A_1587 = tpu.vector_load_idx %arg7[%add3A_1560, %add3A_213] : memref<736x64xf32, #tpu.memory_space<vmem>>[vector<16xi32>, vector<16xi32>], vector<16xf32>,
        %add3A_1588 = arith.addf %add3A_1580, %gather3A_1587 : vector<16xf32>
        %gather3A_1589 = tpu.vector_load_idx %arg7[%add3A_1560, %add3A_217] : memref<736x64xf32, #tpu.memory_space<vmem>>[vector<16xi32>, vector<16xi32>], vector<16xf32>,
        %add3A_1590 = arith.addf %add3A_1582, %gather3A_1589 : vector<16xf32>
        %gather3A_1591 = tpu.vector_load_idx %arg7[%add3A_1566, %add3A_205] : memref<736x64xf32, #tpu.memory_space<vmem>>[vector<16xi32>, vector<16xi32>], vector<16xf32>,
        %add3A_1592 = arith.addf %add3A_1584, %gather3A_1591 : vector<16xf32>
        %gather3A_1593 = tpu.vector_load_idx %arg7[%add3A_1566, %add3A_209] : memref<736x64xf32, #tpu.memory_space<vmem>>[vector<16xi32>, vector<16xi32>], vector<16xf32>,
        %add3A_1594 = arith.addf %add3A_1586, %gather3A_1593 : vector<16xf32>
        %gather3A_1595 = tpu.vector_load_idx %arg7[%add3A_1566, %add3A_213] : memref<736x64xf32, #tpu.memory_space<vmem>>[vector<16xi32>, vector<16xi32>], vector<16xf32>,
        %add3A_1596 = arith.addf %add3A_1588, %gather3A_1595 : vector<16xf32>
        %gather3A_1597 = tpu.vector_load_idx %arg7[%add3A_1566, %add3A_217] : memref<736x64xf32, #tpu.memory_space<vmem>>[vector<16xi32>, vector<16xi32>], vector<16xf32>,
        %add3A_1598 = arith.addf %add3A_1590, %gather3A_1597 : vector<16xf32>
        %swap3A_1599 = arith.index_cast %and3A_168 : i32 to index
        %swap3A_1600 = arith.index_cast %scan3A_1518 : i32 to index
        %swap3A_1601 = arith.constant 0 : index
        %swap3A_1602 = tpu.vector_load %arg10[%swap3A_1599, %swap3A_1600, %swap3A_1601] {strides = array<i32>} : memref<2x256x64xf32, #tpu.memory_space<vmem>>, vector<16xf32>,
        tpu.vector_store %arg10[%swap3A_1599, %swap3A_1600, %swap3A_1601], %add3A_1592 {strides = array<i32>} : memref<2x256x64xf32, #tpu.memory_space<vmem>>, vector<16xf32>,
        %swap3A_1603 = arith.index_cast %and3A_168 : i32 to index
        %swap3A_1604 = arith.index_cast %scan3A_1518 : i32 to index
        %swap3A_1605 = arith.constant 16 : index
        %swap3A_1606 = tpu.vector_load %arg10[%swap3A_1603, %swap3A_1604, %swap3A_1605] {strides = array<i32>} : memref<2x256x64xf32, #tpu.memory_space<vmem>>, vector<16xf32>,
        tpu.vector_store %arg10[%swap3A_1603, %swap3A_1604, %swap3A_1605], %add3A_1594 {strides = array<i32>} : memref<2x256x64xf32, #tpu.memory_space<vmem>>, vector<16xf32>,
        %swap3A_1607 = arith.index_cast %and3A_168 : i32 to index
        %swap3A_1608 = arith.index_cast %scan3A_1518 : i32 to index
        %swap3A_1609 = arith.constant 32 : index
        %swap3A_1610 = tpu.vector_load %arg10[%swap3A_1607, %swap3A_1608, %swap3A_1609] {strides = array<i32>} : memref<2x256x64xf32, #tpu.memory_space<vmem>>, vector<16xf32>,
        tpu.vector_store %arg10[%swap3A_1607, %swap3A_1608, %swap3A_1609], %add3A_1596 {strides = array<i32>} : memref<2x256x64xf32, #tpu.memory_space<vmem>>, vector<16xf32>,
        %swap3A_1611 = arith.index_cast %and3A_168 : i32 to index
        %swap3A_1612 = arith.index_cast %scan3A_1518 : i32 to index
        %swap3A_1613 = arith.constant 48 : index
        %swap3A_1614 = tpu.vector_load %arg10[%swap3A_1611, %swap3A_1612, %swap3A_1613] {strides = array<i32>} : memref<2x256x64xf32, #tpu.memory_space<vmem>>, vector<16xf32>,
        tpu.vector_store %arg10[%swap3A_1611, %swap3A_1612, %swap3A_1613], %add3A_1598 {strides = array<i32>} : memref<2x256x64xf32, #tpu.memory_space<vmem>>, vector<16xf32>,
        %scan3A_1615 = arith.constant 14 : i32
        %scan3A_1616 = arith.addi %scan3A_248, %scan3A_1615 : i32
        %broadcast_in_dim3A_1617 = vector.broadcast %scan3A_1616 : i32 to vector<16xi32>
        %get3A_1618 = arith.index_cast %and3A_168 : i32 to index
        %get3A_1619 = arith.index_cast %scan3A_1616 : i32 to index
        %get3A_1620 = arith.constant 0 : index
        %get3A_1621 = tpu.vector_load %arg10[%get3A_1618, %get3A_1619, %get3A_1620] {strides = array<i32>} : memref<2x256x64xf32, #tpu.memory_space<vmem>>, vector<16xf32>,
        %get3A_1622 = arith.index_cast %and3A_168 : i32 to index
        %get3A_1623 = arith.index_cast %scan3A_1616 : i32 to index
        %get3A_1624 = arith.constant 16 : index
        %get3A_1625 = tpu.vector_load %arg10[%get3A_1622, %get3A_1623, %get3A_1624] {strides = array<i32>} : memref<2x256x64xf32, #tpu.memory_space<vmem>>, vector<16xf32>,
        %get3A_1626 = arith.index_cast %and3A_168 : i32 to index
        %get3A_1627 = arith.index_cast %scan3A_1616 : i32 to index
        %get3A_1628 = arith.constant 32 : index
        %get3A_1629 = tpu.vector_load %arg10[%get3A_1626, %get3A_1627, %get3A_1628] {strides = array<i32>} : memref<2x256x64xf32, #tpu.memory_space<vmem>>, vector<16xf32>,
        %get3A_1630 = arith.index_cast %and3A_168 : i32 to index
        %get3A_1631 = arith.index_cast %scan3A_1616 : i32 to index
        %get3A_1632 = arith.constant 48 : index
        %get3A_1633 = tpu.vector_load %arg10[%get3A_1630, %get3A_1631, %get3A_1632] {strides = array<i32>} : memref<2x256x64xf32, #tpu.memory_space<vmem>>, vector<16xf32>,
        %gather3A_1634 = tpu.vector_load_idx %arg9[%broadcast_in_dim3A, %broadcast_in_dim3A_1617] : memref<2x272xi32, #tpu.memory_space<vmem>>[vector<16xi32>, vector<16xi32>], vector<16xi32>,
        %and3A_1635 = arith.constant 31 : i32
        %and3A_1636 = vector.broadcast %and3A_1635 : i32 to vector<16xi32>
        %and3A_1637 = arith.andi %gather3A_1634, %and3A_1636 : vector<16xi32>
        %add3A_1638 = arith.constant 0 : i32
        %add3A_1639 = vector.broadcast %add3A_1638 : i32 to vector<16xi32>
        %add3A_1640 = arith.addi %and3A_1637, %add3A_1639 : vector<16xi32>
        %shift_right_arithmetic3A_1641 = arith.constant 5 : i32
        %shift_right_arithmetic3A_1642 = vector.broadcast %shift_right_arithmetic3A_1641 : i32 to vector<16xi32>
        %shift_right_arithmetic3A_1643 = arith.shrsi %gather3A_1634, %shift_right_arithmetic3A_1642 : vector<16xi32>
        %and3A_1644 = arith.constant 63 : i32
        %and3A_1645 = vector.broadcast %and3A_1644 : i32 to vector<16xi32>
        %and3A_1646 = arith.andi %shift_right_arithmetic3A_1643, %and3A_1645 : vector<16xi32>
        %add3A_1647 = arith.constant 32 : i32
        %add3A_1648 = vector.broadcast %add3A_1647 : i32 to vector<16xi32>
        %add3A_1649 = arith.addi %and3A_1646, %add3A_1648 : vector<16xi32>
        %shift_right_arithmetic3A_1650 = arith.constant 11 : i32
        %shift_right_arithmetic3A_1651 = vector.broadcast %shift_right_arithmetic3A_1650 : i32 to vector<16xi32>
        %shift_right_arithmetic3A_1652 = arith.shrsi %gather3A_1634, %shift_right_arithmetic3A_1651 : vector<16xi32>
        %and3A_1653 = arith.constant 511 : i32
        %and3A_1654 = vector.broadcast %and3A_1653 : i32 to vector<16xi32>
        %and3A_1655 = arith.andi %shift_right_arithmetic3A_1652, %and3A_1654 : vector<16xi32>
        %add3A_1656 = arith.constant 96 : i32
        %add3A_1657 = vector.broadcast %add3A_1656 : i32 to vector<16xi32>
        %add3A_1658 = arith.addi %and3A_1655, %add3A_1657 : vector<16xi32>
        %shift_right_arithmetic3A_1659 = arith.constant 20 : i32
        %shift_right_arithmetic3A_1660 = vector.broadcast %shift_right_arithmetic3A_1659 : i32 to vector<16xi32>
        %shift_right_arithmetic3A_1661 = arith.shrsi %gather3A_1634, %shift_right_arithmetic3A_1660 : vector<16xi32>
        %add3A_1662 = arith.constant 608 : i32
        %add3A_1663 = vector.broadcast %add3A_1662 : i32 to vector<16xi32>
        %add3A_1664 = arith.addi %shift_right_arithmetic3A_1661, %add3A_1663 : vector<16xi32>
        %gather3A_1665 = tpu.vector_load_idx %arg7[%add3A_1640, %add3A_205] : memref<736x64xf32, #tpu.memory_space<vmem>>[vector<16xi32>, vector<16xi32>], vector<16xf32>,
        %add3A_1666 = arith.addf %get3A_1621, %gather3A_1665 : vector<16xf32>
        %gather3A_1667 = tpu.vector_load_idx %arg7[%add3A_1640, %add3A_209] : memref<736x64xf32, #tpu.memory_space<vmem>>[vector<16xi32>, vector<16xi32>], vector<16xf32>,
        %add3A_1668 = arith.addf %get3A_1625, %gather3A_1667 : vector<16xf32>
        %gather3A_1669 = tpu.vector_load_idx %arg7[%add3A_1640, %add3A_213] : memref<736x64xf32, #tpu.memory_space<vmem>>[vector<16xi32>, vector<16xi32>], vector<16xf32>,
        %add3A_1670 = arith.addf %get3A_1629, %gather3A_1669 : vector<16xf32>
        %gather3A_1671 = tpu.vector_load_idx %arg7[%add3A_1640, %add3A_217] : memref<736x64xf32, #tpu.memory_space<vmem>>[vector<16xi32>, vector<16xi32>], vector<16xf32>,
        %add3A_1672 = arith.addf %get3A_1633, %gather3A_1671 : vector<16xf32>
        %gather3A_1673 = tpu.vector_load_idx %arg7[%add3A_1649, %add3A_205] : memref<736x64xf32, #tpu.memory_space<vmem>>[vector<16xi32>, vector<16xi32>], vector<16xf32>,
        %add3A_1674 = arith.addf %add3A_1666, %gather3A_1673 : vector<16xf32>
        %gather3A_1675 = tpu.vector_load_idx %arg7[%add3A_1649, %add3A_209] : memref<736x64xf32, #tpu.memory_space<vmem>>[vector<16xi32>, vector<16xi32>], vector<16xf32>,
        %add3A_1676 = arith.addf %add3A_1668, %gather3A_1675 : vector<16xf32>
        %gather3A_1677 = tpu.vector_load_idx %arg7[%add3A_1649, %add3A_213] : memref<736x64xf32, #tpu.memory_space<vmem>>[vector<16xi32>, vector<16xi32>], vector<16xf32>,
        %add3A_1678 = arith.addf %add3A_1670, %gather3A_1677 : vector<16xf32>
        %gather3A_1679 = tpu.vector_load_idx %arg7[%add3A_1649, %add3A_217] : memref<736x64xf32, #tpu.memory_space<vmem>>[vector<16xi32>, vector<16xi32>], vector<16xf32>,
        %add3A_1680 = arith.addf %add3A_1672, %gather3A_1679 : vector<16xf32>
        %gather3A_1681 = tpu.vector_load_idx %arg7[%add3A_1658, %add3A_205] : memref<736x64xf32, #tpu.memory_space<vmem>>[vector<16xi32>, vector<16xi32>], vector<16xf32>,
        %add3A_1682 = arith.addf %add3A_1674, %gather3A_1681 : vector<16xf32>
        %gather3A_1683 = tpu.vector_load_idx %arg7[%add3A_1658, %add3A_209] : memref<736x64xf32, #tpu.memory_space<vmem>>[vector<16xi32>, vector<16xi32>], vector<16xf32>,
        %add3A_1684 = arith.addf %add3A_1676, %gather3A_1683 : vector<16xf32>
        %gather3A_1685 = tpu.vector_load_idx %arg7[%add3A_1658, %add3A_213] : memref<736x64xf32, #tpu.memory_space<vmem>>[vector<16xi32>, vector<16xi32>], vector<16xf32>,
        %add3A_1686 = arith.addf %add3A_1678, %gather3A_1685 : vector<16xf32>
        %gather3A_1687 = tpu.vector_load_idx %arg7[%add3A_1658, %add3A_217] : memref<736x64xf32, #tpu.memory_space<vmem>>[vector<16xi32>, vector<16xi32>], vector<16xf32>,
        %add3A_1688 = arith.addf %add3A_1680, %gather3A_1687 : vector<16xf32>
        %gather3A_1689 = tpu.vector_load_idx %arg7[%add3A_1664, %add3A_205] : memref<736x64xf32, #tpu.memory_space<vmem>>[vector<16xi32>, vector<16xi32>], vector<16xf32>,
        %add3A_1690 = arith.addf %add3A_1682, %gather3A_1689 : vector<16xf32>
        %gather3A_1691 = tpu.vector_load_idx %arg7[%add3A_1664, %add3A_209] : memref<736x64xf32, #tpu.memory_space<vmem>>[vector<16xi32>, vector<16xi32>], vector<16xf32>,
        %add3A_1692 = arith.addf %add3A_1684, %gather3A_1691 : vector<16xf32>
        %gather3A_1693 = tpu.vector_load_idx %arg7[%add3A_1664, %add3A_213] : memref<736x64xf32, #tpu.memory_space<vmem>>[vector<16xi32>, vector<16xi32>], vector<16xf32>,
        %add3A_1694 = arith.addf %add3A_1686, %gather3A_1693 : vector<16xf32>
        %gather3A_1695 = tpu.vector_load_idx %arg7[%add3A_1664, %add3A_217] : memref<736x64xf32, #tpu.memory_space<vmem>>[vector<16xi32>, vector<16xi32>], vector<16xf32>,
        %add3A_1696 = arith.addf %add3A_1688, %gather3A_1695 : vector<16xf32>
        %swap3A_1697 = arith.index_cast %and3A_168 : i32 to index
        %swap3A_1698 = arith.index_cast %scan3A_1616 : i32 to index
        %swap3A_1699 = arith.constant 0 : index
        %swap3A_1700 = tpu.vector_load %arg10[%swap3A_1697, %swap3A_1698, %swap3A_1699] {strides = array<i32>} : memref<2x256x64xf32, #tpu.memory_space<vmem>>, vector<16xf32>,
        tpu.vector_store %arg10[%swap3A_1697, %swap3A_1698, %swap3A_1699], %add3A_1690 {strides = array<i32>} : memref<2x256x64xf32, #tpu.memory_space<vmem>>, vector<16xf32>,
        %swap3A_1701 = arith.index_cast %and3A_168 : i32 to index
        %swap3A_1702 = arith.index_cast %scan3A_1616 : i32 to index
        %swap3A_1703 = arith.constant 16 : index
        %swap3A_1704 = tpu.vector_load %arg10[%swap3A_1701, %swap3A_1702, %swap3A_1703] {strides = array<i32>} : memref<2x256x64xf32, #tpu.memory_space<vmem>>, vector<16xf32>,
        tpu.vector_store %arg10[%swap3A_1701, %swap3A_1702, %swap3A_1703], %add3A_1692 {strides = array<i32>} : memref<2x256x64xf32, #tpu.memory_space<vmem>>, vector<16xf32>,
        %swap3A_1705 = arith.index_cast %and3A_168 : i32 to index
        %swap3A_1706 = arith.index_cast %scan3A_1616 : i32 to index
        %swap3A_1707 = arith.constant 32 : index
        %swap3A_1708 = tpu.vector_load %arg10[%swap3A_1705, %swap3A_1706, %swap3A_1707] {strides = array<i32>} : memref<2x256x64xf32, #tpu.memory_space<vmem>>, vector<16xf32>,
        tpu.vector_store %arg10[%swap3A_1705, %swap3A_1706, %swap3A_1707], %add3A_1694 {strides = array<i32>} : memref<2x256x64xf32, #tpu.memory_space<vmem>>, vector<16xf32>,
        %swap3A_1709 = arith.index_cast %and3A_168 : i32 to index
        %swap3A_1710 = arith.index_cast %scan3A_1616 : i32 to index
        %swap3A_1711 = arith.constant 48 : index
        %swap3A_1712 = tpu.vector_load %arg10[%swap3A_1709, %swap3A_1710, %swap3A_1711] {strides = array<i32>} : memref<2x256x64xf32, #tpu.memory_space<vmem>>, vector<16xf32>,
        tpu.vector_store %arg10[%swap3A_1709, %swap3A_1710, %swap3A_1711], %add3A_1696 {strides = array<i32>} : memref<2x256x64xf32, #tpu.memory_space<vmem>>, vector<16xf32>,
        %scan3A_1713 = arith.constant 15 : i32
        %scan3A_1714 = arith.addi %scan3A_248, %scan3A_1713 : i32
        %broadcast_in_dim3A_1715 = vector.broadcast %scan3A_1714 : i32 to vector<16xi32>
        %get3A_1716 = arith.index_cast %and3A_168 : i32 to index
        %get3A_1717 = arith.index_cast %scan3A_1714 : i32 to index
        %get3A_1718 = arith.constant 0 : index
        %get3A_1719 = tpu.vector_load %arg10[%get3A_1716, %get3A_1717, %get3A_1718] {strides = array<i32>} : memref<2x256x64xf32, #tpu.memory_space<vmem>>, vector<16xf32>,
        %get3A_1720 = arith.index_cast %and3A_168 : i32 to index
        %get3A_1721 = arith.index_cast %scan3A_1714 : i32 to index
        %get3A_1722 = arith.constant 16 : index
        %get3A_1723 = tpu.vector_load %arg10[%get3A_1720, %get3A_1721, %get3A_1722] {strides = array<i32>} : memref<2x256x64xf32, #tpu.memory_space<vmem>>, vector<16xf32>,
        %get3A_1724 = arith.index_cast %and3A_168 : i32 to index
        %get3A_1725 = arith.index_cast %scan3A_1714 : i32 to index
        %get3A_1726 = arith.constant 32 : index
        %get3A_1727 = tpu.vector_load %arg10[%get3A_1724, %get3A_1725, %get3A_1726] {strides = array<i32>} : memref<2x256x64xf32, #tpu.memory_space<vmem>>, vector<16xf32>,
        %get3A_1728 = arith.index_cast %and3A_168 : i32 to index
        %get3A_1729 = arith.index_cast %scan3A_1714 : i32 to index
        %get3A_1730 = arith.constant 48 : index
        %get3A_1731 = tpu.vector_load %arg10[%get3A_1728, %get3A_1729, %get3A_1730] {strides = array<i32>} : memref<2x256x64xf32, #tpu.memory_space<vmem>>, vector<16xf32>,
        %gather3A_1732 = tpu.vector_load_idx %arg9[%broadcast_in_dim3A, %broadcast_in_dim3A_1715] : memref<2x272xi32, #tpu.memory_space<vmem>>[vector<16xi32>, vector<16xi32>], vector<16xi32>,
        %and3A_1733 = arith.constant 31 : i32
        %and3A_1734 = vector.broadcast %and3A_1733 : i32 to vector<16xi32>
        %and3A_1735 = arith.andi %gather3A_1732, %and3A_1734 : vector<16xi32>
        %add3A_1736 = arith.constant 0 : i32
        %add3A_1737 = vector.broadcast %add3A_1736 : i32 to vector<16xi32>
        %add3A_1738 = arith.addi %and3A_1735, %add3A_1737 : vector<16xi32>
        %shift_right_arithmetic3A_1739 = arith.constant 5 : i32
        %shift_right_arithmetic3A_1740 = vector.broadcast %shift_right_arithmetic3A_1739 : i32 to vector<16xi32>
        %shift_right_arithmetic3A_1741 = arith.shrsi %gather3A_1732, %shift_right_arithmetic3A_1740 : vector<16xi32>
        %and3A_1742 = arith.constant 63 : i32
        %and3A_1743 = vector.broadcast %and3A_1742 : i32 to vector<16xi32>
        %and3A_1744 = arith.andi %shift_right_arithmetic3A_1741, %and3A_1743 : vector<16xi32>
        %add3A_1745 = arith.constant 32 : i32
        %add3A_1746 = vector.broadcast %add3A_1745 : i32 to vector<16xi32>
        %add3A_1747 = arith.addi %and3A_1744, %add3A_1746 : vector<16xi32>
        %shift_right_arithmetic3A_1748 = arith.constant 11 : i32
        %shift_right_arithmetic3A_1749 = vector.broadcast %shift_right_arithmetic3A_1748 : i32 to vector<16xi32>
        %shift_right_arithmetic3A_1750 = arith.shrsi %gather3A_1732, %shift_right_arithmetic3A_1749 : vector<16xi32>
        %and3A_1751 = arith.constant 511 : i32
        %and3A_1752 = vector.broadcast %and3A_1751 : i32 to vector<16xi32>
        %and3A_1753 = arith.andi %shift_right_arithmetic3A_1750, %and3A_1752 : vector<16xi32>
        %add3A_1754 = arith.constant 96 : i32
        %add3A_1755 = vector.broadcast %add3A_1754 : i32 to vector<16xi32>
        %add3A_1756 = arith.addi %and3A_1753, %add3A_1755 : vector<16xi32>
        %shift_right_arithmetic3A_1757 = arith.constant 20 : i32
        %shift_right_arithmetic3A_1758 = vector.broadcast %shift_right_arithmetic3A_1757 : i32 to vector<16xi32>
        %shift_right_arithmetic3A_1759 = arith.shrsi %gather3A_1732, %shift_right_arithmetic3A_1758 : vector<16xi32>
        %add3A_1760 = arith.constant 608 : i32
        %add3A_1761 = vector.broadcast %add3A_1760 : i32 to vector<16xi32>
        %add3A_1762 = arith.addi %shift_right_arithmetic3A_1759, %add3A_1761 : vector<16xi32>
        %gather3A_1763 = tpu.vector_load_idx %arg7[%add3A_1738, %add3A_205] : memref<736x64xf32, #tpu.memory_space<vmem>>[vector<16xi32>, vector<16xi32>], vector<16xf32>,
        %add3A_1764 = arith.addf %get3A_1719, %gather3A_1763 : vector<16xf32>
        %gather3A_1765 = tpu.vector_load_idx %arg7[%add3A_1738, %add3A_209] : memref<736x64xf32, #tpu.memory_space<vmem>>[vector<16xi32>, vector<16xi32>], vector<16xf32>,
        %add3A_1766 = arith.addf %get3A_1723, %gather3A_1765 : vector<16xf32>
        %gather3A_1767 = tpu.vector_load_idx %arg7[%add3A_1738, %add3A_213] : memref<736x64xf32, #tpu.memory_space<vmem>>[vector<16xi32>, vector<16xi32>], vector<16xf32>,
        %add3A_1768 = arith.addf %get3A_1727, %gather3A_1767 : vector<16xf32>
        %gather3A_1769 = tpu.vector_load_idx %arg7[%add3A_1738, %add3A_217] : memref<736x64xf32, #tpu.memory_space<vmem>>[vector<16xi32>, vector<16xi32>], vector<16xf32>,
        %add3A_1770 = arith.addf %get3A_1731, %gather3A_1769 : vector<16xf32>
        %gather3A_1771 = tpu.vector_load_idx %arg7[%add3A_1747, %add3A_205] : memref<736x64xf32, #tpu.memory_space<vmem>>[vector<16xi32>, vector<16xi32>], vector<16xf32>,
        %add3A_1772 = arith.addf %add3A_1764, %gather3A_1771 : vector<16xf32>
        %gather3A_1773 = tpu.vector_load_idx %arg7[%add3A_1747, %add3A_209] : memref<736x64xf32, #tpu.memory_space<vmem>>[vector<16xi32>, vector<16xi32>], vector<16xf32>,
        %add3A_1774 = arith.addf %add3A_1766, %gather3A_1773 : vector<16xf32>
        %gather3A_1775 = tpu.vector_load_idx %arg7[%add3A_1747, %add3A_213] : memref<736x64xf32, #tpu.memory_space<vmem>>[vector<16xi32>, vector<16xi32>], vector<16xf32>,
        %add3A_1776 = arith.addf %add3A_1768, %gather3A_1775 : vector<16xf32>
        %gather3A_1777 = tpu.vector_load_idx %arg7[%add3A_1747, %add3A_217] : memref<736x64xf32, #tpu.memory_space<vmem>>[vector<16xi32>, vector<16xi32>], vector<16xf32>,
        %add3A_1778 = arith.addf %add3A_1770, %gather3A_1777 : vector<16xf32>
        %gather3A_1779 = tpu.vector_load_idx %arg7[%add3A_1756, %add3A_205] : memref<736x64xf32, #tpu.memory_space<vmem>>[vector<16xi32>, vector<16xi32>], vector<16xf32>,
        %add3A_1780 = arith.addf %add3A_1772, %gather3A_1779 : vector<16xf32>
        %gather3A_1781 = tpu.vector_load_idx %arg7[%add3A_1756, %add3A_209] : memref<736x64xf32, #tpu.memory_space<vmem>>[vector<16xi32>, vector<16xi32>], vector<16xf32>,
        %add3A_1782 = arith.addf %add3A_1774, %gather3A_1781 : vector<16xf32>
        %gather3A_1783 = tpu.vector_load_idx %arg7[%add3A_1756, %add3A_213] : memref<736x64xf32, #tpu.memory_space<vmem>>[vector<16xi32>, vector<16xi32>], vector<16xf32>,
        %add3A_1784 = arith.addf %add3A_1776, %gather3A_1783 : vector<16xf32>
        %gather3A_1785 = tpu.vector_load_idx %arg7[%add3A_1756, %add3A_217] : memref<736x64xf32, #tpu.memory_space<vmem>>[vector<16xi32>, vector<16xi32>], vector<16xf32>,
        %add3A_1786 = arith.addf %add3A_1778, %gather3A_1785 : vector<16xf32>
        %gather3A_1787 = tpu.vector_load_idx %arg7[%add3A_1762, %add3A_205] : memref<736x64xf32, #tpu.memory_space<vmem>>[vector<16xi32>, vector<16xi32>], vector<16xf32>,
        %add3A_1788 = arith.addf %add3A_1780, %gather3A_1787 : vector<16xf32>
        %gather3A_1789 = tpu.vector_load_idx %arg7[%add3A_1762, %add3A_209] : memref<736x64xf32, #tpu.memory_space<vmem>>[vector<16xi32>, vector<16xi32>], vector<16xf32>,
        %add3A_1790 = arith.addf %add3A_1782, %gather3A_1789 : vector<16xf32>
        %gather3A_1791 = tpu.vector_load_idx %arg7[%add3A_1762, %add3A_213] : memref<736x64xf32, #tpu.memory_space<vmem>>[vector<16xi32>, vector<16xi32>], vector<16xf32>,
        %add3A_1792 = arith.addf %add3A_1784, %gather3A_1791 : vector<16xf32>
        %gather3A_1793 = tpu.vector_load_idx %arg7[%add3A_1762, %add3A_217] : memref<736x64xf32, #tpu.memory_space<vmem>>[vector<16xi32>, vector<16xi32>], vector<16xf32>,
        %add3A_1794 = arith.addf %add3A_1786, %gather3A_1793 : vector<16xf32>
        %swap3A_1795 = arith.index_cast %and3A_168 : i32 to index
        %swap3A_1796 = arith.index_cast %scan3A_1714 : i32 to index
        %swap3A_1797 = arith.constant 0 : index
        %swap3A_1798 = tpu.vector_load %arg10[%swap3A_1795, %swap3A_1796, %swap3A_1797] {strides = array<i32>} : memref<2x256x64xf32, #tpu.memory_space<vmem>>, vector<16xf32>,
        tpu.vector_store %arg10[%swap3A_1795, %swap3A_1796, %swap3A_1797], %add3A_1788 {strides = array<i32>} : memref<2x256x64xf32, #tpu.memory_space<vmem>>, vector<16xf32>,
        %swap3A_1799 = arith.index_cast %and3A_168 : i32 to index
        %swap3A_1800 = arith.index_cast %scan3A_1714 : i32 to index
        %swap3A_1801 = arith.constant 16 : index
        %swap3A_1802 = tpu.vector_load %arg10[%swap3A_1799, %swap3A_1800, %swap3A_1801] {strides = array<i32>} : memref<2x256x64xf32, #tpu.memory_space<vmem>>, vector<16xf32>,
        tpu.vector_store %arg10[%swap3A_1799, %swap3A_1800, %swap3A_1801], %add3A_1790 {strides = array<i32>} : memref<2x256x64xf32, #tpu.memory_space<vmem>>, vector<16xf32>,
        %swap3A_1803 = arith.index_cast %and3A_168 : i32 to index
        %swap3A_1804 = arith.index_cast %scan3A_1714 : i32 to index
        %swap3A_1805 = arith.constant 32 : index
        %swap3A_1806 = tpu.vector_load %arg10[%swap3A_1803, %swap3A_1804, %swap3A_1805] {strides = array<i32>} : memref<2x256x64xf32, #tpu.memory_space<vmem>>, vector<16xf32>,
        tpu.vector_store %arg10[%swap3A_1803, %swap3A_1804, %swap3A_1805], %add3A_1792 {strides = array<i32>} : memref<2x256x64xf32, #tpu.memory_space<vmem>>, vector<16xf32>,
        %swap3A_1807 = arith.index_cast %and3A_168 : i32 to index
        %swap3A_1808 = arith.index_cast %scan3A_1714 : i32 to index
        %swap3A_1809 = arith.constant 48 : index
        %swap3A_1810 = tpu.vector_load %arg10[%swap3A_1807, %swap3A_1808, %swap3A_1809] {strides = array<i32>} : memref<2x256x64xf32, #tpu.memory_space<vmem>>, vector<16xf32>,
        tpu.vector_store %arg10[%swap3A_1807, %swap3A_1808, %swap3A_1809], %add3A_1794 {strides = array<i32>} : memref<2x256x64xf32, #tpu.memory_space<vmem>>, vector<16xf32>,
      }
      %scan3A_223 = arith.constant 256 : i32
      %add3A_224 = arith.constant 2 : i32
      %add3A_225 = arith.addi %scan3A_167, %add3A_224 : i32
      %lt3A_226 = arith.constant 25 : i32
      %lt3A_227 = arith.cmpi slt, %add3A_225, %lt3A_226 : i32
      %convert_element_type3A_228 = arith.extui %lt3A_227 : i1 to i32
      %cond3A_229 = arith.constant 0 : i32
      %cond3A_230 = arith.cmpi ne, %convert_element_type3A_228, %cond3A_229 : i32
      scf.if %cond3A_230 {
        %add3A_248 = arith.constant 2 : i32
        %add3A_249 = arith.addi %scan3A_167, %add3A_248 : i32
        %and3A_250 = arith.constant 1 : i32
        %and3A_251 = arith.andi %add3A_249, %and3A_250 : i32
        %mul3A_252 = arith.constant 256 : i32
        %mul3A_253 = arith.muli %add3A_249, %mul3A_252 : i32
        %add3A_254 = arith.addi %mul3A_2, %mul3A_253 : i32
        %add3A_255 = arith.constant 0 : i32
        %add3A_256 = arith.addi %add3A_254, %add3A_255 : i32
        %dma_start3A_257 = arith.constant 0 : i32
        %dma_start3A_258 = arith.constant 0 : i32
        %dma_start3A_259 = tpu.memref_slice %arg8[%and3A_251, %dma_start3A_257, %dma_start3A_258] : memref<2x2x128xi32, #tpu.memory_space<vmem>> -> memref<1x1x128xi32, #tpu.memory_space<vmem>>
        %dma_start3A_260 = tpu.memref_squeeze %dma_start3A_259 : memref<1x1x128xi32, #tpu.memory_space<vmem>> -> memref<128xi32, #tpu.memory_space<vmem>>
        %dma_start3A_261 = tpu.memref_slice %arg4[%add3A_256] : memref<204800xi32, #tpu.memory_space<hbm>> -> memref<128xi32, #tpu.memory_space<hbm>>
        %dma_start3A_262 = arith.constant 0 : i32
        %dma_start3A_263 = tpu.memref_slice %arg8[%and3A_251, %dma_start3A_257, %dma_start3A_262] : memref<2x2x128xi32, #tpu.memory_space<vmem>> -> memref<1x1x128xi32, #tpu.memory_space<vmem>>
        %dma_start3A_264 = tpu.memref_squeeze %dma_start3A_263 : memref<1x1x128xi32, #tpu.memory_space<vmem>> -> memref<128xi32, #tpu.memory_space<vmem>>
        %dma_start3A_265 = tpu.memref_slice %arg4[%add3A_256] : memref<204800xi32, #tpu.memory_space<hbm>> -> memref<128xi32, #tpu.memory_space<hbm>>
        tpu.enqueue_dma source(%dma_start3A_265 : memref<128xi32, #tpu.memory_space<hbm>>) target(%dma_start3A_264 : memref<128xi32, #tpu.memory_space<vmem>>) target_semaphore(%arg11 : memref<!tpu.dma_semaphore, #tpu.memory_space<semaphore_mem>>)
        %add3A_266 = arith.constant 128 : i32
        %add3A_267 = arith.addi %add3A_254, %add3A_266 : i32
        %dma_start3A_268 = arith.constant 1 : i32
        %dma_start3A_269 = arith.constant 0 : i32
        %dma_start3A_270 = tpu.memref_slice %arg8[%and3A_251, %dma_start3A_268, %dma_start3A_269] : memref<2x2x128xi32, #tpu.memory_space<vmem>> -> memref<1x1x128xi32, #tpu.memory_space<vmem>>
        %dma_start3A_271 = tpu.memref_squeeze %dma_start3A_270 : memref<1x1x128xi32, #tpu.memory_space<vmem>> -> memref<128xi32, #tpu.memory_space<vmem>>
        %dma_start3A_272 = tpu.memref_slice %arg4[%add3A_267] : memref<204800xi32, #tpu.memory_space<hbm>> -> memref<128xi32, #tpu.memory_space<hbm>>
        %dma_start3A_273 = arith.constant 0 : i32
        %dma_start3A_274 = tpu.memref_slice %arg8[%and3A_251, %dma_start3A_268, %dma_start3A_273] : memref<2x2x128xi32, #tpu.memory_space<vmem>> -> memref<1x1x128xi32, #tpu.memory_space<vmem>>
        %dma_start3A_275 = tpu.memref_squeeze %dma_start3A_274 : memref<1x1x128xi32, #tpu.memory_space<vmem>> -> memref<128xi32, #tpu.memory_space<vmem>>
        %dma_start3A_276 = tpu.memref_slice %arg4[%add3A_267] : memref<204800xi32, #tpu.memory_space<hbm>> -> memref<128xi32, #tpu.memory_space<hbm>>
        tpu.enqueue_dma source(%dma_start3A_276 : memref<128xi32, #tpu.memory_space<hbm>>) target(%dma_start3A_275 : memref<128xi32, #tpu.memory_space<vmem>>) target_semaphore(%arg11 : memref<!tpu.dma_semaphore, #tpu.memory_space<semaphore_mem>>)
        %dma_start3A_277 = arith.constant 0 : i32
        %dma_start3A_278 = tpu.memref_slice %arg9[%and3A_251, %dma_start3A_277] : memref<2x272xi32, #tpu.memory_space<vmem>> -> memref<1x256xi32, #tpu.memory_space<vmem>>
        %dma_start3A_279 = tpu.memref_squeeze %dma_start3A_278 : memref<1x256xi32, #tpu.memory_space<vmem>> -> memref<256xi32, #tpu.memory_space<vmem>>
        %dma_start3A_280 = tpu.memref_slice %arg5[%add3A_254] : memref<204800xi32, #tpu.memory_space<hbm>> -> memref<256xi32, #tpu.memory_space<hbm>>
        %dma_start3A_281 = arith.constant 0 : i32
        %dma_start3A_282 = tpu.memref_slice %arg9[%and3A_251, %dma_start3A_281] : memref<2x272xi32, #tpu.memory_space<vmem>> -> memref<1x256xi32, #tpu.memory_space<vmem>>
        %dma_start3A_283 = tpu.memref_squeeze %dma_start3A_282 : memref<1x256xi32, #tpu.memory_space<vmem>> -> memref<256xi32, #tpu.memory_space<vmem>>
        %dma_start3A_284 = tpu.memref_slice %arg5[%add3A_254] : memref<204800xi32, #tpu.memory_space<hbm>> -> memref<256xi32, #tpu.memory_space<hbm>>
        tpu.enqueue_dma source(%dma_start3A_284 : memref<256xi32, #tpu.memory_space<hbm>>) target(%dma_start3A_283 : memref<256xi32, #tpu.memory_space<vmem>>) target_semaphore(%arg11 : memref<!tpu.dma_semaphore, #tpu.memory_space<semaphore_mem>>)
      } else {
      }
      %and3A_231 = arith.constant 1 : i32
      %and3A_232 = arith.andi %scan3A_167, %and3A_231 : i32
      %mul3A_233 = arith.constant 256 : i32
      %mul3A_234 = arith.muli %scan3A_167, %mul3A_233 : i32
      %add3A_235 = arith.addi %mul3A_2, %mul3A_234 : i32
      %dma_start3A_236 = arith.constant 0 : i32
      %dma_start3A_237 = arith.constant 0 : i32
      %dma_start3A_238 = tpu.memref_slice %arg10[%and3A_232, %dma_start3A_236, %dma_start3A_237] : memref<2x256x64xf32, #tpu.memory_space<vmem>> -> memref<1x256x64xf32, #tpu.memory_space<vmem>>
      %dma_start3A_239 = tpu.memref_squeeze %dma_start3A_238 : memref<1x256x64xf32, #tpu.memory_space<vmem>> -> memref<256x64xf32, #tpu.memory_space<vmem>>
      %dma_start3A_240 = arith.constant 0 : i32
      %dma_start3A_241 = tpu.memref_slice %arg6[%add3A_235, %dma_start3A_240] : memref<204800x64xf32, #tpu.memory_space<hbm>> -> memref<256x64xf32, #tpu.memory_space<hbm>>
      %dma_start3A_242 = arith.constant 0 : i32
      %dma_start3A_243 = tpu.memref_slice %arg6[%add3A_235, %dma_start3A_242] : memref<204800x64xf32, #tpu.memory_space<hbm>> -> memref<256x64xf32, #tpu.memory_space<hbm>>
      %dma_start3A_244 = arith.constant 0 : i32
      %dma_start3A_245 = arith.constant 0 : i32
      %dma_start3A_246 = tpu.memref_slice %arg10[%and3A_232, %dma_start3A_244, %dma_start3A_245] : memref<2x256x64xf32, #tpu.memory_space<vmem>> -> memref<1x256x64xf32, #tpu.memory_space<vmem>>
      %dma_start3A_247 = tpu.memref_squeeze %dma_start3A_246 : memref<1x256x64xf32, #tpu.memory_space<vmem>> -> memref<256x64xf32, #tpu.memory_space<vmem>>
      tpu.enqueue_dma source(%dma_start3A_247 : memref<256x64xf32, #tpu.memory_space<vmem>>) target(%dma_start3A_243 : memref<256x64xf32, #tpu.memory_space<hbm>>) target_semaphore(%arg13 : memref<!tpu.dma_semaphore, #tpu.memory_space<semaphore_mem>>)
    }
    %scan3A_136 = arith.constant 25 : i32
    %dma_wait3A_137 = arith.constant 1 : i32
    %dma_wait3A_138 = arith.constant 0 : i32
    %dma_wait3A_139 = arith.constant 0 : i32
    %dma_wait3A_140 = tpu.memref_slice %arg10[%dma_wait3A_137, %dma_wait3A_138, %dma_wait3A_139] : memref<2x256x64xf32, #tpu.memory_space<vmem>> -> memref<1x256x64xf32, #tpu.memory_space<vmem>>
    %dma_wait3A_141 = tpu.memref_squeeze %dma_wait3A_140 : memref<1x256x64xf32, #tpu.memory_space<vmem>> -> memref<256x64xf32, #tpu.memory_space<vmem>>
    %dma_wait3A_142 = arith.constant 0 : i32
    %dma_wait3A_143 = arith.constant 0 : i32
    %dma_wait3A_144 = tpu.memref_slice %arg6[%dma_wait3A_142, %dma_wait3A_143] : memref<204800x64xf32, #tpu.memory_space<hbm>> -> memref<256x64xf32, #tpu.memory_space<hbm>>
    %dma_wait3A_145 = arith.constant 0 : i32
    %dma_wait3A_146 = arith.constant 0 : i32
    %dma_wait3A_147 = tpu.memref_slice %arg6[%dma_wait3A_145, %dma_wait3A_146] : memref<204800x64xf32, #tpu.memory_space<hbm>> -> memref<256x64xf32, #tpu.memory_space<hbm>>
    %dma_wait3A_148 = arith.constant 0 : i32
    %dma_wait3A_149 = arith.constant 0 : i32
    %dma_wait3A_150 = tpu.memref_slice %arg10[%dma_wait3A_137, %dma_wait3A_148, %dma_wait3A_149] : memref<2x256x64xf32, #tpu.memory_space<vmem>> -> memref<1x256x64xf32, #tpu.memory_space<vmem>>
    %dma_wait3A_151 = tpu.memref_squeeze %dma_wait3A_150 : memref<1x256x64xf32, #tpu.memory_space<vmem>> -> memref<256x64xf32, #tpu.memory_space<vmem>>
    tpu.wait_dma2 semaphore(%arg13 : memref<!tpu.dma_semaphore, #tpu.memory_space<semaphore_mem>>) src(%dma_wait3A_151 : memref<256x64xf32, #tpu.memory_space<vmem>>) dst(%dma_wait3A_147 : memref<256x64xf32, #tpu.memory_space<hbm>>)
    %dma_wait3A_152 = arith.constant 0 : i32
    %dma_wait3A_153 = arith.constant 0 : i32
    %dma_wait3A_154 = arith.constant 0 : i32
    %dma_wait3A_155 = tpu.memref_slice %arg10[%dma_wait3A_152, %dma_wait3A_153, %dma_wait3A_154] : memref<2x256x64xf32, #tpu.memory_space<vmem>> -> memref<1x256x64xf32, #tpu.memory_space<vmem>>
    %dma_wait3A_156 = tpu.memref_squeeze %dma_wait3A_155 : memref<1x256x64xf32, #tpu.memory_space<vmem>> -> memref<256x64xf32, #tpu.memory_space<vmem>>
    %dma_wait3A_157 = arith.constant 0 : i32
    %dma_wait3A_158 = arith.constant 0 : i32
    %dma_wait3A_159 = tpu.memref_slice %arg6[%dma_wait3A_157, %dma_wait3A_158] : memref<204800x64xf32, #tpu.memory_space<hbm>> -> memref<256x64xf32, #tpu.memory_space<hbm>>
    %dma_wait3A_160 = arith.constant 0 : i32
    %dma_wait3A_161 = arith.constant 0 : i32
    %dma_wait3A_162 = tpu.memref_slice %arg6[%dma_wait3A_160, %dma_wait3A_161] : memref<204800x64xf32, #tpu.memory_space<hbm>> -> memref<256x64xf32, #tpu.memory_space<hbm>>
    %dma_wait3A_163 = arith.constant 0 : i32
    %dma_wait3A_164 = arith.constant 0 : i32
    %dma_wait3A_165 = tpu.memref_slice %arg10[%dma_wait3A_152, %dma_wait3A_163, %dma_wait3A_164] : memref<2x256x64xf32, #tpu.memory_space<vmem>> -> memref<1x256x64xf32, #tpu.memory_space<vmem>>
    %dma_wait3A_166 = tpu.memref_squeeze %dma_wait3A_165 : memref<1x256x64xf32, #tpu.memory_space<vmem>> -> memref<256x64xf32, #tpu.memory_space<vmem>>
    tpu.wait_dma2 semaphore(%arg13 : memref<!tpu.dma_semaphore, #tpu.memory_space<semaphore_mem>>) src(%dma_wait3A_166 : memref<256x64xf32, #tpu.memory_space<vmem>>) dst(%dma_wait3A_162 : memref<256x64xf32, #tpu.memory_space<hbm>>)
    return
  }
}

module attributes {stable_mosaic.version = 14 : i64} {
  func.func @_small_proj_body(%arg0: memref<32x64xf32, #tpu.memory_space<vmem>>, %arg1: memref<64x64xf32, #tpu.memory_space<vmem>>, %arg2: memref<512x64xf32, #tpu.memory_space<vmem>>, %arg3: memref<128x64xf32, #tpu.memory_space<vmem>>, %arg4: memref<320x64xf32, #tpu.memory_space<vmem>>, %arg5: memref<1x64xf32, #tpu.memory_space<vmem>>, %arg6: memref<736x64xf32, #tpu.memory_space<vmem>>) attributes {dimension_semantics = [], scalar_prefetch = 0 : i64, scratch_operands = 0 : i64, tpu.core_type = #tpu.core_type<tc>} {
    %get3A = arith.constant 0 : index
    %get3A_0 = arith.constant 0 : index
    %get3A_1 = vector.load %arg4[%get3A, %get3A_0] : memref<320x64xf32, #tpu.memory_space<vmem>>, vector<320x64xf32>
    %get3A_2 = arith.constant 0 : index
    %get3A_3 = arith.constant 0 : index
    %get3A_4 = vector.load %arg0[%get3A_2, %get3A_3] : memref<32x64xf32, #tpu.memory_space<vmem>>, vector<32x64xf32>
    %slice3A = vector.extract_strided_slice %get3A_1 {offsets = [64, 0], sizes = [64, 64], strides = [1, 1]} : vector<320x64xf32> to vector<64x64xf32>
    %dot_general3A = arith.constant dense<0.000000e+00> : vector<32x64xf32>
    %dot_general3A_5 = tpu.matmul %get3A_4, %slice3A, %dot_general3A {dimension_numbers = #tpu.dot_dimension_numbers<[1], [0], [0], [1], [0, 0, 1, 1], [], []>, transpose_lhs_hint = false} : vector<32x64xf32>, vector<64x64xf32>, vector<32x64xf32> -> vector<32x64xf32>
    %get3A_6 = arith.constant 0 : index
    %get3A_7 = arith.constant 0 : index
    %get3A_8 = vector.load %arg5[%get3A_6, %get3A_7] : memref<1x64xf32, #tpu.memory_space<vmem>>, vector<1x64xf32>
    %add3A = vector.broadcast %get3A_8 : vector<1x64xf32> to vector<32x64xf32>
    %add3A_9 = arith.addf %dot_general3A_5, %add3A : vector<32x64xf32>
    %swap3A = arith.constant 0 : index
    %swap3A_10 = arith.constant 0 : index
    %swap3A_11 = vector.load %arg6[%swap3A, %swap3A_10] : memref<736x64xf32, #tpu.memory_space<vmem>>, vector<32x64xf32>
    tpu.vector_store %arg6[%swap3A, %swap3A_10], %add3A_9 {strides = array<i32>} : memref<736x64xf32, #tpu.memory_space<vmem>>, vector<32x64xf32>,
    %get3A_12 = arith.constant 0 : index
    %get3A_13 = arith.constant 0 : index
    %get3A_14 = vector.load %arg1[%get3A_12, %get3A_13] : memref<64x64xf32, #tpu.memory_space<vmem>>, vector<64x64xf32>
    %slice3A_15 = vector.extract_strided_slice %get3A_1 {offsets = [128, 0], sizes = [64, 64], strides = [1, 1]} : vector<320x64xf32> to vector<64x64xf32>
    %dot_general3A_16 = arith.constant dense<0.000000e+00> : vector<64x64xf32>
    %dot_general3A_17 = tpu.matmul %get3A_14, %slice3A_15, %dot_general3A_16 {dimension_numbers = #tpu.dot_dimension_numbers<[1], [0], [0], [1], [0, 0, 1, 1], [], []>, transpose_lhs_hint = false} : vector<64x64xf32>, vector<64x64xf32>, vector<64x64xf32> -> vector<64x64xf32>
    %swap3A_18 = arith.constant 32 : index
    %swap3A_19 = arith.constant 0 : index
    %swap3A_20 = vector.load %arg6[%swap3A_18, %swap3A_19] : memref<736x64xf32, #tpu.memory_space<vmem>>, vector<64x64xf32>
    tpu.vector_store %arg6[%swap3A_18, %swap3A_19], %dot_general3A_17 {strides = array<i32>} : memref<736x64xf32, #tpu.memory_space<vmem>>, vector<64x64xf32>,
    %get3A_21 = arith.constant 0 : index
    %get3A_22 = arith.constant 0 : index
    %get3A_23 = vector.load %arg2[%get3A_21, %get3A_22] : memref<512x64xf32, #tpu.memory_space<vmem>>, vector<512x64xf32>
    %slice3A_24 = vector.extract_strided_slice %get3A_1 {offsets = [192, 0], sizes = [64, 64], strides = [1, 1]} : vector<320x64xf32> to vector<64x64xf32>
    %dot_general3A_25 = arith.constant dense<0.000000e+00> : vector<512x64xf32>
    %dot_general3A_26 = tpu.matmul %get3A_23, %slice3A_24, %dot_general3A_25 {dimension_numbers = #tpu.dot_dimension_numbers<[1], [0], [0], [1], [0, 0, 1, 1], [], []>, transpose_lhs_hint = false} : vector<512x64xf32>, vector<64x64xf32>, vector<512x64xf32> -> vector<512x64xf32>
    %swap3A_27 = arith.constant 96 : index
    %swap3A_28 = arith.constant 0 : index
    %swap3A_29 = vector.load %arg6[%swap3A_27, %swap3A_28] : memref<736x64xf32, #tpu.memory_space<vmem>>, vector<512x64xf32>
    tpu.vector_store %arg6[%swap3A_27, %swap3A_28], %dot_general3A_26 {strides = array<i32>} : memref<736x64xf32, #tpu.memory_space<vmem>>, vector<512x64xf32>,
    %get3A_30 = arith.constant 0 : index
    %get3A_31 = arith.constant 0 : index
    %get3A_32 = vector.load %arg3[%get3A_30, %get3A_31] : memref<128x64xf32, #tpu.memory_space<vmem>>, vector<128x64xf32>
    %slice3A_33 = vector.extract_strided_slice %get3A_1 {offsets = [256, 0], sizes = [64, 64], strides = [1, 1]} : vector<320x64xf32> to vector<64x64xf32>
    %dot_general3A_34 = arith.constant dense<0.000000e+00> : vector<128x64xf32>
    %dot_general3A_35 = tpu.matmul %get3A_32, %slice3A_33, %dot_general3A_34 {dimension_numbers = #tpu.dot_dimension_numbers<[1], [0], [0], [1], [0, 0, 1, 1], [], []>, transpose_lhs_hint = false} : vector<128x64xf32>, vector<64x64xf32>, vector<128x64xf32> -> vector<128x64xf32>
    %swap3A_36 = arith.constant 608 : index
    %swap3A_37 = arith.constant 0 : index
    %swap3A_38 = vector.load %arg6[%swap3A_36, %swap3A_37] : memref<736x64xf32, #tpu.memory_space<vmem>>, vector<128x64xf32>
    tpu.vector_store %arg6[%swap3A_36, %swap3A_37], %dot_general3A_35 {strides = array<i32>} : memref<736x64xf32, #tpu.memory_space<vmem>>, vector<128x64xf32>,
    return
  }
}

module attributes {stable_mosaic.version = 14 : i64} {
  func.func @_word_proj_body(%arg0: i32, %arg1: memref<10000x64xf32, #tpu.memory_space<vmem>>, %arg2: memref<320x64xf32, #tpu.memory_space<vmem>>, %arg3: memref<10000x64xf32, #tpu.memory_space<vmem>>) attributes {dimension_semantics = [#tpu.dimension_semantics<arbitrary>], iteration_bounds = array<i64: 10>, scalar_prefetch = 0 : i64, scratch_operands = 0 : i64, tpu.core_type = #tpu.core_type<tc>, window_params = [{transform_indices = @transform_0, window_bounds = array<i64: 10000, 64>}, {pipeline_mode = #tpu.pipeline_mode<synchronous>, transform_indices = @transform_1, window_bounds = array<i64: 320, 64>}, {transform_indices = @transform_2, window_bounds = array<i64: 10000, 64>}]} {
    %get3A = arith.constant 0 : index
    %get3A_0 = arith.constant 0 : index
    %get3A_1 = vector.load %arg2[%get3A, %get3A_0] : memref<320x64xf32, #tpu.memory_space<vmem>>, vector<320x64xf32>
    %slice3A = vector.extract_strided_slice %get3A_1 {offsets = [0, 0], sizes = [64, 64], strides = [1, 1]} : vector<320x64xf32> to vector<64x64xf32>
    %get3A_2 = arith.constant 0 : index
    %get3A_3 = arith.constant 0 : index
    %get3A_4 = vector.load %arg1[%get3A_2, %get3A_3] : memref<10000x64xf32, #tpu.memory_space<vmem>>, vector<10000x64xf32>
    %dot_general3A = arith.constant dense<0.000000e+00> : vector<10000x64xf32>
    %dot_general3A_5 = tpu.matmul %get3A_4, %slice3A, %dot_general3A {dimension_numbers = #tpu.dot_dimension_numbers<[1], [0], [0], [1], [0, 0, 1, 1], [], []>, transpose_lhs_hint = false} : vector<10000x64xf32>, vector<64x64xf32>, vector<10000x64xf32> -> vector<10000x64xf32>
    %swap3A = arith.constant 0 : index
    %swap3A_6 = arith.constant 0 : index
    %swap3A_7 = vector.load %arg3[%swap3A, %swap3A_6] : memref<10000x64xf32, #tpu.memory_space<vmem>>, vector<10000x64xf32>
    tpu.vector_store %arg3[%swap3A, %swap3A_6], %dot_general3A_5 {strides = array<i32>} : memref<10000x64xf32, #tpu.memory_space<vmem>>, vector<10000x64xf32>,
    return
  }
  func.func @transform_0(%arg0: i32) -> (i32, i32) {
    %c0_i32 = arith.constant 0 : i32
    %c0_i32_0 = arith.constant 0 : i32
    return %arg0, %c0_i32 : i32, i32
  }
  func.func @transform_1(%arg0: i32) -> (i32, i32) {
    %c0_i32 = arith.constant 0 : i32
    %c0_i32_0 = arith.constant 0 : i32
    %c0_i32_1 = arith.constant 0 : i32
    return %c0_i32, %c0_i32_0 : i32, i32
  }
  func.func @transform_2(%arg0: i32) -> (i32, i32) {
    %c0_i32 = arith.constant 0 : i32
    %c0_i32_0 = arith.constant 0 : i32
    return %arg0, %c0_i32 : i32, i32
  }
}

</mosaic_0001>

<sc_bundles>
// kernel: kernel.5.cloned.1.call-start
scs
__scs_entry_jumppad:
0x0: {  	(pc) =	sbr.rel $0x88, $3  }
0x1: {  	(tag) =	ssettag $0x0;
	lr =	simm.s32 $0x1  }
0x2: {  	[smem:$0x3F95] =	sst lr;
	_ =	strace $0xD0000000  }
0x3: {  	_ = 	snop  }
0x4: {  	_ = 	snop  }
0x5: {  	_ = 	snop  }
0x6: {  	_ = 	snop  }
0x7: {  	_ = 	snop  }
__scs_overlays_trampoline_lowered:
0x8: {  	[smem:$0x3FA4] =	sst s0  }
0x9: {  	[smem:$0x3FA5] =	sst s1  }
0xa: {  	[smem:$0x3FA6] =	sst s2  }
0xb: {  	[smem:$0x3FA7] =	sst s3  }
0xc: {  	[smem:$0x3FA8] =	sst s4  }
0xd: {  	[smem:$0x3FA9] =	sst s5  }
0xe: {  	[smem:$0x3FAA] =	sst s6  }
0xf: {  	[smem:$0x3FAB] =	sst s7  }
0x10: {  	[smem:$0x3FAC] =	sst s8  }
0x11: {  	[smem:$0x3FAD] =	sst s9;
	s0 =	simm.s32 @!p0 $0x0  }
0x12: {  	s1 =	sld [smem:$0x3F93];
	s0 =	simm.s32 @p0 $0x1  }
0x13: {  	[smem:$0x3FAE] =	sst s0;
	s0 =	simm.s32 @!p1 $0x0  }
0x14: {  	s2 =	sld [smem:$0x3F92];
	s0 =	simm.s32 @p1 $0x1  }
0x15: {  	[smem:$0x3FAF] =	sst s0;
	s0 =	simm.s32 @!p2 $0x0  }
0x16: {  	s3 =	sld [smem:$0x3FDB];
	s0 =	simm.s32 @p2 $0x1  }
0x17: {  	s4 =	simm.s32 $0x1BF5;
	[smem:$0x3FB1] =	sst s0  }
0x18: {  	s0 =	sld [smem:$0x3F94];
	_ =	swait.ge [sflag:s4], $0x0  }
0x19: {  	s7 =	sld [smem:$0x3F95]  }
0x1a: {  	s8 =	sadd.s32 $0xFFFFE003, lr  }
0x1b: {  	s9 =	sadd.s32 $0xFFFFFEF7, lr;
	s5 =	simm.s32 $0xFFFFFFFF;
	p2 =	slt.u32 s8, $0xFFFFF086  }
0x1c: {  	p1 =	slt.u32 s9, $0xF7A;
	s5 =	simm.s32 @!p2 $0x0  }
0x1d: {  	s5 =	simm.s32 @p1 $0x1;
	p0 =	seq.s32 s7, s2  }
0x1e: {  	s7 =	smul.u32 @!p0 $0xF7A, s2;
	p2 =	seq.s32 @!p0 s5, $0x0  }
0x1f: {  	s9 =	smul.u32 $0xF7A, s1;
	s8 =	simm.s32 @!p0 $0x1BF5;
	p2 =	por !p2, p0  }
0x20: {  	[sflag:s8] =	ssyncset.s32 @!p0 $0xFFFFF086;
	s6 =	sadd.s32 @!p0 s3, s7;
	s7 =	simm.s32 @!p0 $0x108  }
0x21: {  	s3 =	sadd.s32 s3, s9;
	s6 =	sadd.s32 @!p0 $0x88, s6;
	s7 =	simm.s32 @p2 $0x1082  }
0x22: {  	[simem:s7], [sflag:s8] =	dma.local @!p0 [hbm:s6], $0xF7A  }
0x23: {  	s9 =	sor.u32 $0xD0000000, s2;
	s6 =	simm.s32 $0x108;
	_ =	swait.ge @!p0 [sflag:s8], $0x0  }
0x24: {  	s3 =	sadd.s32 $0x88, s3;
	s6 =	simm.s32 @!p1 $0x1082;
	[sflag:s4] =	ssyncset.s32 $0xFFFFF086  }
0x25: {  	[simem:s6], [sflag:s4] =	dma.local [hbm:s3], $0xF7A  }
0x26: {  	[smem:$0x3F95] =	sst s1;
	(tag) =	ssettag s2;
	_ =	strace s9  }
0x27: {  	s1 =	sld [smem:$0x3FA5]  }
0x28: {  	s2 =	sld [smem:$0x3FA6]  }
0x29: {  	s4 =	sld [smem:$0x3FA8]  }
0x2a: {  	p0 =	seq.s32 s5, $0x0;
	s5 =	sld [smem:$0x3FA9]  }
0x2b: {  	s6 =	sld [smem:$0x3FAA]  }
0x2c: {  	s7 =	sld [smem:$0x3FAB]  }
0x2d: {  	s3 =	simm.s32 $0x108;
	s8 =	sld [smem:$0x3FAC]  }
0x2e: {  	s3 =	simm.s32 @!p0 $0x1082;
	s9 =	sld [smem:$0x3FAD]  }
0x2f: {  	lr =	sadd.s32 s0, s3;
	s0 =	sld [smem:$0x3FA4]  }
0x30: {  	s3 =	sld [smem:$0x3FA7]  }
0x31: {  	[smem:$0x3FB0] =	sst s10  }
0x32: {  	s10 =	sld [smem:$0x3FAE];
	_ =	sdelay $0x3  }
0x33: {  	p0 =	seq.s32 s10, $0x1;
	s10 =	sld [smem:$0x3FB0];
	_ =	sdelay $0x3  }
0x34: {  	[smem:$0x3FB0] =	sst s10  }
0x35: {  	s10 =	sld [smem:$0x3FAF];
	_ =	sdelay $0x3  }
0x36: {  	p1 =	seq.s32 s10, $0x1;
	s10 =	sld [smem:$0x3FB0];
	_ =	sdelay $0x3  }
0x37: {  	[smem:$0x3FB0] =	sst s10  }
0x38: {  	s10 =	sld [smem:$0x3FB1]  }
0x39: {  	_ = 	snop;
	(pc) =	sbr.ind lr, $3  }
0x3a: {  	_ = 	snop  }
0x3b: {  	_ = 	snop  }
0x3c: {  	p2 =	seq.s32 s10, $0x1;
	s10 =	sld [smem:$0x3FB0]  }
0x3d: {  	_ =	shalt  }
0x3e: {  	_ =	shalt  }
0x3f: {  	_ =	shalt  }
0x40: {  	_ =	shalt  }
0x41: {  	_ =	shalt  }
0x42: {  	_ =	shalt  }
0x43: {  	_ =	shalt  }
0x44: {  	_ =	shalt  }
0x45: {  	_ =	shalt  }
0x46: {  	_ =	shalt  }
0x47: {  	_ =	shalt  }
0x48: {  	_ =	shalt  }
0x49: {  	_ =	shalt  }
0x4a: {  	_ =	shalt  }
0x4b: {  	_ =	shalt  }
0x4c: {  	_ =	shalt  }
0x4d: {  	_ =	shalt  }
0x4e: {  	_ =	shalt  }
0x4f: {  	_ =	shalt  }
0x50: {  	_ =	shalt  }
0x51: {  	_ =	shalt  }
0x52: {  	_ =	shalt  }
0x53: {  	_ =	shalt  }
0x54: {  	_ =	shalt  }
0x55: {  	_ =	shalt  }
0x56: {  	_ =	shalt  }
0x57: {  	_ =	shalt  }
0x58: {  	_ =	shalt  }
0x59: {  	_ =	shalt  }
0x5a: {  	_ =	shalt  }
0x5b: {  	_ =	shalt  }
0x5c: {  	_ =	shalt  }
0x5d: {  	_ =	shalt  }
0x5e: {  	_ =	shalt  }
0x5f: {  	_ =	shalt  }
0x60: {  	_ =	shalt  }
0x61: {  	_ =	shalt  }
0x62: {  	_ =	shalt  }
0x63: {  	_ =	shalt  }
0x64: {  	_ =	shalt  }
0x65: {  	_ =	shalt  }
0x66: {  	_ =	shalt  }
0x67: {  	_ =	shalt  }
0x68: {  	_ =	shalt  }
0x69: {  	_ =	shalt  }
0x6a: {  	_ =	shalt  }
0x6b: {  	_ =	shalt  }
0x6c: {  	_ =	shalt  }
0x6d: {  	_ =	shalt  }
0x6e: {  	_ =	shalt  }
0x6f: {  	_ =	shalt  }
0x70: {  	_ =	shalt  }
0x71: {  	_ =	shalt  }
0x72: {  	_ =	shalt  }
0x73: {  	_ =	shalt  }
0x74: {  	_ =	shalt  }
0x75: {  	_ =	shalt  }
0x76: {  	_ =	shalt  }
0x77: {  	_ =	shalt  }
0x78: {  	_ =	shalt  }
0x79: {  	_ =	shalt  }
0x7a: {  	_ =	shalt  }
0x7b: {  	_ =	shalt  }
0x7c: {  	_ =	shalt  }
0x7d: {  	_ =	shalt  }
0x7e: {  	_ =	shalt  }
0x7f: {  	_ =	shalt  }
0x80: {  	_ =	shalt  }
0x81: {  	_ =	shalt  }
0x82: {  	_ =	shalt  }
0x83: {  	_ =	shalt  }
0x84: {  	_ =	shalt  }
0x85: {  	_ =	shalt  }
0x86: {  	_ =	shalt  }
0x87: {  	_ =	shalt  }
.Lfunc_end0:
.L_simem_size_0:
called_computation.1_lowered:
.L_overlay_start_0:
0x88: {  	s2 =	sld [smem:$0x3FD9]  }
0x89: {  	s3 =	sld [smem:$0x3FFE];
	_ =	sdelay $0x1  }
0x8a: {  	s1 =	srdreg.scid  }
0x8b: {  	s0 =	sand.u32 $0x1, s1  }
0x8c: {  	s17 =	sshll.u32 s0, $0xA;
	s2 =	sadd.s32 s3, s2  }
0x8d: {  	s2 =	sadd.s32 s2, s17  }
0x8e: {  	[smem:$0x3FBC] =	sst s2  }
0x8f: {  	_ = 	snop  }
0x90: {  	s2 =	sld [smem:$0x3FD0];
	(tm) =	ssettm $0x1  }
0x91: {  	s18 =	sld [smem:$0x3FFB];
	_ =	sdelay $0x3  }
0x92: {  	_ =	strace s18  }
0x93: {  	s3 =	sld [smem:$0x3FFC];
	_ =	sdelay $0x3  }
0x94: {  	_ =	strace s3  }
0x95: {  	s3 =	sld [smem:$0x3FFD];
	_ =	sdelay $0x3  }
0x96: {  	_ =	strace s3  }
0x97: {  	_ =	strace $0x8FFFFFFF  }
0x98: {  	s19 =	sld [smem:$0x3FDB];
	_ =	sdelay $0x1  }
0x99: {  	s4 =	simm.s32 $_scs_section_size  }
0x9a: {  	s5 =	simm.s32 $_size__tile_overlayer_lowered;
	s6 =	simm.s32 $_tile_overlayer_lowered  }
0x9b: {  	s22 =	simm.s32 $0x1BFF;
	s21 =	sshll.u32 s6, $0x1;
	s3 =	sadd.s32 s4, s19  }
0x9c: {  	s7 =	simm.s32 $0x0;
	s20 =	sshll.u32 s5, $0x1;
	s5 =	sadd.s32 s21, s3  }
0x9d: {  	[timem:s7], [sflag:s22] =	dma.local [hbm:s5], s20  }
0x9e: {  	_ =	swait.ge [sflag:s22], s20  }
0x9f: {  	s4 =	ssub.s32 $0x0, s20;
	[sflag:s22] =	ssyncset.done $0x0  }
0xa0: {  	[sflag:s22] =	ssyncadd.s32 s4;
	_ =	sdelay $0x1  }
0xa1: {  	s23 =	simm.s32 $0x1B8B  }
0xa2: {  	_ =	swait.ge [sflag:s23], $0x1  }
0xa3: {  	[sflag:s23] =	ssyncset.done $0x0  }
0xa4: {  	s25 =	simm.s32 $0x1B8E;
	s24 =	sld [smem:$0x3FFE];
	[sflag:s23] =	ssyncadd.s32 $0xFFFFFFFF  }
0xa5: {  	s26 =	simm.s32 $execute0_lowered;
	[smem:$0x3FD2] =	sst s25  }
0xa6: {  	s5 =	sshll.u32 s26, $0x1;
	_ =	strace $0x80000046;
	[dreg:$0x1] =	wrdreg $0xFFFFFFFF  }
0xa7: {  	s28 =	simm.s32 $_size_execute0_lowered;
	s3 =	sadd.s32 s3, s5;
	[dreg:$0x0] =	wrdreg $0x0  }
0xa8: {  	s5 =	sshll.u32 s28, $0x1;
	[dreg:$0x2] =	wrdreg s3  }
0xa9: {  	[dreg:$0x3] =	wrdreg s5  }
0xaa: {  	[dreg:$0x4] =	wrdreg $0xC0  }
0xab: {  	_ =	task [dreg:s7], $0x5FFFF  }
0xac: {  	[dreg:$0x1] =	wrdreg $0xFFFFFFFF  }
0xad: {  	[dreg:$0x0] =	wrdreg $0x60  }
0xae: {  	[dreg:$0x2] =	wrdreg s24  }
0xaf: {  	[dreg:$0x3] =	wrdreg s2  }
0xb0: {  	[dreg:$0x4] =	wrdreg $0x9  }
0xb1: {  	_ =	task.clear_ibuf [dreg:s7], $0x5FFFF;
	_ =	strace $0x90000046  }
0xb2: {  	s29 =	simm.s32 $0x9;
	_ =	strace $0x80000048  }
0xb3: {  	_ =	swait.ge [sflag:s29], $0x1  }
0xb4: {  	[sflag:s29] =	ssyncadd.s32 $0xFFFFFFFF  }
0xb5: {  	_ =	strace $0x90000048  }
0xb6: {  	_ =	sfence  }
0xb7: {  	s30 =	sld [smem:$0x0];
	_ =	sdelay $0x2  }
0xb8: {  	s31 =	sshll.u32 s1, $0xD;
	s1 =	sshrl.u32 s1, $0x2  }
0xb9: {  	s3 =	sand.u32 $0x4000, s31;
	s1 =	sadd.s32 s1, s30  }
0xba: {  	s0 =	sor.u32 s3, s0;
	s1 =	sshll.u32 s1, $0x11  }
0xbb: {  	s0 =	sor.u32 s1, s0  }
0xbc: {  	s0 =	sadd.s32 $0x8F2B, s0  }
0xbd: {  	[sflag:s0] =	ssyncadd.remote.s32 $0x1  }
0xbe: {  	_ =	sfence.sel $0xFFFF  }
0xbf: {  	[dreg:$0x0] =	wrdreg $0xFFFFFFFF;
	(pc) =	sbr.abs _section_cstart, $3  }
0xc0: {  	[dreg:$0x1] =	wrdreg $0xFFFFFFFF  }
0xc1: {  	_ =	task.clear_ibuf [dreg:s7], $0x2FFFF;
	_ =	strace $0x9FFFFFFF  }
0xc2: {  	(tm) =	ssettm $0x7FFFFFFF  }
0xc3: {  	_ =	shalt  }
tec
execute0_lowered:
.L_overlay_start_1:
0x0: {  	(tag) =	ssettag $0x1  }
0x1: {  	s0 =	rddreg [dreg:$0x0]  }
0x2: {  	s2 =	rddreg [dreg:$0x1]  }
0x3: {  	s3 =	simm.s32 $0x0;
	s1 =	srdreg.scid;
	s4 =	stileid.u32  }
0x4: {  	s18 =	simm.s32 $0x4;
	s21 =	simm.s32 $0xBA00;
	s22 =	simm.s32 $0x1  }
0x5: {  	s23 =	simm.s32 $0x80;
	s30 =	simm.s32 $0x2;
	s31 =	simm.s32 $0x3  }
0x6: {  	[smem:$0x7FF] =	sst s3;
	s1 =	sand.u32 $0x1, s1;
	s5 =	sshll.u32 s4, $0x1  }
0x7: {  	s4 =	sadd.s32 $0x195800, s0;
	s28 =	sadd.s32 $0xE00, s0;
	s6 =	sadd.s32 $0x8A00, s0  }
0x8: {  	v0 =	vimm.s32 $0x0;
	vm0 =	vcmask $0x300;
	s7 =	sadd.s32 $0x2600, s0;
	s16 =	sor.u32 s1, s5;
	s1 =	ssub.s32 $0x2, s1  }
0x9: {  	v1 =	vlaneseq.u32;
	v0 =	vsel vm0, $0x3, v0;
	_ =	strace $0x80000047;
	s15 =	smul.u32 $0x1900, s16;
	s8 =	sshrl.u32 s1, $0x1  }
0xa: {  	v2 =	vor.u32 $0x10, v1;
	v3 =	vor.u32 $0x20, v1;
	v4 =	vor.u32 $0x30, v1;
	[dreg:$0x3] =	wrdreg s28;
	s16 =	smul.u32 $0x64000, s16;
	s1 =	ssub.s32 s1, s8  }
0xb: {  	v5 =	vor.u32 $0x800, v1;
	v6 =	vor.u32 $0x810, v1;
	v7 =	vor.u32 $0x820, v1;
	s8 =	sadd.s32 $0x8A10, s0;
	s0 =	simm.s32 $0x0;
	s11 =	sshrl.u32 s15, $0x3  }
0xc: {  	v8 =	vor.u32 $0x830, v1;
	v9 =	vor.u32 $0x1800, v1;
	v10 =	vor.u32 $0x1810, v1;
	s15 =	sadd.s32 $0x200, s15;
	s17 =	smax.u32 s1, $0x1;
	s9 =	sadd.s32 s6, s11  }
0xd: {  	v11 =	vor.u32 $0x1820, v1;
	v12 =	vor.u32 $0x1830, v1;
	v13 =	vor.u32 $0x9800, v1;
	s10 =	sadd.s32 s11, s8;
	s29 =	sadd.s32 $0x20, s11;
	s11 =	sadd.s32 s7, s11  }
0xe: {  	v14 =	vor.u32 $0x9810, v1;
	v15 =	vor.u32 $0x9820, v1;
	v16 =	vor.u32 $0x9830, v1;
	s12 =	sadd.s32 s6, s29;
	s13 =	sadd.s32 $0x30, s9;
	s14 =	sadd.s32 s7, s29  }
.LBB2_1:
0xf: {  	s1 =	rddreg [dreg:$0x3]  }
0x10: {  	[tilespmem:s3], [sflag:$0x4] =	stream.linear.gather [hbm4b:s1+s3], $0xB800, $0x38;
	[tilespmem:$0x13C20] =	vst v63  }
0x11: {  	_ =	swait.ge [sflag:s18], $0xB800  }
0x12: {  	[sflag:s18] =	ssyncset.done $0x0  }
0x13: {  	s24 =	simm.s32 $0xB800;
	[sflag:s18] =	ssyncadd.s32 $0xFFFF4800  }
0x14: {  	[tilespmem:s24], [sflag:$0x1] =	stream.linear.gather [hbm4b:s9+s3], $0x80, $0x38;
	[tilespmem:$0x13C20] =	vst v63  }
0x15: {  	s5 =	simm.s32 $0xB880  }
0x16: {  	[tilespmem:s5], [sflag:$0x1] =	stream.linear.gather [hbm4b:s10+s3], $0x80, $0x38;
	[tilespmem:$0x13C20] =	vst v63  }
0x17: {  	_ = 	snop  }
0x18: {  	[tilespmem:s21], [sflag:$0x1] =	stream.linear.gather [hbm4b:s11+s3], $0x100, $0x38;
	[tilespmem:$0x13C20] =	vst v63  }
0x19: {  	_ =	swait.ge [sflag:s22], $0x80  }
0x1a: {  	[sflag:s22] =	ssyncset.done $0x0  }
0x1b: {  	[sflag:s22] =	ssyncadd.s32 $0xFFFFFF80  }
0x1c: {  	_ =	swait.ge [sflag:s22], $0x80  }
0x1d: {  	[sflag:s22] =	ssyncset.done $0x0  }
0x1e: {  	[sflag:s22] =	ssyncadd.s32 $0xFFFFFF80  }
0x1f: {  	_ =	swait.ge [sflag:s22], $0x100  }
0x20: {  	[sflag:s22] =	ssyncset.done $0x0  }
0x21: {  	s19 =	simm.s32 $0xBC20;
	[sflag:s22] =	ssyncadd.s32 $0xFFFFFF00  }
0x22: {  	[tilespmem:s19], [sflag:$0x2] =	stream.indirect.gather [hbm4b:s4+s23], $0x40, s24, s23, $0xb8;
	[tilespmem:$0x13C20] =	vst v63  }
0x23: {  	s25 =	simm.s32 $0xDC20  }
0x24: {  	[tilespmem:s25], [sflag:$0x2] =	stream.indirect.gather [hbm4b:s4+s23], $0x40, s5, s23, $0xb8;
	[tilespmem:$0x13C20] =	vst v63  }
0x25: {  	s26 =	simm.s32 $0xB900  }
0x26: {  	[tilespmem:s26], [sflag:$0x1] =	stream.linear.gather [hbm4b:s12+s3], $0x80, $0x38;
	[tilespmem:$0x13C20] =	vst v63  }
0x27: {  	s28 =	simm.s32 $0xB980  }
0x28: {  	[tilespmem:s28], [sflag:$0x1] =	stream.linear.gather [hbm4b:s13+s3], $0x80, $0x38;
	[tilespmem:$0x13C20] =	vst v63  }
0x29: {  	s29 =	simm.s32 $0xBB10;
	p0 =	por $0x0, $0x0;
	s1 =	simm.s32 $0x0  }
0x2a: {  	[tilespmem:s29], [sflag:$0x1] =	stream.linear.gather [hbm4b:s14+s3], $0x100, $0x38;
	[tilespmem:$0x13C20] =	vst v63  }
.LBB2_2:
0x2b: {  	p1 =	seq.s32 s1, $0x18  }
0x2c: {  	s25 =	simm.s32 @!p1 $0x1  }
0x2d: {  	_ =	swait.ge @!p1 [sflag:s25], $0x80  }
0x2e: {  	[sflag:s25] =	ssyncset.done @!p1 $0x0  }
0x2f: {  	[sflag:s25] =	ssyncadd.s32 @!p1 $0xFFFFFF80  }
0x30: {  	_ =	swait.ge @!p1 [sflag:s25], $0x80  }
0x31: {  	[sflag:s25] =	ssyncset.done @!p1 $0x0  }
0x32: {  	[sflag:s25] =	ssyncadd.s32 @!p1 $0xFFFFFF80  }
0x33: {  	p2 =	seq.s32 @!p1 s1, $0x0;
	_ =	swait.ge @!p1 [sflag:s25], $0x100  }
0x34: {  	p2 =	por p2, p1;
	[sflag:s25] =	ssyncset.done @!p1 $0x0  }
0x35: {  	s24 =	sadd.s32 $0x1, s1;
	[sflag:s25] =	ssyncadd.s32 @!p1 $0xFFFFFF00;
	s25 =	simm.s32 @!p2 $0x3  }
0x36: {  	s26 =	sand.u32 @!p1 $0x1, s24;
	s5 =	simm.s32 @!p1 $0x80;
	_ =	swait.ge @!p2 [sflag:s25], $0x4000  }
0x37: {  	s28 =	sshll.u32 @!p1 s26, $0x8;
	s26 =	sshll.u32 @!p1 s26, $0xE;
	[sflag:s25] =	ssyncset.done @!p2 $0x0  }
0x38: {  	s29 =	sor.u32 @!p1 $0xB800, s28;
	[sflag:s25] =	ssyncadd.s32 @!p2 $0xFFFFC000;
	s25 =	sor.u32 @!p1 $0xBC20, s26  }
0x39: {  	[tilespmem:s25], [sflag:$0x2] =	stream.indirect.gather @!p1 [hbm4b:s4+s5], $0x40, s29, s5, $0xb8;
	[tilespmem:$0x13C20] =	vst v63  }
0x3a: {  	s28 =	sor.u32 @!p1 $0xB880, s28;
	s26 =	sadd.s32 @!p1 $0xDC20, s26;
	s25 =	sand.u32 $0x1, s1  }
0x3b: {  	[tilespmem:s26], [sflag:$0x2] =	stream.indirect.gather @!p1 [hbm4b:s4+s5], $0x40, s28, s5, $0xb8;
	[tilespmem:$0x13C20] =	vst v63  }
0x3c: {  	v17 =	vmov s25;
	_ =	swait.ge [sflag:s30], $0x2000  }
0x3d: {  	v17 =	vmul.u32 $0x110, v17;
	[sflag:s30] =	ssyncset.done $0x0  }
0x3e: {  	s5 =	simm.s32 $0x1;
	[sflag:s30] =	ssyncadd.s32 $0xFFFFE000  }
0x3f: {  	s29 =	simm.s32 $0x0;
	s5 =	simm.s32 @!p0 $0x0;
	v18 =	vor.u32 $0x1, v17;
	_ =	swait.ge [sflag:s30], $0x2000  }
0x40: {  	s26 =	sshll.u32 s25, $0xE;
	s5 =	sshll.u32 s5, $0xE;
	v19 =	vor.u32 $0x2, v17;
	v20 =	vor.u32 $0x3, v17;
	v21 =	vor.u32 $0x4, v17;
	[sflag:s30] =	ssyncset.done $0x0  }
0x41: {  	s26 =	sor.u32 $0xBC20, s26;
	v22 =	vor.u32 $0x5, v17;
	v23 =	vor.u32 $0x6, v17;
	v24 =	vor.u32 $0x7, v17;
	s28 =	sor.u32 $0xBE20, s5;
	[sflag:s30] =	ssyncadd.s32 $0xFFFFE000  }
.LBB2_3:
0x42: {  	v25 =	vmov s29  }
0x43: {  	v25 =	vshrl.u32 v25, $0x3  }
0x44: {  	v25 =	vshll.u32 v25, v0  }
0x45: {  	v25 =	vadd.s32 v17, v25  }
0x46: {  	v25 =	vbroadcast v25, $0x0;
	_ =	sdelay $0x5  }
0x47: {  	v25 =	vld.idx.msk [tilespmem:v25+s21+$0x0], $0xffff;
	_ =	sdelay $0x4  }
0x48: {  	v26 =	vshll.u32 v25, $0x6  }
0x49: {  	v26 =	vand.u32 $0x7C0, v26  }
0x4a: {  	v27 =	vor.u32 v1, v26  }
0x4b: {  	v28 =	vld [tilespmem:s28+$0xFFFFFE00];
	v29 =	vor.u32 v2, v26  }
0x4c: {  	v30 =	vld [tilespmem:s28+$0xFFFFFE10];
	v32 =	vshll.u32 v25, $0x1;
	v31 =	vor.u32 v3, v26  }
0x4d: {  	v33 =	vld [tilespmem:s28+$0xFFFFFE20];
	v32 =	vand.u32 $0xFC0, v32;
	v26 =	vor.u32 v4, v26  }
0x4e: {  	v34 =	vld [tilespmem:s28+$0xFFFFFE30];
	v35 =	vadd.s32 v5, v32  }
0x4f: {  	v36 =	vadd.s32 v6, v32;
	v27 =	vld.idx.msk [tilespmem:v27+s3+$0x0], $0xffff  }
0x50: {  	v38 =	vshrl.u32 v25, $0x5;
	v37 =	vadd.s32 v7, v32;
	v29 =	vld.idx.msk [tilespmem:v29+s3+$0x0], $0xffff  }
0x51: {  	v38 =	vand.u32 $0x7FC0, v38;
	v32 =	vadd.s32 v8, v32;
	v31 =	vld.idx.msk [tilespmem:v31+s3+$0x0], $0xffff  }
0x52: {  	v39 =	vadd.s32 v9, v38;
	v26 =	vld.idx.msk [tilespmem:v26+s3+$0x0], $0xffff  }
0x53: {  	v40 =	vadd.s32 v10, v38;
	v35 =	vld.idx.msk [tilespmem:v35+s3+$0x0], $0xffff  }
0x54: {  	v25 =	vshra.s32 v25, $0xE;
	v41 =	vadd.s32 v11, v38;
	v36 =	vld.idx.msk [tilespmem:v36+s3+$0x0], $0xffff  }
0x55: {  	v25 =	vand.u32 $0xFFFFFFC0, v25;
	v38 =	vadd.s32 v12, v38;
	v37 =	vld.idx.msk [tilespmem:v37+s3+$0x0], $0xffff  }
0x56: {  	v42 =	vadd.s32 v13, v25;
	v32 =	vld.idx.msk [tilespmem:v32+s3+$0x0], $0xffff  }
0x57: {  	v43 =	vadd.s32 v14, v25;
	v39 =	vld.idx.msk [tilespmem:v39+s3+$0x0], $0xffff  }
0x58: {  	v44 =	vadd.s32 v15, v25;
	v40 =	vld.idx.msk [tilespmem:v40+s3+$0x0], $0xffff  }
0x59: {  	v25 =	vadd.s32 v16, v25;
	v41 =	vld.idx.msk [tilespmem:v41+s3+$0x0], $0xffff  }
0x5a: {  	v53 =	vld.idx.msk [tilespmem:v38+s3+$0x0], $0xffff;
	v27 =	vadd.f32 v27, v28  }
0x5b: {  	s5 =	sadd.s32 $0x1, s29;
	v54 =	vld.idx.msk [tilespmem:v42+s3+$0x0], $0xffff;
	v29 =	vadd.f32 v29, v30  }
0x5c: {  	v56 =	vmov s5;
	v55 =	vld.idx.msk [tilespmem:v43+s3+$0x0], $0xffff;
	v31 =	vadd.f32 v31, v33;
	v27 =	vadd.f32 v35, v27  }
0x5d: {  	v57 =	vld.idx.msk [tilespmem:v44+s3+$0x0], $0xffff;
	v26 =	vadd.f32 v26, v34;
	v29 =	vadd.f32 v36, v29;
	v35 =	vshrl.u32 v56, $0x3  }
0x5e: {  	v25 =	vld.idx.msk [tilespmem:v25+s3+$0x0], $0xffff;
	v31 =	vadd.f32 v37, v31;
	v35 =	vshll.u32 v35, v0;
	v27 =	vadd.f32 v39, v27  }
0x5f: {  	v26 =	vadd.f32 v32, v26;
	v29 =	vadd.f32 v40, v29;
	v58 =	vadd.s32 v35, v18  }
0x60: {  	v31 =	vadd.f32 v41, v31;
	v59 =	vbroadcast v58, $0x0;
	v27 =	vadd.f32 v54, v27  }
0x61: {  	v26 =	vadd.f32 v53, v26;
	v60 =	vadd.f32 v55, v29  }
0x62: {  	v61 =	vadd.f32 v57, v31;
	[tilespmem:s28+$0xFFFFFE00] =	vst v27  }
0x63: {  	v25 =	vadd.f32 v25, v26;
	[tilespmem:s28+$0xFFFFFE10] =	vst v60  }
0x64: {  	[tilespmem:s28+$0xFFFFFE20] =	vst v61  }
0x65: {  	[tilespmem:s28+$0xFFFFFE30] =	vst v25  }
0x66: {  	v25 =	vld.idx.msk [tilespmem:v59+s21+$0x0], $0xffff;
	_ =	sdelay $0x4  }
0x67: {  	v26 =	vshll.u32 v25, $0x6  }
0x68: {  	v26 =	vand.u32 $0x7C0, v26  }
0x69: {  	v27 =	vor.u32 v1, v26  }
0x6a: {  	v63 =	vld [tilespmem:s28+$0xFFFFFE50];
	v62 =	vor.u32 v2, v26  }
0x6b: {  	v50 =	vld [tilespmem:s28+$0xFFFFFE60];
	v49 =	vshll.u32 v25, $0x1;
	v48 =	vor.u32 v3, v26  }
0x6c: {  	v51 =	vld [tilespmem:s28+$0xFFFFFE70];
	v32 =	vand.u32 $0xFC0, v49;
	v26 =	vor.u32 v4, v26  }
0x6d: {  	v28 =	vld [tilespmem:s28+$0xFFFFFE40];
	v52 =	vadd.s32 v5, v32  }
0x6e: {  	v53 =	vadd.s32 v6, v32;
	v27 =	vld.idx.msk [tilespmem:v27+s3+$0x0], $0xffff  }
0x6f: {  	v55 =	vshrl.u32 v25, $0x5;
	v54 =	vadd.s32 v7, v32;
	v29 =	vld.idx.msk [tilespmem:v62+s3+$0x0], $0xffff  }
0x70: {  	v38 =	vand.u32 $0x7FC0, v55;
	v32 =	vadd.s32 v8, v32;
	v31 =	vld.idx.msk [tilespmem:v48+s3+$0x0], $0xffff  }
0x71: {  	v56 =	vadd.s32 v9, v38;
	v26 =	vld.idx.msk [tilespmem:v26+s3+$0x0], $0xffff  }
0x72: {  	v57 =	vadd.s32 v10, v38;
	v35 =	vld.idx.msk [tilespmem:v52+s3+$0x0], $0xffff  }
0x73: {  	v25 =	vshra.s32 v25, $0xE;
	v58 =	vadd.s32 v11, v38;
	v36 =	vld.idx.msk [tilespmem:v53+s3+$0x0], $0xffff  }
0x74: {  	v25 =	vand.u32 $0xFFFFFFC0, v25;
	v38 =	vadd.s32 v12, v38;
	v37 =	vld.idx.msk [tilespmem:v54+s3+$0x0], $0xffff  }
0x75: {  	v59 =	vadd.s32 v13, v25;
	v32 =	vld.idx.msk [tilespmem:v32+s3+$0x0], $0xffff  }
0x76: {  	v60 =	vadd.s32 v14, v25;
	v39 =	vld.idx.msk [tilespmem:v56+s3+$0x0], $0xffff  }
0x77: {  	v61 =	vadd.s32 v15, v25;
	v40 =	vld.idx.msk [tilespmem:v57+s3+$0x0], $0xffff  }
0x78: {  	v25 =	vadd.s32 v16, v25;
	v41 =	vld.idx.msk [tilespmem:v58+s3+$0x0], $0xffff  }
0x79: {  	v62 =	vld.idx.msk [tilespmem:v38+s3+$0x0], $0xffff;
	v27 =	vadd.f32 v27, v28  }
0x7a: {  	s19 =	sadd.s32 $0x2, s29;
	v29 =	vadd.f32 v29, v63;
	v63 =	vld.idx.msk [tilespmem:v59+s3+$0x0], $0xffff  }
0x7b: {  	v42 =	vmov s19;
	v38 =	vld.idx.msk [tilespmem:v60+s3+$0x0], $0xffff;
	v31 =	vadd.f32 v31, v50;
	v27 =	vadd.f32 v35, v27  }
0x7c: {  	v43 =	vld.idx.msk [tilespmem:v61+s3+$0x0], $0xffff;
	v26 =	vadd.f32 v26, v51;
	v29 =	vadd.f32 v36, v29;
	v35 =	vshrl.u32 v42, $0x3  }
0x7d: {  	v25 =	vld.idx.msk [tilespmem:v25+s3+$0x0], $0xffff;
	v31 =	vadd.f32 v37, v31;
	v35 =	vshll.u32 v35, v0;
	v27 =	vadd.f32 v39, v27  }
0x7e: {  	v26 =	vadd.f32 v32, v26;
	v29 =	vadd.f32 v40, v29;
	v44 =	vadd.s32 v35, v19  }
0x7f: {  	v31 =	vadd.f32 v41, v31;
	v45 =	vbroadcast v44, $0x0;
	v27 =	vadd.f32 v63, v27  }
0x80: {  	v26 =	vadd.f32 v62, v26;
	v46 =	vadd.f32 v38, v29  }
0x81: {  	v47 =	vadd.f32 v43, v31;
	[tilespmem:s28+$0xFFFFFE40] =	vst v27  }
0x82: {  	v25 =	vadd.f32 v25, v26;
	[tilespmem:s28+$0xFFFFFE50] =	vst v46  }
0x83: {  	[tilespmem:s28+$0xFFFFFE60] =	vst v47  }
0x84: {  	[tilespmem:s28+$0xFFFFFE70] =	vst v25  }
0x85: {  	v25 =	vld.idx.msk [tilespmem:v45+s21+$0x0], $0xffff;
	_ =	sdelay $0x4  }
0x86: {  	v26 =	vshll.u32 v25, $0x6  }
0x87: {  	v26 =	vand.u32 $0x7C0, v26  }
0x88: {  	v27 =	vor.u32 v1, v26  }
0x89: {  	v49 =	vld [tilespmem:s28+$0xFFFFFE90];
	v48 =	vor.u32 v2, v26  }
0x8a: {  	v52 =	vld [tilespmem:s28+$0xFFFFFEA0];
	v51 =	vshll.u32 v25, $0x1;
	v50 =	vor.u32 v3, v26  }
0x8b: {  	v53 =	vld [tilespmem:s28+$0xFFFFFEB0];
	v32 =	vand.u32 $0xFC0, v51;
	v26 =	vor.u32 v4, v26  }
0x8c: {  	v28 =	vld [tilespmem:s28+$0xFFFFFE80];
	v54 =	vadd.s32 v5, v32  }
0x8d: {  	v55 =	vadd.s32 v6, v32;
	v27 =	vld.idx.msk [tilespmem:v27+s3+$0x0], $0xffff  }
0x8e: {  	v57 =	vshrl.u32 v25, $0x5;
	v56 =	vadd.s32 v7, v32;
	v29 =	vld.idx.msk [tilespmem:v48+s3+$0x0], $0xffff  }
0x8f: {  	v38 =	vand.u32 $0x7FC0, v57;
	v32 =	vadd.s32 v8, v32;
	v31 =	vld.idx.msk [tilespmem:v50+s3+$0x0], $0xffff  }
0x90: {  	v58 =	vadd.s32 v9, v38;
	v26 =	vld.idx.msk [tilespmem:v26+s3+$0x0], $0xffff  }
0x91: {  	v59 =	vadd.s32 v10, v38;
	v35 =	vld.idx.msk [tilespmem:v54+s3+$0x0], $0xffff  }
0x92: {  	v25 =	vshra.s32 v25, $0xE;
	v60 =	vadd.s32 v11, v38;
	v36 =	vld.idx.msk [tilespmem:v55+s3+$0x0], $0xffff  }
0x93: {  	v25 =	vand.u32 $0xFFFFFFC0, v25;
	v38 =	vadd.s32 v12, v38;
	v37 =	vld.idx.msk [tilespmem:v56+s3+$0x0], $0xffff  }
0x94: {  	v61 =	vadd.s32 v13, v25;
	v32 =	vld.idx.msk [tilespmem:v32+s3+$0x0], $0xffff  }
0x95: {  	v62 =	vadd.s32 v14, v25;
	v39 =	vld.idx.msk [tilespmem:v58+s3+$0x0], $0xffff  }
0x96: {  	v63 =	vadd.s32 v15, v25;
	v40 =	vld.idx.msk [tilespmem:v59+s3+$0x0], $0xffff  }
0x97: {  	v25 =	vadd.s32 v16, v25;
	v41 =	vld.idx.msk [tilespmem:v60+s3+$0x0], $0xffff  }
0x98: {  	v48 =	vld.idx.msk [tilespmem:v38+s3+$0x0], $0xffff;
	v27 =	vadd.f32 v27, v28  }
0x99: {  	s20 =	sadd.s32 $0x3, s29;
	v29 =	vadd.f32 v29, v49;
	v49 =	vld.idx.msk [tilespmem:v61+s3+$0x0], $0xffff  }
0x9a: {  	v51 =	vmov s20;
	v50 =	vld.idx.msk [tilespmem:v62+s3+$0x0], $0xffff;
	v31 =	vadd.f32 v31, v52;
	v27 =	vadd.f32 v35, v27  }
0x9b: {  	v26 =	vadd.f32 v26, v53;
	v52 =	vld.idx.msk [tilespmem:v63+s3+$0x0], $0xffff;
	v29 =	vadd.f32 v36, v29;
	v35 =	vshrl.u32 v51, $0x3  }
0x9c: {  	v25 =	vld.idx.msk [tilespmem:v25+s3+$0x0], $0xffff;
	v31 =	vadd.f32 v37, v31;
	v35 =	vshll.u32 v35, v0;
	v27 =	vadd.f32 v39, v27  }
0x9d: {  	v26 =	vadd.f32 v32, v26;
	v29 =	vadd.f32 v40, v29;
	v53 =	vadd.s32 v35, v20  }
0x9e: {  	v31 =	vadd.f32 v41, v31;
	v54 =	vbroadcast v53, $0x0;
	v27 =	vadd.f32 v49, v27  }
0x9f: {  	v26 =	vadd.f32 v48, v26;
	v55 =	vadd.f32 v50, v29  }
0xa0: {  	v56 =	vadd.f32 v52, v31;
	[tilespmem:s28+$0xFFFFFE80] =	vst v27  }
0xa1: {  	v25 =	vadd.f32 v25, v26;
	[tilespmem:s28+$0xFFFFFE90] =	vst v55  }
0xa2: {  	[tilespmem:s28+$0xFFFFFEA0] =	vst v56  }
0xa3: {  	[tilespmem:s28+$0xFFFFFEB0] =	vst v25  }
0xa4: {  	v25 =	vld.idx.msk [tilespmem:v54+s21+$0x0], $0xffff;
	_ =	sdelay $0x4  }
0xa5: {  	v26 =	vshll.u32 v25, $0x6  }
0xa6: {  	v26 =	vand.u32 $0x7C0, v26  }
0xa7: {  	v27 =	vor.u32 v1, v26  }
0xa8: {  	v57 =	vld [tilespmem:s28+$0xFFFFFEC0];
	v58 =	vor.u32 v2, v26  }
0xa9: {  	v59 =	vld [tilespmem:s28+$0xFFFFFED0];
	v61 =	vshll.u32 v25, $0x1;
	v60 =	vor.u32 v3, v26  }
0xaa: {  	v62 =	vld [tilespmem:s28+$0xFFFFFEE0];
	v32 =	vand.u32 $0xFC0, v61;
	v26 =	vor.u32 v4, v26  }
0xab: {  	v63 =	vld [tilespmem:s28+$0xFFFFFEF0];
	v43 =	vadd.s32 v5, v32  }
0xac: {  	v44 =	vadd.s32 v6, v32;
	v27 =	vld.idx.msk [tilespmem:v27+s3+$0x0], $0xffff  }
0xad: {  	v46 =	vshrl.u32 v25, $0x5;
	v45 =	vadd.s32 v7, v32;
	v29 =	vld.idx.msk [tilespmem:v58+s3+$0x0], $0xffff  }
0xae: {  	v38 =	vand.u32 $0x7FC0, v46;
	v32 =	vadd.s32 v8, v32;
	v31 =	vld.idx.msk [tilespmem:v60+s3+$0x0], $0xffff  }
0xaf: {  	v47 =	vadd.s32 v9, v38;
	v26 =	vld.idx.msk [tilespmem:v26+s3+$0x0], $0xffff  }
0xb0: {  	v48 =	vadd.s32 v10, v38;
	v35 =	vld.idx.msk [tilespmem:v43+s3+$0x0], $0xffff  }
0xb1: {  	v25 =	vshra.s32 v25, $0xE;
	v49 =	vadd.s32 v11, v38;
	v36 =	vld.idx.msk [tilespmem:v44+s3+$0x0], $0xffff  }
0xb2: {  	v25 =	vand.u32 $0xFFFFFFC0, v25;
	v38 =	vadd.s32 v12, v38;
	v37 =	vld.idx.msk [tilespmem:v45+s3+$0x0], $0xffff  }
0xb3: {  	v50 =	vadd.s32 v13, v25;
	v32 =	vld.idx.msk [tilespmem:v32+s3+$0x0], $0xffff  }
0xb4: {  	v51 =	vadd.s32 v14, v25;
	v39 =	vld.idx.msk [tilespmem:v47+s3+$0x0], $0xffff  }
0xb5: {  	v52 =	vadd.s32 v15, v25;
	v40 =	vld.idx.msk [tilespmem:v48+s3+$0x0], $0xffff  }
0xb6: {  	v25 =	vadd.s32 v16, v25;
	v41 =	vld.idx.msk [tilespmem:v49+s3+$0x0], $0xffff  }
0xb7: {  	v53 =	vld.idx.msk [tilespmem:v38+s3+$0x0], $0xffff;
	v27 =	vadd.f32 v27, v57  }
0xb8: {  	s19 =	sadd.s32 $0x4, s29;
	v54 =	vld.idx.msk [tilespmem:v50+s3+$0x0], $0xffff;
	v29 =	vadd.f32 v29, v59  }
0xb9: {  	v56 =	vmov s19;
	v55 =	vld.idx.msk [tilespmem:v51+s3+$0x0], $0xffff;
	v31 =	vadd.f32 v31, v62;
	v27 =	vadd.f32 v35, v27  }
0xba: {  	v26 =	vadd.f32 v26, v63;
	v57 =	vld.idx.msk [tilespmem:v52+s3+$0x0], $0xffff;
	v29 =	vadd.f32 v36, v29;
	v35 =	vshrl.u32 v56, $0x3  }
0xbb: {  	v25 =	vld.idx.msk [tilespmem:v25+s3+$0x0], $0xffff;
	v31 =	vadd.f32 v37, v31;
	v35 =	vshll.u32 v35, v0;
	v27 =	vadd.f32 v39, v27  }
0xbc: {  	v26 =	vadd.f32 v32, v26;
	v29 =	vadd.f32 v40, v29;
	v58 =	vadd.s32 v35, v21  }
0xbd: {  	v31 =	vadd.f32 v41, v31;
	v59 =	vbroadcast v58, $0x0;
	v27 =	vadd.f32 v54, v27  }
0xbe: {  	v26 =	vadd.f32 v53, v26;
	v60 =	vadd.f32 v55, v29  }
0xbf: {  	v61 =	vadd.f32 v57, v31;
	[tilespmem:s28+$0xFFFFFEC0] =	vst v27  }
0xc0: {  	v25 =	vadd.f32 v25, v26;
	[tilespmem:s28+$0xFFFFFED0] =	vst v60  }
0xc1: {  	[tilespmem:s28+$0xFFFFFEE0] =	vst v61  }
0xc2: {  	[tilespmem:s28+$0xFFFFFEF0] =	vst v25  }
0xc3: {  	v25 =	vld.idx.msk [tilespmem:v59+s21+$0x0], $0xffff;
	_ =	sdelay $0x4  }
0xc4: {  	v26 =	vshll.u32 v25, $0x6  }
0xc5: {  	v26 =	vand.u32 $0x7C0, v26  }
0xc6: {  	v27 =	vor.u32 v1, v26  }
0xc7: {  	v28 =	vld [tilespmem:s28+$0xFFFFFF00];
	v62 =	vor.u32 v2, v26  }
0xc8: {  	v50 =	vld [tilespmem:s28+$0xFFFFFF20];
	v49 =	vshll.u32 v25, $0x1;
	v48 =	vor.u32 v3, v26  }
0xc9: {  	v51 =	vld [tilespmem:s28+$0xFFFFFF30];
	v32 =	vand.u32 $0xFC0, v49;
	v26 =	vor.u32 v4, v26  }
0xca: {  	v63 =	vld [tilespmem:s28+$0xFFFFFF10];
	v52 =	vadd.s32 v5, v32  }
0xcb: {  	v53 =	vadd.s32 v6, v32;
	v27 =	vld.idx.msk [tilespmem:v27+s3+$0x0], $0xffff  }
0xcc: {  	v55 =	vshrl.u32 v25, $0x5;
	v54 =	vadd.s32 v7, v32;
	v29 =	vld.idx.msk [tilespmem:v62+s3+$0x0], $0xffff  }
0xcd: {  	v38 =	vand.u32 $0x7FC0, v55;
	v32 =	vadd.s32 v8, v32;
	v31 =	vld.idx.msk [tilespmem:v48+s3+$0x0], $0xffff  }
0xce: {  	v56 =	vadd.s32 v9, v38;
	v26 =	vld.idx.msk [tilespmem:v26+s3+$0x0], $0xffff  }
0xcf: {  	v57 =	vadd.s32 v10, v38;
	v35 =	vld.idx.msk [tilespmem:v52+s3+$0x0], $0xffff  }
0xd0: {  	v25 =	vshra.s32 v25, $0xE;
	v58 =	vadd.s32 v11, v38;
	v36 =	vld.idx.msk [tilespmem:v53+s3+$0x0], $0xffff  }
0xd1: {  	v25 =	vand.u32 $0xFFFFFFC0, v25;
	v38 =	vadd.s32 v12, v38;
	v37 =	vld.idx.msk [tilespmem:v54+s3+$0x0], $0xffff  }
0xd2: {  	v59 =	vadd.s32 v13, v25;
	v32 =	vld.idx.msk [tilespmem:v32+s3+$0x0], $0xffff  }
0xd3: {  	v60 =	vadd.s32 v14, v25;
	v39 =	vld.idx.msk [tilespmem:v56+s3+$0x0], $0xffff  }
0xd4: {  	v61 =	vadd.s32 v15, v25;
	v40 =	vld.idx.msk [tilespmem:v57+s3+$0x0], $0xffff  }
0xd5: {  	v25 =	vadd.s32 v16, v25;
	v41 =	vld.idx.msk [tilespmem:v58+s3+$0x0], $0xffff  }
0xd6: {  	v62 =	vld.idx.msk [tilespmem:v38+s3+$0x0], $0xffff;
	v27 =	vadd.f32 v27, v28  }
0xd7: {  	s20 =	sadd.s32 $0x5, s29;
	v29 =	vadd.f32 v29, v63;
	v63 =	vld.idx.msk [tilespmem:v59+s3+$0x0], $0xffff  }
0xd8: {  	v42 =	vmov s20;
	v38 =	vld.idx.msk [tilespmem:v60+s3+$0x0], $0xffff;
	v31 =	vadd.f32 v31, v50;
	v27 =	vadd.f32 v35, v27  }
0xd9: {  	v43 =	vld.idx.msk [tilespmem:v61+s3+$0x0], $0xffff;
	v26 =	vadd.f32 v26, v51;
	v29 =	vadd.f32 v36, v29;
	v35 =	vshrl.u32 v42, $0x3  }
0xda: {  	v25 =	vld.idx.msk [tilespmem:v25+s3+$0x0], $0xffff;
	v31 =	vadd.f32 v37, v31;
	v35 =	vshll.u32 v35, v0;
	v27 =	vadd.f32 v39, v27  }
0xdb: {  	v26 =	vadd.f32 v32, v26;
	v29 =	vadd.f32 v40, v29;
	v44 =	vadd.s32 v35, v22  }
0xdc: {  	v31 =	vadd.f32 v41, v31;
	v45 =	vbroadcast v44, $0x0;
	v27 =	vadd.f32 v63, v27  }
0xdd: {  	v26 =	vadd.f32 v62, v26;
	v46 =	vadd.f32 v38, v29  }
0xde: {  	v47 =	vadd.f32 v43, v31;
	[tilespmem:s28+$0xFFFFFF00] =	vst v27  }
0xdf: {  	v25 =	vadd.f32 v25, v26;
	[tilespmem:s28+$0xFFFFFF10] =	vst v46  }
0xe0: {  	[tilespmem:s28+$0xFFFFFF20] =	vst v47  }
0xe1: {  	[tilespmem:s28+$0xFFFFFF30] =	vst v25  }
0xe2: {  	v25 =	vld.idx.msk [tilespmem:v45+s21+$0x0], $0xffff;
	_ =	sdelay $0x4  }
0xe3: {  	v26 =	vshll.u32 v25, $0x6  }
0xe4: {  	v26 =	vand.u32 $0x7C0, v26  }
0xe5: {  	v27 =	vor.u32 v1, v26  }
0xe6: {  	v49 =	vld [tilespmem:s28+$0xFFFFFF50];
	v48 =	vor.u32 v2, v26  }
0xe7: {  	v52 =	vld [tilespmem:s28+$0xFFFFFF60];
	v51 =	vshll.u32 v25, $0x1;
	v50 =	vor.u32 v3, v26  }
0xe8: {  	v53 =	vld [tilespmem:s28+$0xFFFFFF70];
	v32 =	vand.u32 $0xFC0, v51;
	v26 =	vor.u32 v4, v26  }
0xe9: {  	v28 =	vld [tilespmem:s28+$0xFFFFFF40];
	v54 =	vadd.s32 v5, v32  }
0xea: {  	v55 =	vadd.s32 v6, v32;
	v27 =	vld.idx.msk [tilespmem:v27+s3+$0x0], $0xffff  }
0xeb: {  	v57 =	vshrl.u32 v25, $0x5;
	v56 =	vadd.s32 v7, v32;
	v29 =	vld.idx.msk [tilespmem:v48+s3+$0x0], $0xffff  }
0xec: {  	v38 =	vand.u32 $0x7FC0, v57;
	v32 =	vadd.s32 v8, v32;
	v31 =	vld.idx.msk [tilespmem:v50+s3+$0x0], $0xffff  }
0xed: {  	v58 =	vadd.s32 v9, v38;
	v26 =	vld.idx.msk [tilespmem:v26+s3+$0x0], $0xffff  }
0xee: {  	v59 =	vadd.s32 v10, v38;
	v35 =	vld.idx.msk [tilespmem:v54+s3+$0x0], $0xffff  }
0xef: {  	v25 =	vshra.s32 v25, $0xE;
	v60 =	vadd.s32 v11, v38;
	v36 =	vld.idx.msk [tilespmem:v55+s3+$0x0], $0xffff  }
0xf0: {  	v25 =	vand.u32 $0xFFFFFFC0, v25;
	v38 =	vadd.s32 v12, v38;
	v37 =	vld.idx.msk [tilespmem:v56+s3+$0x0], $0xffff  }
0xf1: {  	v61 =	vadd.s32 v13, v25;
	v32 =	vld.idx.msk [tilespmem:v32+s3+$0x0], $0xffff  }
0xf2: {  	v62 =	vadd.s32 v14, v25;
	v39 =	vld.idx.msk [tilespmem:v58+s3+$0x0], $0xffff  }
0xf3: {  	v63 =	vadd.s32 v15, v25;
	v40 =	vld.idx.msk [tilespmem:v59+s3+$0x0], $0xffff  }
0xf4: {  	v25 =	vadd.s32 v16, v25;
	v41 =	vld.idx.msk [tilespmem:v60+s3+$0x0], $0xffff  }
0xf5: {  	v48 =	vld.idx.msk [tilespmem:v38+s3+$0x0], $0xffff;
	v27 =	vadd.f32 v27, v28  }
0xf6: {  	s19 =	sadd.s32 $0x6, s29;
	v29 =	vadd.f32 v29, v49;
	v49 =	vld.idx.msk [tilespmem:v61+s3+$0x0], $0xffff  }
0xf7: {  	v51 =	vmov s19;
	v50 =	vld.idx.msk [tilespmem:v62+s3+$0x0], $0xffff;
	v31 =	vadd.f32 v31, v52;
	v27 =	vadd.f32 v35, v27  }
0xf8: {  	v26 =	vadd.f32 v26, v53;
	v52 =	vld.idx.msk [tilespmem:v63+s3+$0x0], $0xffff;
	v29 =	vadd.f32 v36, v29;
	v35 =	vshrl.u32 v51, $0x3  }
0xf9: {  	v25 =	vld.idx.msk [tilespmem:v25+s3+$0x0], $0xffff;
	v31 =	vadd.f32 v37, v31;
	v35 =	vshll.u32 v35, v0;
	v27 =	vadd.f32 v39, v27  }
0xfa: {  	v26 =	vadd.f32 v32, v26;
	v29 =	vadd.f32 v40, v29;
	v53 =	vadd.s32 v35, v23  }
0xfb: {  	v31 =	vadd.f32 v41, v31;
	v54 =	vbroadcast v53, $0x0;
	v27 =	vadd.f32 v49, v27  }
0xfc: {  	v26 =	vadd.f32 v48, v26;
	v55 =	vadd.f32 v50, v29  }
0xfd: {  	v56 =	vadd.f32 v52, v31;
	[tilespmem:s28+$0xFFFFFF40] =	vst v27  }
0xfe: {  	v25 =	vadd.f32 v25, v26;
	[tilespmem:s28+$0xFFFFFF50] =	vst v55  }
0xff: {  	[tilespmem:s28+$0xFFFFFF60] =	vst v56  }
0x100: {  	[tilespmem:s28+$0xFFFFFF70] =	vst v25  }
0x101: {  	v25 =	vld.idx.msk [tilespmem:v54+s21+$0x0], $0xffff;
	_ =	sdelay $0x4  }
0x102: {  	v26 =	vshll.u32 v25, $0x6  }
0x103: {  	v26 =	vand.u32 $0x7C0, v26  }
0x104: {  	v27 =	vor.u32 v1, v26  }
0x105: {  	v57 =	vld [tilespmem:s28+$0xFFFFFF80];
	v58 =	vor.u32 v2, v26  }
0x106: {  	v59 =	vld [tilespmem:s28+$0xFFFFFF90];
	v61 =	vshll.u32 v25, $0x1;
	v60 =	vor.u32 v3, v26  }
0x107: {  	v62 =	vld [tilespmem:s28+$0xFFFFFFA0];
	v32 =	vand.u32 $0xFC0, v61;
	v26 =	vor.u32 v4, v26  }
0x108: {  	v63 =	vld [tilespmem:s28+$0xFFFFFFB0];
	v43 =	vadd.s32 v5, v32  }
0x109: {  	v44 =	vadd.s32 v6, v32;
	v27 =	vld.idx.msk [tilespmem:v27+s3+$0x0], $0xffff  }
0x10a: {  	v46 =	vshrl.u32 v25, $0x5;
	v45 =	vadd.s32 v7, v32;
	v29 =	vld.idx.msk [tilespmem:v58+s3+$0x0], $0xffff  }
0x10b: {  	v38 =	vand.u32 $0x7FC0, v46;
	v32 =	vadd.s32 v8, v32;
	v31 =	vld.idx.msk [tilespmem:v60+s3+$0x0], $0xffff  }
0x10c: {  	v47 =	vadd.s32 v9, v38;
	v26 =	vld.idx.msk [tilespmem:v26+s3+$0x0], $0xffff  }
0x10d: {  	v48 =	vadd.s32 v10, v38;
	v35 =	vld.idx.msk [tilespmem:v43+s3+$0x0], $0xffff  }
0x10e: {  	v25 =	vshra.s32 v25, $0xE;
	v49 =	vadd.s32 v11, v38;
	v36 =	vld.idx.msk [tilespmem:v44+s3+$0x0], $0xffff  }
0x10f: {  	v25 =	vand.u32 $0xFFFFFFC0, v25;
	v38 =	vadd.s32 v12, v38;
	v37 =	vld.idx.msk [tilespmem:v45+s3+$0x0], $0xffff  }
0x110: {  	v50 =	vadd.s32 v13, v25;
	v32 =	vld.idx.msk [tilespmem:v32+s3+$0x0], $0xffff  }
0x111: {  	v51 =	vadd.s32 v14, v25;
	v39 =	vld.idx.msk [tilespmem:v47+s3+$0x0], $0xffff  }
0x112: {  	v52 =	vadd.s32 v15, v25;
	v40 =	vld.idx.msk [tilespmem:v48+s3+$0x0], $0xffff  }
0x113: {  	v25 =	vadd.s32 v16, v25;
	v41 =	vld.idx.msk [tilespmem:v49+s3+$0x0], $0xffff  }
0x114: {  	v53 =	vld.idx.msk [tilespmem:v38+s3+$0x0], $0xffff;
	v27 =	vadd.f32 v27, v57  }
0x115: {  	s20 =	sadd.s32 $0x7, s29;
	v54 =	vld.idx.msk [tilespmem:v50+s3+$0x0], $0xffff;
	v29 =	vadd.f32 v29, v59  }
0x116: {  	v56 =	vmov s20;
	v55 =	vld.idx.msk [tilespmem:v51+s3+$0x0], $0xffff;
	v31 =	vadd.f32 v31, v62;
	v27 =	vadd.f32 v35, v27  }
0x117: {  	v26 =	vadd.f32 v26, v63;
	v57 =	vld.idx.msk [tilespmem:v52+s3+$0x0], $0xffff;
	v29 =	vadd.f32 v36, v29;
	v35 =	vshrl.u32 v56, $0x3  }
0x118: {  	v25 =	vld.idx.msk [tilespmem:v25+s3+$0x0], $0xffff;
	v31 =	vadd.f32 v37, v31;
	v35 =	vshll.u32 v35, v0;
	v27 =	vadd.f32 v39, v27  }
0x119: {  	v26 =	vadd.f32 v32, v26;
	v29 =	vadd.f32 v40, v29;
	v58 =	vadd.s32 v35, v24  }
0x11a: {  	v31 =	vadd.f32 v41, v31;
	v59 =	vbroadcast v58, $0x0;
	v27 =	vadd.f32 v54, v27  }
0x11b: {  	v26 =	vadd.f32 v53, v26;
	v60 =	vadd.f32 v55, v29  }
0x11c: {  	v61 =	vadd.f32 v57, v31;
	[tilespmem:s28+$0xFFFFFF80] =	vst v27  }
0x11d: {  	v25 =	vadd.f32 v25, v26;
	[tilespmem:s28+$0xFFFFFF90] =	vst v60  }
0x11e: {  	[tilespmem:s28+$0xFFFFFFA0] =	vst v61  }
0x11f: {  	[tilespmem:s28+$0xFFFFFFB0] =	vst v25  }
0x120: {  	v25 =	vld.idx.msk [tilespmem:v59+s21+$0x0], $0xffff;
	_ =	sdelay $0x4  }
0x121: {  	v26 =	vshll.u32 v25, $0x6  }
0x122: {  	v26 =	vand.u32 $0x7C0, v26  }
0x123: {  	v27 =	vor.u32 v1, v26  }
0x124: {  	v28 =	vld [tilespmem:s28+$0xFFFFFFC0];
	v62 =	vor.u32 v2, v26  }
0x125: {  	v50 =	vld [tilespmem:s28+$0xFFFFFFE0];
	v49 =	vshll.u32 v25, $0x1;
	v48 =	vor.u32 v3, v26  }
0x126: {  	v51 =	vld [tilespmem:s28+$0xFFFFFFF0];
	v32 =	vand.u32 $0xFC0, v49;
	v26 =	vor.u32 v4, v26  }
0x127: {  	v63 =	vld [tilespmem:s28+$0xFFFFFFD0];
	v52 =	vadd.s32 v5, v32  }
0x128: {  	v53 =	vadd.s32 v6, v32;
	v27 =	vld.idx.msk [tilespmem:v27+s3+$0x0], $0xffff  }
0x129: {  	v55 =	vshrl.u32 v25, $0x5;
	v54 =	vadd.s32 v7, v32;
	v29 =	vld.idx.msk [tilespmem:v62+s3+$0x0], $0xffff  }
0x12a: {  	v38 =	vand.u32 $0x7FC0, v55;
	v32 =	vadd.s32 v8, v32;
	v31 =	vld.idx.msk [tilespmem:v48+s3+$0x0], $0xffff  }
0x12b: {  	v56 =	vadd.s32 v9, v38;
	v26 =	vld.idx.msk [tilespmem:v26+s3+$0x0], $0xffff  }
0x12c: {  	v57 =	vadd.s32 v10, v38;
	v35 =	vld.idx.msk [tilespmem:v52+s3+$0x0], $0xffff  }
0x12d: {  	v25 =	vshra.s32 v25, $0xE;
	v58 =	vadd.s32 v11, v38;
	v36 =	vld.idx.msk [tilespmem:v53+s3+$0x0], $0xffff  }
0x12e: {  	v25 =	vand.u32 $0xFFFFFFC0, v25;
	v38 =	vadd.s32 v12, v38;
	v37 =	vld.idx.msk [tilespmem:v54+s3+$0x0], $0xffff  }
0x12f: {  	v59 =	vadd.s32 v13, v25;
	v32 =	vld.idx.msk [tilespmem:v32+s3+$0x0], $0xffff  }
0x130: {  	v60 =	vadd.s32 v14, v25;
	v39 =	vld.idx.msk [tilespmem:v56+s3+$0x0], $0xffff  }
0x131: {  	v61 =	vadd.s32 v15, v25;
	v40 =	vld.idx.msk [tilespmem:v57+s3+$0x0], $0xffff  }
0x132: {  	v25 =	vadd.s32 v16, v25;
	v41 =	vld.idx.msk [tilespmem:v58+s3+$0x0], $0xffff  }
0x133: {  	v62 =	vld.idx.msk [tilespmem:v38+s3+$0x0], $0xffff;
	v27 =	vadd.f32 v27, v28  }
0x134: {  	s19 =	sadd.s32 $0x8, s29;
	v29 =	vadd.f32 v29, v63;
	v63 =	vld.idx.msk [tilespmem:v59+s3+$0x0], $0xffff  }
0x135: {  	v42 =	vmov s19;
	v38 =	vld.idx.msk [tilespmem:v60+s3+$0x0], $0xffff;
	v31 =	vadd.f32 v31, v50;
	v27 =	vadd.f32 v35, v27  }
0x136: {  	v43 =	vld.idx.msk [tilespmem:v61+s3+$0x0], $0xffff;
	v26 =	vadd.f32 v26, v51;
	v29 =	vadd.f32 v36, v29;
	v35 =	vshrl.u32 v42, $0x3  }
0x137: {  	v25 =	vld.idx.msk [tilespmem:v25+s3+$0x0], $0xffff;
	v31 =	vadd.f32 v37, v31;
	v35 =	vshll.u32 v35, v0;
	v27 =	vadd.f32 v39, v27  }
0x138: {  	v26 =	vadd.f32 v32, v26;
	v29 =	vadd.f32 v40, v29;
	v44 =	vadd.s32 v17, v35  }
0x139: {  	v31 =	vadd.f32 v41, v31;
	v45 =	vbroadcast v44, $0x0;
	v27 =	vadd.f32 v63, v27  }
0x13a: {  	v26 =	vadd.f32 v62, v26;
	v46 =	vadd.f32 v38, v29  }
0x13b: {  	v47 =	vadd.f32 v43, v31;
	[tilespmem:s28+$0xFFFFFFC0] =	vst v27  }
0x13c: {  	v25 =	vadd.f32 v25, v26;
	[tilespmem:s28+$0xFFFFFFD0] =	vst v46  }
0x13d: {  	[tilespmem:s28+$0xFFFFFFE0] =	vst v47  }
0x13e: {  	[tilespmem:s28+$0xFFFFFFF0] =	vst v25  }
0x13f: {  	v25 =	vld.idx.msk [tilespmem:v45+s21+$0x0], $0xffff;
	_ =	sdelay $0x4  }
0x140: {  	v26 =	vshll.u32 v25, $0x6  }
0x141: {  	v26 =	vand.u32 $0x7C0, v26  }
0x142: {  	v27 =	vor.u32 v1, v26  }
0x143: {  	v49 =	vld [tilespmem:s28+$0x10];
	v48 =	vor.u32 v2, v26  }
0x144: {  	v52 =	vld [tilespmem:s28+$0x20];
	v51 =	vshll.u32 v25, $0x1;
	v50 =	vor.u32 v3, v26  }
0x145: {  	v53 =	vld [tilespmem:s28+$0x30];
	v32 =	vand.u32 $0xFC0, v51;
	v26 =	vor.u32 v4, v26  }
0x146: {  	v28 =	vld [tilespmem:s28+$0x0];
	v54 =	vadd.s32 v5, v32  }
0x147: {  	v55 =	vadd.s32 v6, v32;
	v27 =	vld.idx.msk [tilespmem:v27+s3+$0x0], $0xffff  }
0x148: {  	v57 =	vshrl.u32 v25, $0x5;
	v56 =	vadd.s32 v7, v32;
	v29 =	vld.idx.msk [tilespmem:v48+s3+$0x0], $0xffff  }
0x149: {  	v38 =	vand.u32 $0x7FC0, v57;
	v32 =	vadd.s32 v8, v32;
	v31 =	vld.idx.msk [tilespmem:v50+s3+$0x0], $0xffff  }
0x14a: {  	v58 =	vadd.s32 v9, v38;
	v26 =	vld.idx.msk [tilespmem:v26+s3+$0x0], $0xffff  }
0x14b: {  	v59 =	vadd.s32 v10, v38;
	v35 =	vld.idx.msk [tilespmem:v54+s3+$0x0], $0xffff  }
0x14c: {  	v25 =	vshra.s32 v25, $0xE;
	v60 =	vadd.s32 v11, v38;
	v36 =	vld.idx.msk [tilespmem:v55+s3+$0x0], $0xffff  }
0x14d: {  	v25 =	vand.u32 $0xFFFFFFC0, v25;
	v38 =	vadd.s32 v12, v38;
	v37 =	vld.idx.msk [tilespmem:v56+s3+$0x0], $0xffff  }
0x14e: {  	v61 =	vadd.s32 v13, v25;
	v32 =	vld.idx.msk [tilespmem:v32+s3+$0x0], $0xffff  }
0x14f: {  	v62 =	vadd.s32 v14, v25;
	v39 =	vld.idx.msk [tilespmem:v58+s3+$0x0], $0xffff  }
0x150: {  	v63 =	vadd.s32 v15, v25;
	v40 =	vld.idx.msk [tilespmem:v59+s3+$0x0], $0xffff  }
0x151: {  	v25 =	vadd.s32 v16, v25;
	v41 =	vld.idx.msk [tilespmem:v60+s3+$0x0], $0xffff  }
0x152: {  	v48 =	vld.idx.msk [tilespmem:v38+s3+$0x0], $0xffff;
	v27 =	vadd.f32 v27, v28  }
0x153: {  	s20 =	sadd.s32 $0x9, s29;
	v29 =	vadd.f32 v29, v49;
	v49 =	vld.idx.msk [tilespmem:v61+s3+$0x0], $0xffff  }
0x154: {  	v51 =	vmov s20;
	v50 =	vld.idx.msk [tilespmem:v62+s3+$0x0], $0xffff;
	v31 =	vadd.f32 v31, v52;
	v27 =	vadd.f32 v35, v27  }
0x155: {  	v26 =	vadd.f32 v26, v53;
	v52 =	vld.idx.msk [tilespmem:v63+s3+$0x0], $0xffff;
	v29 =	vadd.f32 v36, v29;
	v35 =	vshrl.u32 v51, $0x3  }
0x156: {  	v25 =	vld.idx.msk [tilespmem:v25+s3+$0x0], $0xffff;
	v31 =	vadd.f32 v37, v31;
	v35 =	vshll.u32 v35, v0;
	v27 =	vadd.f32 v39, v27  }
0x157: {  	v26 =	vadd.f32 v32, v26;
	v29 =	vadd.f32 v40, v29;
	v53 =	vadd.s32 v35, v18  }
0x158: {  	v31 =	vadd.f32 v41, v31;
	v54 =	vbroadcast v53, $0x0;
	v27 =	vadd.f32 v49, v27  }
0x159: {  	v26 =	vadd.f32 v48, v26;
	v55 =	vadd.f32 v50, v29  }
0x15a: {  	v56 =	vadd.f32 v52, v31;
	[tilespmem:s28+$0x0] =	vst v27  }
0x15b: {  	v25 =	vadd.f32 v25, v26;
	[tilespmem:s28+$0x10] =	vst v55  }
0x15c: {  	[tilespmem:s28+$0x20] =	vst v56  }
0x15d: {  	[tilespmem:s28+$0x30] =	vst v25  }
0x15e: {  	v25 =	vld.idx.msk [tilespmem:v54+s21+$0x0], $0xffff;
	_ =	sdelay $0x4  }
0x15f: {  	v26 =	vshll.u32 v25, $0x6  }
0x160: {  	v26 =	vand.u32 $0x7C0, v26  }
0x161: {  	v27 =	vor.u32 v1, v26  }
0x162: {  	v57 =	vld [tilespmem:s28+$0x40];
	v58 =	vor.u32 v2, v26  }
0x163: {  	v59 =	vld [tilespmem:s28+$0x50];
	v61 =	vshll.u32 v25, $0x1;
	v60 =	vor.u32 v3, v26  }
0x164: {  	v62 =	vld [tilespmem:s28+$0x60];
	v32 =	vand.u32 $0xFC0, v61;
	v26 =	vor.u32 v4, v26  }
0x165: {  	v63 =	vld [tilespmem:s28+$0x70];
	v43 =	vadd.s32 v5, v32  }
0x166: {  	v44 =	vadd.s32 v6, v32;
	v27 =	vld.idx.msk [tilespmem:v27+s3+$0x0], $0xffff  }
0x167: {  	v46 =	vshrl.u32 v25, $0x5;
	v45 =	vadd.s32 v7, v32;
	v29 =	vld.idx.msk [tilespmem:v58+s3+$0x0], $0xffff  }
0x168: {  	v38 =	vand.u32 $0x7FC0, v46;
	v32 =	vadd.s32 v8, v32;
	v31 =	vld.idx.msk [tilespmem:v60+s3+$0x0], $0xffff  }
0x169: {  	v47 =	vadd.s32 v9, v38;
	v26 =	vld.idx.msk [tilespmem:v26+s3+$0x0], $0xffff  }
0x16a: {  	v48 =	vadd.s32 v10, v38;
	v35 =	vld.idx.msk [tilespmem:v43+s3+$0x0], $0xffff  }
0x16b: {  	v25 =	vshra.s32 v25, $0xE;
	v49 =	vadd.s32 v11, v38;
	v36 =	vld.idx.msk [tilespmem:v44+s3+$0x0], $0xffff  }
0x16c: {  	v25 =	vand.u32 $0xFFFFFFC0, v25;
	v38 =	vadd.s32 v12, v38;
	v37 =	vld.idx.msk [tilespmem:v45+s3+$0x0], $0xffff  }
0x16d: {  	v50 =	vadd.s32 v13, v25;
	v32 =	vld.idx.msk [tilespmem:v32+s3+$0x0], $0xffff  }
0x16e: {  	v51 =	vadd.s32 v14, v25;
	v39 =	vld.idx.msk [tilespmem:v47+s3+$0x0], $0xffff  }
0x16f: {  	v52 =	vadd.s32 v15, v25;
	v40 =	vld.idx.msk [tilespmem:v48+s3+$0x0], $0xffff  }
0x170: {  	v25 =	vadd.s32 v16, v25;
	v41 =	vld.idx.msk [tilespmem:v49+s3+$0x0], $0xffff  }
0x171: {  	v53 =	vld.idx.msk [tilespmem:v38+s3+$0x0], $0xffff;
	v27 =	vadd.f32 v27, v57  }
0x172: {  	s19 =	sadd.s32 $0xA, s29;
	v54 =	vld.idx.msk [tilespmem:v50+s3+$0x0], $0xffff;
	v29 =	vadd.f32 v29, v59  }
0x173: {  	v56 =	vmov s19;
	v55 =	vld.idx.msk [tilespmem:v51+s3+$0x0], $0xffff;
	v31 =	vadd.f32 v31, v62;
	v27 =	vadd.f32 v35, v27  }
0x174: {  	v26 =	vadd.f32 v26, v63;
	v57 =	vld.idx.msk [tilespmem:v52+s3+$0x0], $0xffff;
	v29 =	vadd.f32 v36, v29;
	v35 =	vshrl.u32 v56, $0x3  }
0x175: {  	v25 =	vld.idx.msk [tilespmem:v25+s3+$0x0], $0xffff;
	v31 =	vadd.f32 v37, v31;
	v35 =	vshll.u32 v35, v0;
	v27 =	vadd.f32 v39, v27  }
0x176: {  	v26 =	vadd.f32 v32, v26;
	v29 =	vadd.f32 v40, v29;
	v58 =	vadd.s32 v35, v19  }
0x177: {  	v31 =	vadd.f32 v41, v31;
	v59 =	vbroadcast v58, $0x0;
	v27 =	vadd.f32 v54, v27  }
0x178: {  	v26 =	vadd.f32 v53, v26;
	v60 =	vadd.f32 v55, v29  }
0x179: {  	v61 =	vadd.f32 v57, v31;
	[tilespmem:s28+$0x40] =	vst v27  }
0x17a: {  	v25 =	vadd.f32 v25, v26;
	[tilespmem:s28+$0x50] =	vst v60  }
0x17b: {  	[tilespmem:s28+$0x60] =	vst v61  }
0x17c: {  	[tilespmem:s28+$0x70] =	vst v25  }
0x17d: {  	v25 =	vld.idx.msk [tilespmem:v59+s21+$0x0], $0xffff;
	_ =	sdelay $0x4  }
0x17e: {  	v26 =	vshll.u32 v25, $0x6  }
0x17f: {  	v26 =	vand.u32 $0x7C0, v26  }
0x180: {  	v27 =	vor.u32 v1, v26  }
0x181: {  	v28 =	vld [tilespmem:s28+$0x80];
	v62 =	vor.u32 v2, v26  }
0x182: {  	v50 =	vld [tilespmem:s28+$0xA0];
	v49 =	vshll.u32 v25, $0x1;
	v48 =	vor.u32 v3, v26  }
0x183: {  	v51 =	vld [tilespmem:s28+$0xB0];
	v32 =	vand.u32 $0xFC0, v49;
	v26 =	vor.u32 v4, v26  }
0x184: {  	v63 =	vld [tilespmem:s28+$0x90];
	v52 =	vadd.s32 v5, v32  }
0x185: {  	v53 =	vadd.s32 v6, v32;
	v27 =	vld.idx.msk [tilespmem:v27+s3+$0x0], $0xffff  }
0x186: {  	v55 =	vshrl.u32 v25, $0x5;
	v54 =	vadd.s32 v7, v32;
	v29 =	vld.idx.msk [tilespmem:v62+s3+$0x0], $0xffff  }
0x187: {  	v38 =	vand.u32 $0x7FC0, v55;
	v32 =	vadd.s32 v8, v32;
	v31 =	vld.idx.msk [tilespmem:v48+s3+$0x0], $0xffff  }
0x188: {  	v56 =	vadd.s32 v9, v38;
	v26 =	vld.idx.msk [tilespmem:v26+s3+$0x0], $0xffff  }
0x189: {  	v57 =	vadd.s32 v10, v38;
	v35 =	vld.idx.msk [tilespmem:v52+s3+$0x0], $0xffff  }
0x18a: {  	v25 =	vshra.s32 v25, $0xE;
	v58 =	vadd.s32 v11, v38;
	v36 =	vld.idx.msk [tilespmem:v53+s3+$0x0], $0xffff  }
0x18b: {  	v25 =	vand.u32 $0xFFFFFFC0, v25;
	v38 =	vadd.s32 v12, v38;
	v37 =	vld.idx.msk [tilespmem:v54+s3+$0x0], $0xffff  }
0x18c: {  	v59 =	vadd.s32 v13, v25;
	v32 =	vld.idx.msk [tilespmem:v32+s3+$0x0], $0xffff  }
0x18d: {  	v60 =	vadd.s32 v14, v25;
	v39 =	vld.idx.msk [tilespmem:v56+s3+$0x0], $0xffff  }
0x18e: {  	v61 =	vadd.s32 v15, v25;
	v40 =	vld.idx.msk [tilespmem:v57+s3+$0x0], $0xffff  }
0x18f: {  	v25 =	vadd.s32 v16, v25;
	v41 =	vld.idx.msk [tilespmem:v58+s3+$0x0], $0xffff  }
0x190: {  	v62 =	vld.idx.msk [tilespmem:v38+s3+$0x0], $0xffff;
	v27 =	vadd.f32 v27, v28  }
0x191: {  	s20 =	sadd.s32 $0xB, s29;
	v29 =	vadd.f32 v29, v63;
	v63 =	vld.idx.msk [tilespmem:v59+s3+$0x0], $0xffff  }
0x192: {  	v42 =	vmov s20;
	v38 =	vld.idx.msk [tilespmem:v60+s3+$0x0], $0xffff;
	v31 =	vadd.f32 v31, v50;
	v27 =	vadd.f32 v35, v27  }
0x193: {  	v43 =	vld.idx.msk [tilespmem:v61+s3+$0x0], $0xffff;
	v26 =	vadd.f32 v26, v51;
	v29 =	vadd.f32 v36, v29;
	v35 =	vshrl.u32 v42, $0x3  }
0x194: {  	v25 =	vld.idx.msk [tilespmem:v25+s3+$0x0], $0xffff;
	v31 =	vadd.f32 v37, v31;
	v35 =	vshll.u32 v35, v0;
	v27 =	vadd.f32 v39, v27  }
0x195: {  	v26 =	vadd.f32 v32, v26;
	v29 =	vadd.f32 v40, v29;
	v44 =	vadd.s32 v35, v20  }
0x196: {  	v31 =	vadd.f32 v41, v31;
	v45 =	vbroadcast v44, $0x0;
	v27 =	vadd.f32 v63, v27  }
0x197: {  	v26 =	vadd.f32 v62, v26;
	v46 =	vadd.f32 v38, v29  }
0x198: {  	v47 =	vadd.f32 v43, v31;
	[tilespmem:s28+$0x80] =	vst v27  }
0x199: {  	v25 =	vadd.f32 v25, v26;
	[tilespmem:s28+$0x90] =	vst v46  }
0x19a: {  	[tilespmem:s28+$0xA0] =	vst v47  }
0x19b: {  	[tilespmem:s28+$0xB0] =	vst v25  }
0x19c: {  	v25 =	vld.idx.msk [tilespmem:v45+s21+$0x0], $0xffff;
	_ =	sdelay $0x4  }
0x19d: {  	v26 =	vshll.u32 v25, $0x6  }
0x19e: {  	v26 =	vand.u32 $0x7C0, v26  }
0x19f: {  	v27 =	vor.u32 v1, v26  }
0x1a0: {  	v49 =	vld [tilespmem:s28+$0xD0];
	v48 =	vor.u32 v2, v26  }
0x1a1: {  	v52 =	vld [tilespmem:s28+$0xE0];
	v51 =	vshll.u32 v25, $0x1;
	v50 =	vor.u32 v3, v26  }
0x1a2: {  	v53 =	vld [tilespmem:s28+$0xF0];
	v32 =	vand.u32 $0xFC0, v51;
	v26 =	vor.u32 v4, v26  }
0x1a3: {  	v28 =	vld [tilespmem:s28+$0xC0];
	v54 =	vadd.s32 v5, v32  }
0x1a4: {  	v55 =	vadd.s32 v6, v32;
	v27 =	vld.idx.msk [tilespmem:v27+s3+$0x0], $0xffff  }
0x1a5: {  	v57 =	vshrl.u32 v25, $0x5;
	v56 =	vadd.s32 v7, v32;
	v29 =	vld.idx.msk [tilespmem:v48+s3+$0x0], $0xffff  }
0x1a6: {  	v38 =	vand.u32 $0x7FC0, v57;
	v32 =	vadd.s32 v8, v32;
	v31 =	vld.idx.msk [tilespmem:v50+s3+$0x0], $0xffff  }
0x1a7: {  	v58 =	vadd.s32 v9, v38;
	v26 =	vld.idx.msk [tilespmem:v26+s3+$0x0], $0xffff  }
0x1a8: {  	v59 =	vadd.s32 v10, v38;
	v35 =	vld.idx.msk [tilespmem:v54+s3+$0x0], $0xffff  }
0x1a9: {  	v25 =	vshra.s32 v25, $0xE;
	v60 =	vadd.s32 v11, v38;
	v36 =	vld.idx.msk [tilespmem:v55+s3+$0x0], $0xffff  }
0x1aa: {  	v25 =	vand.u32 $0xFFFFFFC0, v25;
	v38 =	vadd.s32 v12, v38;
	v37 =	vld.idx.msk [tilespmem:v56+s3+$0x0], $0xffff  }
0x1ab: {  	v61 =	vadd.s32 v13, v25;
	v32 =	vld.idx.msk [tilespmem:v32+s3+$0x0], $0xffff  }
0x1ac: {  	v62 =	vadd.s32 v14, v25;
	v39 =	vld.idx.msk [tilespmem:v58+s3+$0x0], $0xffff  }
0x1ad: {  	v63 =	vadd.s32 v15, v25;
	v40 =	vld.idx.msk [tilespmem:v59+s3+$0x0], $0xffff  }
0x1ae: {  	v25 =	vadd.s32 v16, v25;
	v41 =	vld.idx.msk [tilespmem:v60+s3+$0x0], $0xffff  }
0x1af: {  	v48 =	vld.idx.msk [tilespmem:v38+s3+$0x0], $0xffff;
	v27 =	vadd.f32 v27, v28  }
0x1b0: {  	s19 =	sadd.s32 $0xC, s29;
	v29 =	vadd.f32 v29, v49;
	v49 =	vld.idx.msk [tilespmem:v61+s3+$0x0], $0xffff  }
0x1b1: {  	v51 =	vmov s19;
	v50 =	vld.idx.msk [tilespmem:v62+s3+$0x0], $0xffff;
	v31 =	vadd.f32 v31, v52;
	v27 =	vadd.f32 v35, v27  }
0x1b2: {  	v26 =	vadd.f32 v26, v53;
	v52 =	vld.idx.msk [tilespmem:v63+s3+$0x0], $0xffff;
	v29 =	vadd.f32 v36, v29;
	v35 =	vshrl.u32 v51, $0x3  }
0x1b3: {  	v25 =	vld.idx.msk [tilespmem:v25+s3+$0x0], $0xffff;
	v31 =	vadd.f32 v37, v31;
	v35 =	vshll.u32 v35, v0;
	v27 =	vadd.f32 v39, v27  }
0x1b4: {  	v26 =	vadd.f32 v32, v26;
	v29 =	vadd.f32 v40, v29;
	v53 =	vadd.s32 v35, v21  }
0x1b5: {  	v31 =	vadd.f32 v41, v31;
	v54 =	vbroadcast v53, $0x0;
	v27 =	vadd.f32 v49, v27  }
0x1b6: {  	v26 =	vadd.f32 v48, v26;
	v55 =	vadd.f32 v50, v29  }
0x1b7: {  	v56 =	vadd.f32 v52, v31;
	[tilespmem:s28+$0xC0] =	vst v27  }
0x1b8: {  	v25 =	vadd.f32 v25, v26;
	[tilespmem:s28+$0xD0] =	vst v55  }
0x1b9: {  	[tilespmem:s28+$0xE0] =	vst v56  }
0x1ba: {  	[tilespmem:s28+$0xF0] =	vst v25  }
0x1bb: {  	v25 =	vld.idx.msk [tilespmem:v54+s21+$0x0], $0xffff;
	_ =	sdelay $0x4  }
0x1bc: {  	v26 =	vshll.u32 v25, $0x6  }
0x1bd: {  	v26 =	vand.u32 $0x7C0, v26  }
0x1be: {  	v27 =	vor.u32 v1, v26  }
0x1bf: {  	v57 =	vld [tilespmem:s28+$0x100];
	v58 =	vor.u32 v2, v26  }
0x1c0: {  	v59 =	vld [tilespmem:s28+$0x110];
	v61 =	vshll.u32 v25, $0x1;
	v60 =	vor.u32 v3, v26  }
0x1c1: {  	v62 =	vld [tilespmem:s28+$0x120];
	v32 =	vand.u32 $0xFC0, v61;
	v26 =	vor.u32 v4, v26  }
0x1c2: {  	v63 =	vld [tilespmem:s28+$0x130];
	v44 =	vadd.s32 v5, v32  }
0x1c3: {  	v45 =	vadd.s32 v6, v32;
	v27 =	vld.idx.msk [tilespmem:v27+s3+$0x0], $0xffff  }
0x1c4: {  	v47 =	vshrl.u32 v25, $0x5;
	v46 =	vadd.s32 v7, v32;
	v29 =	vld.idx.msk [tilespmem:v58+s3+$0x0], $0xffff  }
0x1c5: {  	v38 =	vand.u32 $0x7FC0, v47;
	v32 =	vadd.s32 v8, v32;
	v31 =	vld.idx.msk [tilespmem:v60+s3+$0x0], $0xffff  }
0x1c6: {  	v48 =	vadd.s32 v9, v38;
	v26 =	vld.idx.msk [tilespmem:v26+s3+$0x0], $0xffff  }
0x1c7: {  	v49 =	vadd.s32 v10, v38;
	v35 =	vld.idx.msk [tilespmem:v44+s3+$0x0], $0xffff  }
0x1c8: {  	v25 =	vshra.s32 v25, $0xE;
	v50 =	vadd.s32 v11, v38;
	v36 =	vld.idx.msk [tilespmem:v45+s3+$0x0], $0xffff  }
0x1c9: {  	v25 =	vand.u32 $0xFFFFFFC0, v25;
	v38 =	vadd.s32 v12, v38;
	v37 =	vld.idx.msk [tilespmem:v46+s3+$0x0], $0xffff  }
0x1ca: {  	v51 =	vadd.s32 v13, v25;
	v32 =	vld.idx.msk [tilespmem:v32+s3+$0x0], $0xffff  }
0x1cb: {  	v52 =	vadd.s32 v14, v25;
	v39 =	vld.idx.msk [tilespmem:v48+s3+$0x0], $0xffff  }
0x1cc: {  	v53 =	vadd.s32 v15, v25;
	v40 =	vld.idx.msk [tilespmem:v49+s3+$0x0], $0xffff  }
0x1cd: {  	v25 =	vadd.s32 v16, v25;
	v41 =	vld.idx.msk [tilespmem:v50+s3+$0x0], $0xffff  }
0x1ce: {  	v54 =	vld.idx.msk [tilespmem:v38+s3+$0x0], $0xffff;
	v27 =	vadd.f32 v27, v57  }
0x1cf: {  	s20 =	sadd.s32 $0xD, s29;
	v55 =	vld.idx.msk [tilespmem:v51+s3+$0x0], $0xffff;
	v29 =	vadd.f32 v29, v59  }
0x1d0: {  	v56 =	vld.idx.msk [tilespmem:v52+s3+$0x0], $0xffff;
	v31 =	vadd.f32 v31, v62;
	v57 =	vmov s20;
	v27 =	vadd.f32 v35, v27  }
0x1d1: {  	v58 =	vld.idx.msk [tilespmem:v53+s3+$0x0], $0xffff;
	v26 =	vadd.f32 v26, v63;
	v29 =	vadd.f32 v36, v29;
	v35 =	vshrl.u32 v57, $0x3  }
0x1d2: {  	v25 =	vld.idx.msk [tilespmem:v25+s3+$0x0], $0xffff;
	v31 =	vadd.f32 v37, v31;
	v35 =	vshll.u32 v35, v0;
	v27 =	vadd.f32 v39, v27  }
0x1d3: {  	v26 =	vadd.f32 v32, v26;
	v29 =	vadd.f32 v40, v29;
	v59 =	vadd.s32 v35, v22  }
0x1d4: {  	v31 =	vadd.f32 v41, v31;
	v60 =	vbroadcast v59, $0x0;
	v27 =	vadd.f32 v55, v27  }
0x1d5: {  	v26 =	vadd.f32 v54, v26;
	v61 =	vadd.f32 v56, v29  }
0x1d6: {  	v62 =	vadd.f32 v58, v31;
	[tilespmem:s28+$0x100] =	vst v27  }
0x1d7: {  	v25 =	vadd.f32 v25, v26;
	[tilespmem:s28+$0x110] =	vst v61  }
0x1d8: {  	[tilespmem:s28+$0x120] =	vst v62  }
0x1d9: {  	[tilespmem:s28+$0x130] =	vst v25  }
0x1da: {  	v25 =	vld.idx.msk [tilespmem:v60+s21+$0x0], $0xffff;
	_ =	sdelay $0x4  }
0x1db: {  	v26 =	vshll.u32 v25, $0x6  }
0x1dc: {  	v26 =	vand.u32 $0x7C0, v26  }
0x1dd: {  	v27 =	vor.u32 v1, v26  }
0x1de: {  	v48 =	vld [tilespmem:s28+$0x150];
	v47 =	vor.u32 v2, v26  }
0x1df: {  	v51 =	vld [tilespmem:s28+$0x160];
	v50 =	vshll.u32 v25, $0x1;
	v49 =	vor.u32 v3, v26  }
0x1e0: {  	v52 =	vld [tilespmem:s28+$0x170];
	v32 =	vand.u32 $0xFC0, v50;
	v26 =	vor.u32 v4, v26  }
0x1e1: {  	v63 =	vld [tilespmem:s28+$0x140];
	v53 =	vadd.s32 v5, v32  }
0x1e2: {  	v54 =	vadd.s32 v6, v32;
	v27 =	vld.idx.msk [tilespmem:v27+s3+$0x0], $0xffff  }
0x1e3: {  	v56 =	vshrl.u32 v25, $0x5;
	v55 =	vadd.s32 v7, v32;
	v29 =	vld.idx.msk [tilespmem:v47+s3+$0x0], $0xffff  }
0x1e4: {  	v38 =	vand.u32 $0x7FC0, v56;
	v32 =	vadd.s32 v8, v32;
	v31 =	vld.idx.msk [tilespmem:v49+s3+$0x0], $0xffff  }
0x1e5: {  	v57 =	vadd.s32 v9, v38;
	v26 =	vld.idx.msk [tilespmem:v26+s3+$0x0], $0xffff  }
0x1e6: {  	v58 =	vadd.s32 v10, v38;
	v35 =	vld.idx.msk [tilespmem:v53+s3+$0x0], $0xffff  }
0x1e7: {  	v25 =	vshra.s32 v25, $0xE;
	v59 =	vadd.s32 v11, v38;
	v36 =	vld.idx.msk [tilespmem:v54+s3+$0x0], $0xffff  }
0x1e8: {  	v25 =	vand.u32 $0xFFFFFFC0, v25;
	v38 =	vadd.s32 v12, v38;
	v37 =	vld.idx.msk [tilespmem:v55+s3+$0x0], $0xffff  }
0x1e9: {  	v60 =	vadd.s32 v13, v25;
	v32 =	vld.idx.msk [tilespmem:v32+s3+$0x0], $0xffff  }
0x1ea: {  	v61 =	vadd.s32 v14, v25;
	v39 =	vld.idx.msk [tilespmem:v57+s3+$0x0], $0xffff  }
0x1eb: {  	v62 =	vadd.s32 v15, v25;
	v40 =	vld.idx.msk [tilespmem:v58+s3+$0x0], $0xffff  }
0x1ec: {  	v25 =	vadd.s32 v16, v25;
	v41 =	vld.idx.msk [tilespmem:v59+s3+$0x0], $0xffff  }
0x1ed: {  	v27 =	vadd.f32 v27, v63;
	v63 =	vld.idx.msk [tilespmem:v38+s3+$0x0], $0xffff  }
0x1ee: {  	s19 =	sadd.s32 $0xE, s29;
	v29 =	vadd.f32 v29, v48;
	v38 =	vld.idx.msk [tilespmem:v60+s3+$0x0], $0xffff  }
0x1ef: {  	v43 =	vmov s19;
	v42 =	vld.idx.msk [tilespmem:v61+s3+$0x0], $0xffff;
	v31 =	vadd.f32 v31, v51;
	v27 =	vadd.f32 v35, v27  }
0x1f0: {  	v44 =	vld.idx.msk [tilespmem:v62+s3+$0x0], $0xffff;
	v26 =	vadd.f32 v26, v52;
	v29 =	vadd.f32 v36, v29;
	v35 =	vshrl.u32 v43, $0x3  }
0x1f1: {  	v25 =	vld.idx.msk [tilespmem:v25+s3+$0x0], $0xffff;
	v31 =	vadd.f32 v37, v31;
	v35 =	vshll.u32 v35, v0;
	v27 =	vadd.f32 v39, v27  }
0x1f2: {  	v26 =	vadd.f32 v32, v26;
	v29 =	vadd.f32 v40, v29;
	v45 =	vadd.s32 v35, v23  }
0x1f3: {  	v31 =	vadd.f32 v41, v31;
	v46 =	vbroadcast v45, $0x0;
	v27 =	vadd.f32 v38, v27  }
0x1f4: {  	v26 =	vadd.f32 v63, v26;
	v47 =	vadd.f32 v42, v29  }
0x1f5: {  	v48 =	vadd.f32 v44, v31;
	[tilespmem:s28+$0x140] =	vst v27  }
0x1f6: {  	v25 =	vadd.f32 v25, v26;
	[tilespmem:s28+$0x150] =	vst v47  }
0x1f7: {  	[tilespmem:s28+$0x160] =	vst v48  }
0x1f8: {  	[tilespmem:s28+$0x170] =	vst v25  }
0x1f9: {  	v25 =	vld.idx.msk [tilespmem:v46+s21+$0x0], $0xffff;
	_ =	sdelay $0x4  }
0x1fa: {  	v26 =	vshll.u32 v25, $0x6  }
0x1fb: {  	v26 =	vand.u32 $0x7C0, v26  }
0x1fc: {  	v27 =	vor.u32 v1, v26  }
0x1fd: {  	v28 =	vld [tilespmem:s28+$0x180];
	v49 =	vor.u32 v2, v26  }
0x1fe: {  	v50 =	vld [tilespmem:s28+$0x190];
	v52 =	vshll.u32 v25, $0x1;
	v51 =	vor.u32 v3, v26  }
0x1ff: {  	v53 =	vld [tilespmem:s28+$0x1A0];
	v32 =	vand.u32 $0xFC0, v52;
	v26 =	vor.u32 v4, v26  }
0x200: {  	v54 =	vld [tilespmem:s28+$0x1B0];
	v55 =	vadd.s32 v5, v32  }
0x201: {  	v56 =	vadd.s32 v6, v32;
	v27 =	vld.idx.msk [tilespmem:v27+s3+$0x0], $0xffff  }
0x202: {  	v58 =	vshrl.u32 v25, $0x5;
	v57 =	vadd.s32 v7, v32;
	v29 =	vld.idx.msk [tilespmem:v49+s3+$0x0], $0xffff  }
0x203: {  	v38 =	vand.u32 $0x7FC0, v58;
	v32 =	vadd.s32 v8, v32;
	v31 =	vld.idx.msk [tilespmem:v51+s3+$0x0], $0xffff  }
0x204: {  	v59 =	vadd.s32 v9, v38;
	v26 =	vld.idx.msk [tilespmem:v26+s3+$0x0], $0xffff  }
0x205: {  	v60 =	vadd.s32 v10, v38;
	v35 =	vld.idx.msk [tilespmem:v55+s3+$0x0], $0xffff  }
0x206: {  	v25 =	vshra.s32 v25, $0xE;
	v61 =	vadd.s32 v11, v38;
	v36 =	vld.idx.msk [tilespmem:v56+s3+$0x0], $0xffff  }
0x207: {  	v25 =	vand.u32 $0xFFFFFFC0, v25;
	v38 =	vadd.s32 v12, v38;
	v37 =	vld.idx.msk [tilespmem:v57+s3+$0x0], $0xffff  }
0x208: {  	v62 =	vadd.s32 v13, v25;
	v32 =	vld.idx.msk [tilespmem:v32+s3+$0x0], $0xffff  }
0x209: {  	v63 =	vadd.s32 v14, v25;
	v39 =	vld.idx.msk [tilespmem:v59+s3+$0x0], $0xffff  }
0x20a: {  	v48 =	vadd.s32 v15, v25;
	v40 =	vld.idx.msk [tilespmem:v60+s3+$0x0], $0xffff  }
0x20b: {  	v25 =	vadd.s32 v16, v25;
	v41 =	vld.idx.msk [tilespmem:v61+s3+$0x0], $0xffff  }
0x20c: {  	v49 =	vld.idx.msk [tilespmem:v38+s3+$0x0], $0xffff;
	v27 =	vadd.f32 v27, v28  }
0x20d: {  	s20 =	sadd.s32 $0xF, s29;
	v29 =	vadd.f32 v29, v50;
	v50 =	vld.idx.msk [tilespmem:v62+s3+$0x0], $0xffff  }
0x20e: {  	v52 =	vmov s20;
	v51 =	vld.idx.msk [tilespmem:v63+s3+$0x0], $0xffff;
	v31 =	vadd.f32 v31, v53;
	v27 =	vadd.f32 v35, v27  }
0x20f: {  	v26 =	vadd.f32 v26, v54;
	v53 =	vld.idx.msk [tilespmem:v48+s3+$0x0], $0xffff;
	v29 =	vadd.f32 v36, v29;
	v35 =	vshrl.u32 v52, $0x3  }
0x210: {  	v25 =	vld.idx.msk [tilespmem:v25+s3+$0x0], $0xffff;
	v31 =	vadd.f32 v37, v31;
	v35 =	vshll.u32 v35, v0;
	v27 =	vadd.f32 v39, v27  }
0x211: {  	v26 =	vadd.f32 v32, v26;
	v29 =	vadd.f32 v40, v29;
	v54 =	vadd.s32 v35, v24  }
0x212: {  	v31 =	vadd.f32 v41, v31;
	v55 =	vbroadcast v54, $0x0;
	v27 =	vadd.f32 v50, v27  }
0x213: {  	v26 =	vadd.f32 v49, v26;
	v56 =	vadd.f32 v51, v29  }
0x214: {  	v57 =	vadd.f32 v53, v31;
	[tilespmem:s28+$0x180] =	vst v27  }
0x215: {  	v25 =	vadd.f32 v25, v26;
	[tilespmem:s28+$0x190] =	vst v56  }
0x216: {  	[tilespmem:s28+$0x1A0] =	vst v57  }
0x217: {  	[tilespmem:s28+$0x1B0] =	vst v25  }
0x218: {  	v25 =	vld.idx.msk [tilespmem:v55+s21+$0x0], $0xffff;
	_ =	sdelay $0x4  }
0x219: {  	v26 =	vshll.u32 v25, $0x6  }
0x21a: {  	v26 =	vand.u32 $0x7C0, v26  }
0x21b: {  	v27 =	vor.u32 v1, v26  }
0x21c: {  	v59 =	vld [tilespmem:s28+$0x1D0];
	v58 =	vor.u32 v2, v26  }
0x21d: {  	v63 =	vld [tilespmem:s28+$0x1F0];
	v61 =	vshll.u32 v25, $0x1;
	v60 =	vor.u32 v3, v26  }
0x21e: {  	v28 =	vld [tilespmem:s28+$0x1C0];
	v32 =	vand.u32 $0xFC0, v61;
	v26 =	vor.u32 v4, v26  }
0x21f: {  	v62 =	vld [tilespmem:s28+$0x1E0];
	v48 =	vadd.s32 v5, v32  }
0x220: {  	v49 =	vadd.s32 v6, v32;
	v27 =	vld.idx.msk [tilespmem:v27+s3+$0x0], $0xffff  }
0x221: {  	v51 =	vshrl.u32 v25, $0x5;
	v50 =	vadd.s32 v7, v32;
	v29 =	vld.idx.msk [tilespmem:v58+s3+$0x0], $0xffff  }
0x222: {  	v38 =	vand.u32 $0x7FC0, v51;
	v32 =	vadd.s32 v8, v32;
	v31 =	vld.idx.msk [tilespmem:v60+s3+$0x0], $0xffff  }
0x223: {  	v52 =	vadd.s32 v9, v38;
	v26 =	vld.idx.msk [tilespmem:v26+s3+$0x0], $0xffff  }
0x224: {  	v53 =	vadd.s32 v10, v38;
	v35 =	vld.idx.msk [tilespmem:v48+s3+$0x0], $0xffff  }
0x225: {  	v25 =	vshra.s32 v25, $0xE;
	v54 =	vadd.s32 v11, v38;
	v36 =	vld.idx.msk [tilespmem:v49+s3+$0x0], $0xffff  }
0x226: {  	v25 =	vand.u32 $0xFFFFFFC0, v25;
	v38 =	vadd.s32 v12, v38;
	v37 =	vld.idx.msk [tilespmem:v50+s3+$0x0], $0xffff  }
0x227: {  	v55 =	vadd.s32 v13, v25;
	v32 =	vld.idx.msk [tilespmem:v32+s3+$0x0], $0xffff  }
0x228: {  	v56 =	vadd.s32 v14, v25;
	v39 =	vld.idx.msk [tilespmem:v52+s3+$0x0], $0xffff  }
0x229: {  	v57 =	vadd.s32 v15, v25;
	v40 =	vld.idx.msk [tilespmem:v53+s3+$0x0], $0xffff  }
0x22a: {  	v25 =	vadd.s32 v16, v25;
	v41 =	vld.idx.msk [tilespmem:v54+s3+$0x0], $0xffff  }
0x22b: {  	v58 =	vld.idx.msk [tilespmem:v38+s3+$0x0], $0xffff;
	v27 =	vadd.f32 v27, v28  }
0x22c: {  	v29 =	vadd.f32 v29, v59;
	v59 =	vld.idx.msk [tilespmem:v55+s3+$0x0], $0xffff  }
0x22d: {  	v60 =	vld.idx.msk [tilespmem:v56+s3+$0x0], $0xffff;
	v31 =	vadd.f32 v31, v62;
	v27 =	vadd.f32 v35, v27  }
0x22e: {  	v61 =	vld.idx.msk [tilespmem:v57+s3+$0x0], $0xffff;
	v26 =	vadd.f32 v26, v63;
	v29 =	vadd.f32 v36, v29  }
0x22f: {  	v25 =	vld.idx.msk [tilespmem:v25+s3+$0x0], $0xffff;
	v31 =	vadd.f32 v37, v31;
	v27 =	vadd.f32 v39, v27  }
0x230: {  	v26 =	vadd.f32 v32, v26;
	v29 =	vadd.f32 v40, v29  }
0x231: {  	p1 =	slt.u32 s29, $0xF0;
	v31 =	vadd.f32 v41, v31;
	v27 =	vadd.f32 v59, v27  }
.Ltmp0:
0x232: {  	v26 =	vadd.f32 v58, v26;
	v62 =	vadd.f32 v60, v29;
	(pc) =	sbr.rel @p1 .LBB2_3-.Ltmp0, $4  }
0x233: {  	v63 =	vadd.f32 v61, v31;
	[tilespmem:s28+$0x1C0] =	vst v27  }
0x234: {  	v25 =	vadd.f32 v25, v26;
	[tilespmem:s28+$0x1D0] =	vst v62  }
0x235: {  	[tilespmem:s28+$0x1E0] =	vst v63  }
0x236: {  	s29 =	sadd.s32 $0x10, s29;
	[tilespmem:s28+$0x1F0] =	vst v25;
	s28 =	sadd.s32 $0x400, s28  }
0x237: {  	p1 =	sgt.u32 s1, $0x16  }
0x238: {  	s5 =	sshll.u32 @!p1 s1, $0x8  }
0x239: {  	s5 =	sadd.s32 @!p1 s5, s15  }
0x23a: {  	s28 =	sshll.u32 @!p1 s25, $0x8;
	s5 =	sshrl.u32 @!p1 s5, $0x3  }
0x23b: {  	s20 =	simm.s32 @!p1 $0x0;
	s29 =	sor.u32 @!p1 $0xB800, s28;
	s19 =	sadd.s32 @!p1 s6, s5  }
0x23c: {  	[tilespmem:s29], [sflag:$0x1] =	stream.linear.gather @!p1 [hbm4b:s19+s20], $0x80, $0x38;
	[tilespmem:$0x13C20] =	vst v63  }
0x23d: {  	s25 =	smul.u32 @!p1 $0x440, s25;
	s19 =	sor.u32 @!p1 $0xB880, s28;
	s28 =	sadd.s32 @!p1 s5, s8  }
0x23e: {  	[tilespmem:s19], [sflag:$0x1] =	stream.linear.gather @!p1 [hbm4b:s28+s20], $0x80, $0x38;
	[tilespmem:$0x13C20] =	vst v63  }
0x23f: {  	s19 =	sshrl.u32 @!p1 s25, $0x2  }
0x240: {  	s5 =	sadd.s32 @!p1 s7, s5;
	s19 =	sor.u32 @!p1 $0xBA00, s19  }
0x241: {  	[tilespmem:s19], [sflag:$0x1] =	stream.linear.gather @!p1 [hbm4b:s5+s20], $0x100, $0x38;
	[tilespmem:$0x13C20] =	vst v63  }
0x242: {  	s29 =	sshll.u32 s1, $0xE;
	p1 =	sne.s32 s24, $0x19  }
.Ltmp1:
0x243: {  	s1 =	sadd.s32 s16, s29;
	(pc) =	sbr.rel @p1 .LBB2_2-.Ltmp1, $4  }
0x244: {  	s1 =	sshrl.u32 s1, $0x3  }
0x245: {  	s1 =	sadd.s32 s2, s1  }
0x246: {  	[hbm4b:s1+s3] =	stream.linear.scatter [tilespmem:s26], [sflag:$0x3], $0x4000, $0x38;
	[tilespmem:$0x13C20] =	vst v63  }
0x247: {  	p0 =	por !p0, !p0;
	s1 =	smov.u32 s24  }
0x248: {  	s0 =	sadd.s32 $0x1, s0  }
0x249: {  	_ =	swait.ge [sflag:s31], $0x4000;
	p0 =	sne.s32 s0, s17  }
.Ltmp2:
0x24a: {  	[sflag:s31] =	ssyncset.done $0x0;
	(pc) =	sbr.rel @p0 .LBB2_1-.Ltmp2, $4  }
0x24b: {  	[sflag:s31] =	ssyncadd.s32 $0xFFFFC000  }
0x24c: {  	_ =	swait.ge [sflag:s31], $0x4000  }
0x24d: {  	[sflag:s31] =	ssyncset.done $0x0  }
0x24e: {  	[sflag:s31] =	ssyncadd.s32 $0xFFFFC000  }
0x24f: {  	_ =	sfence.sel $0x180000  }
0x250: {  	[bflag:$0x0] =	sbarrier.arrive $0xFFFF  }
0x251: {  	_ =	strace $0x90000047  }
0x252: {  	s0 =	stileid.u32;
	[bflag:$0x2] =	sbarrier.arrive $0xFFFF  }
0x253: {  	p0 =	sne.s32 s0, $0x0;
	s0 =	rddreg [dreg:$0x2]  }
0x254: {  	s0 =	sadd.s32 @!p0 $0x100000, s0  }
0x255: {  	[sflag:s0] =	ssyncadd.tile.s32 @!p0 $0x1;
	_ =	shalt  }
.Lfunc_end2:
_tile_overlayer_lowered:
.L_overlay_start_2:
0x256: {  	(tag) =	ssettag $0x2  }
0x257: {  	s0 =	rddreg [dreg:$0x0];
	s2 =	stileid.u32  }
0x258: {  	s1 =	rddreg [dreg:$0x1];
	p0 =	sne.s32 s2, $0x0  }
0x259: {  	s3 =	rddreg [dreg:$0x2];
	[bflag:$0x3] =	sbarrier.arrive $0xFFFF;
	s2 =	simm.s32 @!p0 $0x1C04  }
0x25a: {  	[timem:s3], [sflag:s2] =	dma.local @!p0 [hbm:s0], s1  }
0x25b: {  	s0 =	simm.s32 @!p0 $0x4  }
0x25c: {  	_ =	swait.ge @!p0 [sflag:s0], s1  }
0x25d: {  	s1 =	ssub.s32 @!p0 $0x0, s1;
	[sflag:s0] =	ssyncset.done @!p0 $0x0  }
0x25e: {  	[sflag:s0] =	ssyncadd.s32 @!p0 s1  }
0x25f: {  	[bflag:$0x3] =	sbarrier.arrive $0xFFFF  }
0x260: {  	_ =	shalt  }

// kernel: sparse-core-data-format-call.cloned.1.call-start
scs
called_computation_lowered:
.L_overlay_start_0:
0x0: {  	s2 =	sld [smem:$0x3FD9]  }
0x1: {  	s3 =	sld [smem:$0x3FFE];
	_ =	sdelay $0x1  }
0x2: {  	s1 =	srdreg.scid  }
0x3: {  	s0 =	sand.u32 $0x1, s1  }
0x4: {  	s18 =	sshll.u32 s0, $0xA;
	s2 =	sadd.s32 s3, s2  }
0x5: {  	s2 =	sadd.s32 s2, s18  }
0x6: {  	[smem:$0x3FBC] =	sst s2  }
0x7: {  	_ = 	snop  }
0x8: {  	s2 =	sld [smem:$0x3FD0];
	(tm) =	ssettm $0x1  }
0x9: {  	s19 =	sld [smem:$0x3FFB];
	_ =	sdelay $0x3  }
0xa: {  	_ =	strace s19  }
0xb: {  	s3 =	sld [smem:$0x3FFC];
	_ =	sdelay $0x3  }
0xc: {  	_ =	strace s3  }
0xd: {  	s3 =	sld [smem:$0x3FFD];
	_ =	sdelay $0x3  }
0xe: {  	_ =	strace s3  }
0xf: {  	_ =	strace $0x8FFFFFFF  }
0x10: {  	s20 =	sld [smem:$0x3FDB];
	_ =	sdelay $0x1  }
0x11: {  	s4 =	simm.s32 $_scs_section_size  }
0x12: {  	s5 =	simm.s32 $_size__tile_overlayer_lowered;
	s6 =	simm.s32 $_tile_overlayer_lowered  }
0x13: {  	s23 =	simm.s32 $0x1BFF;
	s22 =	sshll.u32 s6, $0x1;
	s3 =	sadd.s32 s4, s20  }
0x14: {  	s7 =	simm.s32 $0x0;
	s21 =	sshll.u32 s5, $0x1;
	s5 =	sadd.s32 s22, s3  }
0x15: {  	[timem:s7], [sflag:s23] =	dma.local [hbm:s5], s21  }
0x16: {  	_ =	swait.ge [sflag:s23], s21  }
0x17: {  	s4 =	ssub.s32 $0x0, s21;
	[sflag:s23] =	ssyncset.done $0x0  }
0x18: {  	[sflag:s23] =	ssyncadd.s32 s4;
	_ =	sdelay $0x1  }
0x19: {  	s24 =	simm.s32 $0x1B8B  }
0x1a: {  	_ =	swait.ge [sflag:s24], $0x1  }
0x1b: {  	[sflag:s24] =	ssyncset.done $0x0  }
0x1c: {  	s26 =	simm.s32 $0x1B8E;
	s25 =	sld [smem:$0x3FFE];
	[sflag:s24] =	ssyncadd.s32 $0xFFFFFFFF  }
0x1d: {  	s27 =	simm.s32 $execute0_lowered;
	[smem:$0x3FD2] =	sst s26  }
0x1e: {  	s5 =	sshll.u32 s27, $0x1;
	_ =	strace $0x80000049;
	[dreg:$0x1] =	wrdreg $0xFFFFFFFF  }
0x1f: {  	s28 =	simm.s32 $_size_execute0_lowered;
	s3 =	sadd.s32 s3, s5;
	[dreg:$0x0] =	wrdreg $0x0  }
0x20: {  	s5 =	sshll.u32 s28, $0x1;
	[dreg:$0x2] =	wrdreg s3  }
0x21: {  	[dreg:$0x3] =	wrdreg s5  }
0x22: {  	[dreg:$0x4] =	wrdreg $0xC0  }
0x23: {  	_ =	task [dreg:s7], $0x5FFFF  }
0x24: {  	[dreg:$0x1] =	wrdreg $0xFFFFFFFF  }
0x25: {  	[dreg:$0x0] =	wrdreg $0x60  }
0x26: {  	[dreg:$0x2] =	wrdreg s25  }
0x27: {  	[dreg:$0x3] =	wrdreg s2  }
0x28: {  	[dreg:$0x4] =	wrdreg $0x9  }
0x29: {  	_ =	task.clear_ibuf [dreg:s7], $0x5FFFF;
	_ =	strace $0x90000049  }
0x2a: {  	s29 =	simm.s32 $0x9;
	_ =	strace $0x8000004B  }
0x2b: {  	_ =	swait.ge [sflag:s29], $0x1  }
0x2c: {  	[sflag:s29] =	ssyncadd.s32 $0xFFFFFFFF  }
0x2d: {  	_ =	strace $0x9000004B  }
0x2e: {  	_ =	sfence  }
0x2f: {  	s30 =	sld [smem:$0x0];
	_ =	sdelay $0x2  }
0x30: {  	s31 =	sshll.u32 s1, $0xD;
	s1 =	sshrl.u32 s1, $0x2  }
0x31: {  	s3 =	sand.u32 $0x4000, s31;
	s1 =	sadd.s32 s1, s30  }
0x32: {  	s0 =	sor.u32 s3, s0;
	s1 =	sshll.u32 s1, $0x11  }
0x33: {  	s0 =	sor.u32 s1, s0  }
0x34: {  	s0 =	sadd.s32 $0x8F2B, s0  }
0x35: {  	[sflag:s0] =	ssyncadd.remote.s32 $0x1  }
0x36: {  	_ =	sfence.sel $0xFFFF  }
0x37: {  	[dreg:$0x0] =	wrdreg $0xFFFFFFFF;
	(pc) =	sbr.abs _section_cstart, $3  }
0x38: {  	[dreg:$0x1] =	wrdreg $0xFFFFFFFF  }
0x39: {  	_ =	task.clear_ibuf [dreg:s7], $0x2FFFF;
	_ =	strace $0x9FFFFFFF  }
0x3a: {  	(tm) =	ssettm $0x7FFFFFFF  }
0x3b: {  	_ =	shalt  }
tec
execute0_lowered:
.L_overlay_start_1:
0x0: {  	(tag) =	ssettag $0x1  }
0x1: {  	s0 =	stileid.u32;
	s6 =	rddreg [dreg:$0x0]  }
0x2: {  	s2 =	rddreg [dreg:$0x1];
	s5 =	srdreg.scid  }
0x3: {  	s31 =	simm.s32 $0x2;
	s13 =	simm.s32 $0x0;
	s1 =	sshll.u32 s0, $0x7  }
0x4: {  	s14 =	simm.s32 $0x0;
	s12 =	simm.s32 $0x0;
	s3 =	sand.u32 $0x380, s1  }
0x5: {  	s5 =	sshll.u32 s5, $0x4;
	s6 =	sadd.s32 $0xE00, s6;
	s4 =	ssub.s32 $0x400, s3  }
0x6: {  	s1 =	rddreg [dreg:$0x2];
	_ =	strace $0x8000004A;
	s7 =	sand.u32 $0x380, s4  }
0x7: {  	s5 =	sand.u32 $0x10, s5;
	p0 =	sne.s32 s7, $0x0;
	s7 =	simm.s32 $0x1  }
.Ltmp0:
0x8: {  	s8 =	sshrl.u32 s4, $0xA;
	s7 =	simm.s32 @!p0 $0x0;
	(pc) =	sbr.rel .LBB1_1-.Ltmp0, $4  }
0x9: {  	s9 =	sor.u32 s0, s5;
	s4 =	simm.s32 $0x1;
	s30 =	sadd.s32 s7, s8  }
0xa: {  	s11 =	smov.u32 s3;
	[sflag:s4] =	ssyncpa.u1 $0x0;
	s5 =	smul.u32 $0x32, s30  }
0xb: {  	[sflag:s31] =	ssyncpa.u1 $0x0;
	p0 =	por $0x0, $0x0;
	s7 =	sshrl.u32 s9, $0x3  }
0xc: {  	s9 =	simm.s32 $0x2000;
	s10 =	smov.u32 s7;
	s8 =	sor.u32 $0x1, s5  }
.LBB1_4:
0xd: {  	s17 =	sand.u32 $0x1F80, s14;
	s13 =	sshll.u32 s13, $0xD  }
0xe: {  	[tilespmem:s16+$0x810 ss:$0x81] =	vst.msk $0xffff, v2;
	s18 =	sshrl.u32 s14, $0x3;
	s31 =	sand.u32 $0x7, s14;
	s17 =	sadd.s32 s2, s17  }
0xf: {  	[tilespmem:s16+$0x1020 ss:$0x81] =	vst.msk $0xffff, v0;
	s18 =	sand.u32 $0xF, s18;
	s14 =	sshll.u32 s31, $0x12;
	s13 =	sadd.s32 s13, s17  }
0x10: {  	[tilespmem:s16+$0x0 ss:$0x81] =	vst.msk $0xffff, v1;
	s14 =	sor.u32 $0x400, s14;
	s13 =	sadd.s32 s18, s13  }
0x11: {  	[hbm4b:s13+s14] =	stream.strided.scatter [tilespmem:s15], [sflag:$0x2], $0x2000, s9, s14, $0x20;
	[tilespmem:$0x8080] =	vst v63  }
.LBB1_5:
0x12: {  	s15 =	sadd.s32 $0x4, s10  }
0x13: {  	s13 =	sadd.s32 $0x400, s11;
	s17 =	smov.u32 s11;
	p2 =	sgt.s32 s15, $0xC7  }
0x14: {  	s17 =	smov.u32 @p2 s13  }
0x15: {  	s15 =	smov.u32 @p2 s7;
	p2 =	sgt.s32 s17, $0x3FF  }
0x16: {  	s17 =	smov.u32 @p2 s3;
	p2 =	sne.s32 s12, s8  }
.Ltmp1:
0x17: {  	p1 =	slt.u32 s12, $0x2;
	(pc) =	sbr.rel @!p2 .LBB1_6-.Ltmp1, $4  }
0x18: {  	s16 =	simm.s32 @!p1 $0x2  }
0x19: {  	s14 =	smov.u32 s11;
	p0 =	por !p0, !p0;
	_ =	swait.ge @!p1 [sflag:s16], $0x2000  }
0x1a: {  	s13 =	smov.u32 s10;
	[sflag:s16] =	ssyncset.done @!p1 $0x0;
	s10 =	smov.u32 s15  }
0x1b: {  	s12 =	sadd.s32 $0x1, s12;
	[sflag:s16] =	ssyncadd.s32 @!p1 $0xFFFFE000;
	s11 =	smov.u32 s17  }
.LBB1_1:
0x1c: {  	p1 =	sge.u32 s12, s5  }
0x1d: {  	s15 =	sand.u32 @!p1 $0x1FFFFFF, s10  }
0x1e: {  	s16 =	smulhi.u32 @!p1 $0x147AE15, s15;
	_ =	sdelay $0x1  }
0x1f: {  	s16 =	smul.u32 @!p1 $0xC8, s16  }
0x20: {  	s17 =	sxor.u32 @!p1 $0xFFFFFFFF, s12;
	s18 =	smul.u32 @!p1 $0xC80, s11  }
0x21: {  	s31 =	sadd.s32 $0xFFFFFFFF, s12;
	s17 =	sshll.u32 @!p1 s17, $0xD;
	s15 =	ssub.s32 @!p1 s15, s16  }
0x22: {  	s16 =	sand.u32 @!p1 $0x2000, s17;
	s17 =	sadd.s32 @!p1 s6, s18;
	s15 =	sshll.u32 @!p1 s15, $0x4  }
0x23: {  	s18 =	simm.s32 @!p1 $0x6400;
	s15 =	sadd.s32 @!p1 s15, s17;
	s17 =	simm.s32 @!p1 $0x40  }
0x24: {  	[tilespmem:s16], [sflag:$0x1] =	stream.strided.gather @!p1 [hbm4b:s15+s17], $0x2000, s18, s17, $0x38;
	[tilespmem:$0x8080] =	vst v63  }
0x25: {  	p1 =	sge.u32 s31, s5  }
.Ltmp2:
0x26: {  	_ = 	snop;
	(pc) =	sbr.rel @p1 .LBB1_5-.Ltmp2, $1  }
0x27: {  	_ =	sdelay $0x3  }
0x28: {  	s15 =	simm.s32 $0x1  }
0x29: {  	_ =	swait.ge [sflag:s4], $0x2000;
	s15 =	simm.s32 @!p0 $0x0  }
0x2a: {  	[sflag:s4] =	ssyncset.done $0x0;
	s16 =	sshll.u32 s15, $0xD  }
0x2b: {  	[sflag:s4] =	ssyncadd.s32 $0xFFFFE000;
	s19 =	sor.u32 $0x20, s16  }
0x2c: {  	s15 =	smul.u32 $0x8100, s15;
	v3 =	vld [tilespmem:s19+$0x10]  }
0x2d: {  	s30 =	sand.u32 $0x1, s12;
	v2 =	vld [tilespmem:s19+$0xFFFFFFF0]  }
0x2e: {  	s16 =	smul.u32 $0x8100, s30;
	s15 =	sshrl.u32 s15, $0x2;
	v0 =	vld [tilespmem:s19+$0x0]  }
0x2f: {  	v1 =	vld [tilespmem:s19+$0xFFFFFFE0];
	s17 =	sor.u32 $0x4000, s15  }
0x30: {  	s31 =	sshrl.u32 s16, $0x2;
	s16 =	sadd.s32 $0x0, s17  }
0x31: {  	s18 =	simm.s32 $0x4;
	s19 =	sadd.s32 $0x40, s19;
	s15 =	sor.u32 $0x4000, s31;
	[tilespmem:s16+$0x1830 ss:$0x81] =	vst.msk $0xffff, v3  }
.LBB1_3:
0x32: {  	v3 =	vld [tilespmem:s19+$0x10];
	p1 =	sne.s32 s18, $0x1FC;
	[tilespmem:s16+$0x810 ss:$0x81] =	vst.msk $0xffff, v2;
	s20 =	smov.u32 s18;
	s18 =	sadd.s32 $0x4, s18  }
.Ltmp3:
0x33: {  	v2 =	vld [tilespmem:s19+$0xFFFFFFF0];
	[tilespmem:s16+$0x1020 ss:$0x81] =	vst.msk $0xffff, v0;
	(pc) =	sbr.rel @p1 .LBB1_3-.Ltmp3, $4  }
0x34: {  	v0 =	vld [tilespmem:s19+$0x0];
	[tilespmem:s16+$0x0 ss:$0x81] =	vst.msk $0xffff, v1  }
0x35: {  	s16 =	sshra.s32 s20, $0x2;
	v1 =	vld [tilespmem:s19+$0xFFFFFFE0]  }
0x36: {  	s16 =	sadd.s32 s16, s17  }
0x37: {  	s19 =	sadd.s32 $0x40, s19;
	[tilespmem:s16+$0x1830 ss:$0x81] =	vst.msk $0xffff, v3  }
.Ltmp4:
0x38: {  	_ = 	snop;
	(pc) =	sbr.rel .LBB1_4-.Ltmp4, $1  }
0x39: {  	_ =	sdelay $0x3  }
.LBB1_6:
0x3a: {  	_ =	sfence.sel $0x180000  }
0x3b: {  	s2 =	simm.s32 $0x1;
	[bflag:$0x0] =	sbarrier.arrive $0xFFFF  }
0x3c: {  	s31 =	simm.s32 $0x2;
	[sflag:s2] =	ssyncpa.u1 $0x1  }
0x3d: {  	[sflag:s31] =	ssyncpa.u1 $0x1  }
0x3e: {  	p0 =	sne.s32 s0, $0x0;
	_ =	strace $0x9000004A  }
0x3f: {  	s0 =	sadd.s32 @!p0 $0x100000, s1;
	[bflag:$0x2] =	sbarrier.arrive $0xFFFF  }
0x40: {  	[sflag:s0] =	ssyncadd.tile.s32 @!p0 $0x1;
	_ =	shalt  }
.Lfunc_end1:
_tile_overlayer_lowered:
.L_overlay_start_2:
0x41: {  	(tag) =	ssettag $0x2  }
0x42: {  	s0 =	rddreg [dreg:$0x0];
	s2 =	stileid.u32  }
0x43: {  	s1 =	rddreg [dreg:$0x1];
	p0 =	sne.s32 s2, $0x0  }
0x44: {  	s3 =	rddreg [dreg:$0x2];
	[bflag:$0x3] =	sbarrier.arrive $0xFFFF;
	s2 =	simm.s32 @!p0 $0x1C01  }
0x45: {  	[timem:s3], [sflag:s2] =	dma.local @!p0 [hbm:s0], s1  }
0x46: {  	s0 =	simm.s32 @!p0 $0x1  }
0x47: {  	_ =	swait.ge @!p0 [sflag:s0], s1  }
0x48: {  	s1 =	ssub.s32 @!p0 $0x0, s1;
	[sflag:s0] =	ssyncset.done @!p0 $0x0  }
0x49: {  	[sflag:s0] =	ssyncadd.s32 @!p0 s1  }
0x4a: {  	[bflag:$0x3] =	sbarrier.arrive $0xFFFF  }
0x4b: {  	_ =	shalt  }

</sc_bundles>
